<compile_context>
chip_gen: v7x
topology: tpu7x:2x2x1
jax: 0.10.2.dev20260603
libtpu: 0.0.44.dev20260713+nightly
codegen_flags: <defaults>
</compile_context>

<pallas_src>
import jax
import jax.numpy as jnp
from jax import lax
from jax.experimental import pallas as pl
from jax.experimental.pallas import tpu as pltpu
from jax.experimental.pallas import tpu_sc as plsc

N = 10000
E = 160000
C = 256
NP = 10240
NT = 32
NPT = NP // NT
L = 16

CHUNK = 2000
NCHUNK = E // CHUNK
FLUSH = 2048
CB = FLUSH + 2080
CAP = 162240

MCH = 320
GB = 64
NB = MCH // GB
DEPTH = 3
CW = C // 2


def _mesh():
    return plsc.VectorSubcoreMesh(core_axis_name="c", subcore_axis_name="s")


def _wid():
    return lax.axis_index("s") * 2 + lax.axis_index("c")


def _partition_body(rowe_hbm, cole_hbm, ew_hbm, rows_hbm, cols_hbm,
                    ews_hbm, cnt_hbm, deg_hbm, row_in0, row_in1,
                    col_in0, col_in1, ew_in0, ew_in1,
                    row_cb, col_cb, ew_cb, deg_ln, deg_out, cnt_v,
                    fill_sm, off_sm, sem0, sem1):
    wid = _wid()
    base = wid * NPT
    lanes = lax.iota(jnp.int32, L)
    zf = jnp.zeros((L,), jnp.float32)
    off_sm[0] = 0

    bufs = ((row_in0, col_in0, ew_in0, sem0), (row_in1, col_in1, ew_in1, sem1))

    def issue(c, s):
        o = c * CHUNK
        ri, ci, wi, sem = bufs[s]
        pltpu.async_copy(rowe_hbm.at[pl.ds(o, CHUNK)], ri, sem)
        pltpu.async_copy(cole_hbm.at[pl.ds(o, CHUNK)], ci, sem)
        pltpu.async_copy(ew_hbm.at[pl.ds(o, CHUNK)], wi, sem)

    def wait(c, s):
        o = c * CHUNK
        ri, ci, wi, sem = bufs[s]
        pltpu.make_async_copy(rowe_hbm.at[pl.ds(o, CHUNK)], ri, sem).wait()
        pltpu.make_async_copy(cole_hbm.at[pl.ds(o, CHUNK)], ci, sem).wait()
        pltpu.make_async_copy(ew_hbm.at[pl.ds(o, CHUNK)], wi, sem).wait()

    issue(0, 0)

    def chunk_body(c, fill):
        slot = lax.rem(c, 2)

        @pl.when(c + 1 < NCHUNK)
        def _():
            lax.cond(slot == 0, lambda: issue(c + 1, 1),
                     lambda: issue(c + 1, 0))

        lax.cond(slot == 0, lambda: wait(c, 0), lambda: wait(c, 1))

        def pr(s):
            ri, ci, wi, _sem = bufs[s]

            def gbody(g, fl):
                col16 = ci[pl.ds(g * L, L)]
                row16 = ri[pl.ds(g * L, L)]
                ew16 = wi[pl.ds(g * L, L)]
                m = (col16 >= base) & (col16 < base + NPT)
                plsc.store_compressed(row_cb.at[pl.ds(fl, L)], row16, mask=m)
                plsc.store_compressed(col_cb.at[pl.ds(fl, L)], col16, mask=m)
                plsc.store_compressed(ew_cb.at[pl.ds(fl, L)], ew16, mask=m)
                return fl + jnp.sum(m.astype(jnp.int32))
            return plsc.parallel_loop(0, CHUNK // L, unroll=2,
                                       carry=fill)(gbody)

        fill = lax.cond(slot == 0, lambda: pr(0), lambda: pr(1))

        @pl.when(fill >= FLUSH)
        def _():
            oo = off_sm[0]
            pltpu.sync_copy(row_cb.at[pl.ds(0, FLUSH)],
                            rows_hbm.at[pl.ds(pl.multiple_of(wid * CAP + oo, 64), FLUSH)])
            pltpu.sync_copy(col_cb.at[pl.ds(0, FLUSH)],
                            cols_hbm.at[pl.ds(pl.multiple_of(wid * CAP + oo, 64), FLUSH)])
            pltpu.sync_copy(ew_cb.at[pl.ds(0, FLUSH)],
                            ews_hbm.at[pl.ds(pl.multiple_of(wid * CAP + oo, 64), FLUSH)])
            r = fill - FLUSH

            def mv(k, _):
                row_cb[pl.ds(k * L, L)] = row_cb[pl.ds(FLUSH + k * L, L)]
                col_cb[pl.ds(k * L, L)] = col_cb[pl.ds(FLUSH + k * L, L)]
                ew_cb[pl.ds(k * L, L)] = ew_cb[pl.ds(FLUSH + k * L, L)]
                return 0
            lax.fori_loop(0, (r + L - 1) // L, mv, 0)
            off_sm[0] = oo + FLUSH
        return jnp.where(fill >= FLUSH, fill - FLUSH, fill)

    fill = lax.fori_loop(0, NCHUNK, chunk_body, 0)

    pad = lax.rem(64 - lax.rem(fill, 64), 64)
    zi = jnp.zeros((L,), jnp.int32)
    bv = jnp.full((L,), 1, jnp.int32) * base
    for k in range(4):
        row_cb[pl.ds(fill + k * L, L)] = zi
        col_cb[pl.ds(fill + k * L, L)] = bv
        ew_cb[pl.ds(fill + k * L, L)] = zf
    fill = fill + pad

    def fbody(i, _):
        oo = off_sm[0]
        pltpu.sync_copy(row_cb.at[pl.ds(i * 64, 64)],
                        rows_hbm.at[pl.ds(pl.multiple_of(wid * CAP + oo + i * 64, 64), 64)])
        pltpu.sync_copy(col_cb.at[pl.ds(i * 64, 64)],
                        cols_hbm.at[pl.ds(pl.multiple_of(wid * CAP + oo + i * 64, 64), 64)])
        pltpu.sync_copy(ew_cb.at[pl.ds(i * 64, 64)],
                        ews_hbm.at[pl.ds(pl.multiple_of(wid * CAP + oo + i * 64, 64), 64)])
        return 0
    lax.fori_loop(0, fill // 64, fbody, 0)
    total = off_sm[0] + fill

    cnt_v[...] = jnp.broadcast_to(total, (L,)).astype(jnp.int32)
    pltpu.sync_copy(cnt_v, cnt_hbm.at[pl.ds(pl.multiple_of(wid * L, L), L)])

    def dz(j, _):
        deg_ln[pl.ds(j * L, L)] = zf
        return 0
    lax.fori_loop(0, (L * NPT) // L, dz, 0)

    ndc = lax.div(total + (CHUNK - 1), CHUNK)

    def dchunk(c, _):
        co = pl.multiple_of(wid * CAP + c * CHUNK, 16)
        pltpu.sync_copy(cols_hbm.at[pl.ds(co, CHUNK)], col_in0)
        pltpu.sync_copy(ews_hbm.at[pl.ds(co, CHUNK)], ew_in0)

        def dg(g, _):
            gi = c * CHUNK + g * L + lanes
            valid = gi < total
            cl = col_in0[pl.ds(g * L, L)] - base
            cl = jnp.minimum(jnp.maximum(cl, 0), NPT - 1)
            w16 = jnp.where(valid, ew_in0[pl.ds(g * L, L)], 0.0)
            plsc.addupdate_scatter(deg_ln, [lanes * NPT + cl], w16)
            return 0
        lax.fori_loop(0, CHUNK // L, dg, 0)
        return 0
    lax.fori_loop(0, ndc, dchunk, 0)

    for j in range(NPT // L):
        s = jnp.full((L,), 2.0, jnp.float32)
        for l in range(L):
            s = s + deg_ln[pl.ds(l * NPT + j * L, L)]
        deg_out[pl.ds(j * L, L)] = s
    pltpu.sync_copy(deg_out, deg_hbm.at[pl.ds(pl.multiple_of(base, 64), NPT)])


@jax.jit
def _sc_partition(row_e, col_e, edge_weight):
    f = pl.kernel(
        _partition_body,
        out_type=[
            jax.ShapeDtypeStruct((NT * CAP,), jnp.int32),
            jax.ShapeDtypeStruct((NT * CAP,), jnp.int32),
            jax.ShapeDtypeStruct((NT * CAP,), jnp.float32),
            jax.ShapeDtypeStruct((NT * L,), jnp.int32),
            jax.ShapeDtypeStruct((NP,), jnp.float32),
        ],
        mesh=_mesh(),
        compiler_params=pltpu.CompilerParams(needs_layout_passes=False),
        scratch_types=[
            pltpu.VMEM((CHUNK,), jnp.int32),
            pltpu.VMEM((CHUNK,), jnp.int32),
            pltpu.VMEM((CHUNK,), jnp.int32),
            pltpu.VMEM((CHUNK,), jnp.int32),
            pltpu.VMEM((CHUNK,), jnp.float32),
            pltpu.VMEM((CHUNK,), jnp.float32),
            pltpu.VMEM((CB,), jnp.int32),
            pltpu.VMEM((CB,), jnp.int32),
            pltpu.VMEM((CB,), jnp.float32),
            pltpu.VMEM((L * NPT,), jnp.float32),
            pltpu.VMEM((NPT,), jnp.float32),
            pltpu.VMEM((L,), jnp.int32),
            pltpu.SMEM((1,), jnp.int32),
            pltpu.SMEM((1,), jnp.int32),
            pltpu.SemaphoreType.DMA,
            pltpu.SemaphoreType.DMA,
        ],
    )
    return f(row_e, col_e, edge_weight)


def _conv_body(y_hbm, rows_hbm, cols_hbm, ews_hbm, cnt_hbm, dis_hbm,
               msg_hbm, dis_v, cnt_v, row_m, col_m, ew_m, coeff_v, stage,
               acc, msem, gsem0, gsem1, gsem2):
    wid = _wid()
    base = wid * NPT
    lanes = lax.iota(jnp.int32, L)
    gsems = (gsem0, gsem1, gsem2)[:DEPTH]

    def _sel(gs, fns):
        if len(fns) == 1:
            fns[0]()
            return
        lax.cond(gs == 0, fns[0], lambda: _sel2(gs, fns[1:], 1))

    def _sel2(gs, fns, k):
        if len(fns) == 1:
            fns[0]()
            return
        lax.cond(gs == k, fns[0], lambda: _sel2(gs, fns[1:], k + 1))

    pltpu.sync_copy(dis_hbm.at[pl.ds(pl.multiple_of(base, 64), NPT)], dis_v)
    pltpu.sync_copy(cnt_hbm.at[pl.ds(pl.multiple_of(wid * L, L), L)], cnt_v)
    total = cnt_v[...][0]

    zf = jnp.zeros((L,), jnp.float32)

    def zbody(j, _):
        for k in range(C // L):
            acc[j, pl.ds(k * L, L)] = zf
        return 0
    lax.fori_loop(0, NPT, zbody, 0)

    mask_hi = jnp.full((L,), -65536, jnp.int32)

    def _unpack(w16):
        lo = plsc.bitcast(lax.shift_left(w16, 16), jnp.float32)
        hi = plsc.bitcast(w16 & mask_hi, jnp.float32)
        return lo, hi

    def selfb(bb, _):
        pltpu.sync_copy(y_hbm.at[pl.ds(pl.multiple_of(base + bb * 32, 8), 32)],
                        stage.at[pl.ds(0, 32)])

        def sbody(g, _):
            d16 = dis_v[pl.ds(bb * 32 + g * L, L)]
            c16 = 2.0 * d16
            for e in range(L):
                n = g * L + e
                cvec = jnp.broadcast_to(c16[e], (L,))
                ws = [stage[n, pl.ds(j * L, L)] for j in range(CW // L)]
                for j in range(CW // L):
                    lo, hi = _unpack(ws[j])
                    plsc.addupdate(acc.at[bb * 32 + n, pl.ds(2 * j * L, L)],
                                   cvec * lo)
                    plsc.addupdate(
                        acc.at[bb * 32 + n, pl.ds((2 * j + 1) * L, L)],
                        cvec * hi)
            return 0
        lax.fori_loop(0, 2, sbody, 0)
        return 0
    lax.fori_loop(0, NPT // 32, selfb, 0)

    nchunks = lax.div(total + (MCH - 1), MCH)

    def m_issue(ci):
        mo = pl.multiple_of(lax.rem(ci, 2) * MCH, 16)
        co = pl.multiple_of(wid * CAP + ci * MCH, 16)
        pltpu.async_copy(rows_hbm.at[pl.ds(co, MCH)], row_m.at[pl.ds(mo, MCH)], msem)
        pltpu.async_copy(cols_hbm.at[pl.ds(co, MCH)], col_m.at[pl.ds(mo, MCH)], msem)
        pltpu.async_copy(ews_hbm.at[pl.ds(co, MCH)], ew_m.at[pl.ds(mo, MCH)], msem)

    def m_wait(ci):
        mo = pl.multiple_of(lax.rem(ci, 2) * MCH, 16)
        co = pl.multiple_of(wid * CAP + ci * MCH, 16)
        pltpu.make_async_copy(rows_hbm.at[pl.ds(co, MCH)],
                              row_m.at[pl.ds(mo, MCH)], msem).wait()
        pltpu.make_async_copy(cols_hbm.at[pl.ds(co, MCH)],
                              col_m.at[pl.ds(mo, MCH)], msem).wait()
        pltpu.make_async_copy(ews_hbm.at[pl.ds(co, MCH)],
                              ew_m.at[pl.ds(mo, MCH)], msem).wait()

    def coeff_pass(ci):
        mo = lax.rem(ci, 2) * MCH
        co = ci * MCH

        def coefb(g, _):
            gi = co + g * L + lanes
            m = gi < total
            r16 = jnp.where(m, row_m[pl.ds(mo + g * L, L)], 0)
            c16 = jnp.where(m, col_m[pl.ds(mo + g * L, L)], base)
            w16 = jnp.where(m, ew_m[pl.ds(mo + g * L, L)], 0.0)
            dc = plsc.load_gather(dis_v, [c16 - base])
            row_m[pl.ds(mo + g * L, L)] = r16
            col_m[pl.ds(mo + g * L, L)] = c16
            coeff_v[pl.ds(mo + g * L, L)] = w16 * dc
            return 0
        lax.fori_loop(0, MCH // L, coefb, 0)

    def g_issue(ci, b):
        mo = lax.rem(ci, 2) * MCH
        gs = lax.rem(b, DEPTH)
        go = pl.multiple_of(gs * GB, 8)
        idx = row_m.at[pl.ds(mo + b * GB, GB)]

        def go_(k):
            def f():
                pltpu.async_copy(y_hbm.at[idx], stage.at[pl.ds(go, GB)],
                                 gsems[k])
                return None
            return f
        _sel(gs, [go_(k) for k in range(DEPTH)])

    def g_wait(ci, b):
        mo = lax.rem(ci, 2) * MCH
        gs = lax.rem(b, DEPTH)
        go = pl.multiple_of(gs * GB, 8)
        idx = row_m.at[pl.ds(mo + b * GB, GB)]

        def gw_(k):
            def f():
                pltpu.make_async_copy(y_hbm.at[idx], stage.at[pl.ds(go, GB)],
                                      gsems[k]).wait()
                return None
            return f
        _sel(gs, [gw_(k) for k in range(DEPTH)])

    @pl.when(nchunks > 0)
    def _():
        m_issue(0)
        m_wait(0)
        coeff_pass(0)
        for _pb in range(DEPTH - 1):
            g_issue(0, _pb)

    def chunk_body(ci, _):
        @pl.when(ci + 1 < nchunks)
        def _():
            m_issue(ci + 1)

        def batch_body(b, _):
            g_wait(ci, b)

            @pl.when(b + (DEPTH - 1) < NB)
            def _():
                g_issue(ci, b + (DEPTH - 1))

            mo = lax.rem(ci, 2) * MCH
            go = lax.rem(b, DEPTH) * GB

            def ebody(g):
                i0 = mo + b * GB + g * L
                c16 = coeff_v[pl.ds(i0, L)]
                cl16 = col_m[pl.ds(i0, L)] - base
                for e in range(L):
                    cvec = jnp.broadcast_to(c16[e], (L,))
                    cl = cl16[e]
                    ws = [stage[go + g * L + e, pl.ds(j * L, L)]
                          for j in range(CW // L)]
                    for j in range(CW // L):
                        lo, hi = _unpack(ws[j])
                        plsc.addupdate(acc.at[cl, pl.ds(2 * j * L, L)],
                                       cvec * lo)
                        plsc.addupdate(acc.at[cl, pl.ds((2 * j + 1) * L, L)],
                                       cvec * hi)
            plsc.parallel_loop(0, GB // L)(ebody)
            return 0
        lax.fori_loop(0, NB, batch_body, 0)

        @pl.when(ci + 1 < nchunks)
        def _():
            m_wait(ci + 1)
            coeff_pass(ci + 1)
            for _pb in range(DEPTH - 1):
                g_issue(ci + 1, _pb)
        return 0

    lax.fori_loop(0, nchunks, chunk_body, 0)

    pltpu.sync_copy(acc, msg_hbm.at[pl.ds(pl.multiple_of(base, 64), NPT)])


@jax.jit
def _sc_conv(y, rows_s, cols_s, ews_s, counts, dis):
    f = pl.kernel(
        _conv_body,
        out_type=[jax.ShapeDtypeStruct((NP, C), jnp.float32)],
        mesh=_mesh(),
        compiler_params=pltpu.CompilerParams(needs_layout_passes=False),
        scratch_types=[
            pltpu.VMEM((NPT,), jnp.float32),
            pltpu.VMEM((L,), jnp.int32),
            pltpu.VMEM((2 * MCH,), jnp.int32),
            pltpu.VMEM((2 * MCH,), jnp.int32),
            pltpu.VMEM((2 * MCH,), jnp.float32),
            pltpu.VMEM((2 * MCH,), jnp.float32),
            pltpu.VMEM((DEPTH * GB, CW), jnp.int32),
            pltpu.VMEM((NPT, C), jnp.float32),
            pltpu.SemaphoreType.DMA,
            pltpu.SemaphoreType.DMA,
            pltpu.SemaphoreType.DMA,
            pltpu.SemaphoreType.DMA,
        ],
    )
    (msg,) = f(y, rows_s, cols_s, ews_s, counts, dis)
    return msg


def _pack_rows(a, b):
    ai = lax.bitcast_convert_type(a, jnp.int32)
    bi = lax.bitcast_convert_type(b, jnp.int32)
    lo = lax.shift_right_logical(ai + 0x8000, 16)
    hi = (bi + 0x8000) & jnp.int32(-65536)
    return lo | hi


def _tca_body(x_ref, wa_ref, wb_ref, deg_ref, t_ref, wt_ref, bt_ref,
              y_ref, dis_ref, temb_ref):
    d = lax.rsqrt(deg_ref[...])
    a = jnp.dot(x_ref[...], wa_ref[...],
                preferred_element_type=jnp.float32) * d
    b = jnp.dot(x_ref[...], wb_ref[...],
                preferred_element_type=jnp.float32) * d
    y_ref[...] = _pack_rows(a, b)
    dis_ref[...] = d
    temb_ref[...] = jax.nn.relu(
        jnp.dot(t_ref[...], wt_ref[...], preferred_element_type=jnp.float32)
        + bt_ref[...])


@jax.jit
def _tc_a(xp, W1a, W1b, deg2d, t2, Wt, bt2):
    return pl.pallas_call(
        _tca_body,
        grid=(NP // 1024,),
        in_specs=[
            pl.BlockSpec((1024, C), lambda i: (i, 0)),
            pl.BlockSpec((C, CW), lambda i: (0, 0)),
            pl.BlockSpec((C, CW), lambda i: (0, 0)),
            pl.BlockSpec((1024, 1), lambda i: (i, 0)),
            pl.BlockSpec((1, C), lambda i: (0, 0)),
            pl.BlockSpec((C, C), lambda i: (0, 0)),
            pl.BlockSpec((1, C), lambda i: (0, 0)),
        ],
        out_specs=[
            pl.BlockSpec((1024, CW), lambda i: (i, 0)),
            pl.BlockSpec((1024, 1), lambda i: (i, 0)),
            pl.BlockSpec((1, C), lambda i: (0, 0)),
        ],
        out_shape=[
            jax.ShapeDtypeStruct((NP, CW), jnp.int32),
            jax.ShapeDtypeStruct((NP, 1), jnp.float32),
            jax.ShapeDtypeStruct((1, C), jnp.float32),
        ],
    )(xp, W1a, W1b, deg2d, t2, Wt, bt2)


def _ln(z, g, b):
    mu = jnp.mean(z, axis=-1, keepdims=True)
    var = jnp.mean((z - mu) ** 2, axis=-1, keepdims=True)
    return (z - mu) * lax.rsqrt(var + 1e-5) * g + b


def _tcb_body(msg_ref, b1_ref, g1_ref, be1_ref, temb_ref, wa_ref, wb_ref,
              dis_ref, y2_ref):
    z = jax.nn.relu(msg_ref[...] + b1_ref[...])
    h = _ln(z, g1_ref[...], be1_ref[...]) + temb_ref[...]
    d = dis_ref[...]
    a = jnp.dot(h, wa_ref[...], preferred_element_type=jnp.float32) * d
    b = jnp.dot(h, wb_ref[...], preferred_element_type=jnp.float32) * d
    y2_ref[...] = _pack_rows(a, b)


@jax.jit
def _tc_b(msg1, b1r, g1r, be1r, temb, W2a, W2b, dis1):
    return pl.pallas_call(
        _tcb_body,
        grid=(NP // 1024,),
        in_specs=[
            pl.BlockSpec((1024, C), lambda i: (i, 0)),
            pl.BlockSpec((1, C), lambda i: (0, 0)),
            pl.BlockSpec((1, C), lambda i: (0, 0)),
            pl.BlockSpec((1, C), lambda i: (0, 0)),
            pl.BlockSpec((1, C), lambda i: (0, 0)),
            pl.BlockSpec((C, CW), lambda i: (0, 0)),
            pl.BlockSpec((C, CW), lambda i: (0, 0)),
            pl.BlockSpec((1024, 1), lambda i: (i, 0)),
        ],
        out_specs=pl.BlockSpec((1024, CW), lambda i: (i, 0)),
        out_shape=jax.ShapeDtypeStruct((NP, CW), jnp.int32),
    )(msg1, b1r, g1r, be1r, temb, W2a, W2b, dis1)


def _tcc_body(msg_ref, b2_ref, g2_ref, be2_ref, out_ref):
    z = jax.nn.relu(msg_ref[...] + b2_ref[...])
    out_ref[...] = _ln(z, g2_ref[...], be2_ref[...])


@jax.jit
def _tc_c(msg2, b2r, g2r, be2r):
    return pl.pallas_call(
        _tcc_body,
        grid=(NP // 1024,),
        in_specs=[
            pl.BlockSpec((1024, C), lambda i: (i, 0)),
            pl.BlockSpec((1, C), lambda i: (0, 0)),
            pl.BlockSpec((1, C), lambda i: (0, 0)),
            pl.BlockSpec((1, C), lambda i: (0, 0)),
        ],
        out_specs=pl.BlockSpec((1024, C), lambda i: (i, 0)),
        out_shape=jax.ShapeDtypeStruct((NP, C), jnp.float32),
    )(msg2, b2r, g2r, be2r)


def kernel(x, edge_index, edge_weight, t, W1, b1, g1, be1, W2, b2, g2, be2,
           Wt, bt):
    xp = jnp.pad(x, ((0, NP - N), (0, 0)))
    ms = jnp.arange(CW, dtype=jnp.int32)
    sig_a = 32 * (ms // 16) + (ms % 16)
    sig_b = sig_a + 16
    rows_s, cols_s, ews_s, counts, deg = _sc_partition(
        edge_index[0], edge_index[1], edge_weight)
    y1, dis2d, temb = _tc_a(xp, W1[:, sig_a], W1[:, sig_b],
                            deg.reshape(NP, 1), t.reshape(1, C), Wt,
                            bt.reshape(1, C))
    dis = dis2d.reshape(NP)
    msg1 = _sc_conv(y1, rows_s, cols_s, ews_s, counts, dis)
    y2 = _tc_b(msg1, b1.reshape(1, C), g1.reshape(1, C), be1.reshape(1, C),
               temb, W2[:, sig_a], W2[:, sig_b], dis2d)
    msg2 = _sc_conv(y2, rows_s, cols_s, ews_s, counts, dis)
    out = _tc_c(msg2, b2.reshape(1, C), g2.reshape(1, C), be2.reshape(1, C))
    return out[:N]

# --- scband reference (transcript-rebuilt; emitter-appended) ---
"""Pipeline reference for scband-up-block-472446403332 (READ-ONLY COPY).

The authoritative reference and input builder live on the scoring server;
editing this copy changes nothing except your own understanding.
"""

import jax, jax.numpy as jnp
import numpy as np

N = 10000
E = 160000
C = 256
T = 256


def setup_inputs(seed: int = 0) -> dict:
    key = jax.random.key(seed)
    ks = jax.random.split(key, 14)
    x = jax.random.normal(ks[0], (N, C), dtype=jnp.float32)
    edge_index = jax.random.randint(ks[1], (2, E), 0, N, dtype=jnp.int32)
    edge_weight = jax.random.uniform(ks[2], (E,), dtype=jnp.float32)
    t = jax.random.normal(ks[3], (T,), dtype=jnp.float32)
    s = 1.0 / np.sqrt(C)
    W1 = jax.random.normal(ks[4], (C, C), dtype=jnp.float32) * s
    b1 = jnp.zeros((C,), dtype=jnp.float32)
    W2 = jax.random.normal(ks[5], (C, C), dtype=jnp.float32) * s
    b2 = jnp.zeros((C,), dtype=jnp.float32)
    g1 = jnp.ones((C,), dtype=jnp.float32)
    be1 = jnp.zeros((C,), dtype=jnp.float32)
    g2 = jnp.ones((C,), dtype=jnp.float32)
    be2 = jnp.zeros((C,), dtype=jnp.float32)
    Wt = jax.random.normal(ks[6], (T, C), dtype=jnp.float32) * (1.0 / np.sqrt(T))
    bt = jnp.zeros((C,), dtype=jnp.float32)
    return {"x": x, "edge_index": edge_index, "edge_weight": edge_weight, "t": t,
            "W1": W1, "b1": b1, "g1": g1, "be1": be1,
            "W2": W2, "b2": b2, "g2": g2, "be2": be2,
            "Wt": Wt, "bt": bt}


def _layer_norm(h, g, b, eps=1e-5):
    mu = jnp.mean(h, axis=-1, keepdims=True)
    var = jnp.mean((h - mu) ** 2, axis=-1, keepdims=True)
    return (h - mu) / jnp.sqrt(var + eps) * g + b


def _gcn_conv(h, edge_index, edge_weight, W, b):
    # GCNConv with improved=True: A_hat = A + 2I, sym normalization
    h = h @ W
    row = edge_index[0]
    col = edge_index[1]
    loop = jnp.arange(N, dtype=edge_index.dtype)
    row2 = jnp.concatenate([row, loop])
    col2 = jnp.concatenate([col, loop])
    ew2 = jnp.concatenate([edge_weight, 2.0 * jnp.ones((N,), dtype=edge_weight.dtype)])
    deg = jax.ops.segment_sum(ew2, col2, num_segments=N)
    deg_inv_sqrt = jnp.where(deg > 0, deg ** -0.5, 0.0)
    norm = deg_inv_sqrt[row2] * ew2 * deg_inv_sqrt[col2]
    msg = h[row2] * norm[:, None]
    out = jax.ops.segment_sum(msg, col2, num_segments=N)
    return out + b


def reference(x, edge_index, edge_weight, t, W1, b1, g1, be1, W2, b2, g2, be2, Wt, bt):
    h = _layer_norm(jax.nn.relu(_gcn_conv(x, edge_index, edge_weight, W1, b1)), g1, be1)
    h = h + jax.nn.relu(t @ Wt + bt)
    h = _layer_norm(jax.nn.relu(_gcn_conv(h, edge_index, edge_weight, W2, b2)), g2, be2)
    return h

if __name__ == "__main__":
    import jax
    _d = setup_inputs()
    print(jax.jit(kernel)(*tuple(_d.values())))

</pallas_src>

<mosaic_0001>
#map = affine_map<(d0, d1) -> (0)>
module attributes {stable_mosaic.version = 14 : i64} {
  func.func @_partition_body(%arg0: i32, %arg1: i32, %arg2: memref<160000xi32, #tpu.memory_space<hbm>>, %arg3: memref<160000xi32, #tpu.memory_space<hbm>>, %arg4: memref<160000xf32, #tpu.memory_space<hbm>>, %arg5: memref<5191680xi32, #tpu.memory_space<hbm>>, %arg6: memref<5191680xi32, #tpu.memory_space<hbm>>, %arg7: memref<5191680xf32, #tpu.memory_space<hbm>>, %arg8: memref<512xi32, #tpu.memory_space<hbm>>, %arg9: memref<10240xf32, #tpu.memory_space<hbm>>, %arg10: memref<2000xi32, #tpu.memory_space<vmem>>, %arg11: memref<2000xi32, #tpu.memory_space<vmem>>, %arg12: memref<2000xi32, #tpu.memory_space<vmem>>, %arg13: memref<2000xi32, #tpu.memory_space<vmem>>, %arg14: memref<2000xf32, #tpu.memory_space<vmem>>, %arg15: memref<2000xf32, #tpu.memory_space<vmem>>, %arg16: memref<4128xi32, #tpu.memory_space<vmem>>, %arg17: memref<4128xi32, #tpu.memory_space<vmem>>, %arg18: memref<4128xf32, #tpu.memory_space<vmem>>, %arg19: memref<5120xf32, #tpu.memory_space<vmem>>, %arg20: memref<320xf32, #tpu.memory_space<vmem>>, %arg21: memref<16xi32, #tpu.memory_space<vmem>>, %arg22: memref<1xi32, #tpu.memory_space<smem>>, %arg23: memref<1xi32, #tpu.memory_space<smem>>, %arg24: memref<!tpu.dma_semaphore, #tpu.memory_space<semaphore_mem>>, %arg25: memref<!tpu.dma_semaphore, #tpu.memory_space<semaphore_mem>>) attributes {dimension_semantics = [#tpu.dimension_semantics<core_parallel>, #tpu.dimension_semantics<subcore_parallel>], iteration_bounds = array<i64: 2, 16>, scalar_prefetch = 0 : i64, scratch_operands = 16 : i64, tpu.core_type = #tpu.core_type<sc_vector_subcore>, window_params = [{transform_indices = #map}, {transform_indices = #map}, {transform_indices = #map}, {transform_indices = #map}, {transform_indices = #map}, {transform_indices = #map}, {transform_indices = #map}, {transform_indices = #map}]} {
    %mul3A = arith.constant 2 : i32
    %mul3A_0 = arith.muli %arg1, %mul3A : i32
    %add3A = arith.addi %mul3A_0, %arg0 : i32
    %mul3A_1 = arith.constant 320 : i32
    %mul3A_2 = arith.muli %add3A, %mul3A_1 : i32
    %iota3A = tpu.iota {dimensions = array<i32: 0>} : vector<16xi32>
    %broadcast_in_dim3A = arith.constant 0.000000e+00 : f32
    %broadcast_in_dim3A_3 = vector.broadcast %broadcast_in_dim3A : f32 to vector<16xf32>
    %swap3A = arith.constant 0 : i32
    %swap3A_4 = arith.constant 0 : i32
    %swap3A_5 = arith.index_cast %swap3A_4 : i32 to index
    %swap3A_6 = memref.load %arg23[%swap3A_5] : memref<1xi32, #tpu.memory_space<smem>>
    memref.store %swap3A, %arg23[%swap3A_5] : memref<1xi32, #tpu.memory_space<smem>>
    %dma_start3A = arith.constant 0 : i32
    %dma_start3A_7 = tpu.memref_slice %arg2[%dma_start3A] : memref<160000xi32, #tpu.memory_space<hbm>> -> memref<2000xi32, #tpu.memory_space<hbm>>
    %dma_start3A_8 = arith.constant 0 : i32
    %dma_start3A_9 = tpu.memref_slice %arg2[%dma_start3A_8] : memref<160000xi32, #tpu.memory_space<hbm>> -> memref<2000xi32, #tpu.memory_space<hbm>>
    tpu.enqueue_dma source(%dma_start3A_9 : memref<2000xi32, #tpu.memory_space<hbm>>) target(%arg10 : memref<2000xi32, #tpu.memory_space<vmem>>) target_semaphore(%arg24 : memref<!tpu.dma_semaphore, #tpu.memory_space<semaphore_mem>>)
    %dma_start3A_10 = arith.constant 0 : i32
    %dma_start3A_11 = tpu.memref_slice %arg3[%dma_start3A_10] : memref<160000xi32, #tpu.memory_space<hbm>> -> memref<2000xi32, #tpu.memory_space<hbm>>
    %dma_start3A_12 = arith.constant 0 : i32
    %dma_start3A_13 = tpu.memref_slice %arg3[%dma_start3A_12] : memref<160000xi32, #tpu.memory_space<hbm>> -> memref<2000xi32, #tpu.memory_space<hbm>>
    tpu.enqueue_dma source(%dma_start3A_13 : memref<2000xi32, #tpu.memory_space<hbm>>) target(%arg12 : memref<2000xi32, #tpu.memory_space<vmem>>) target_semaphore(%arg24 : memref<!tpu.dma_semaphore, #tpu.memory_space<semaphore_mem>>)
    %dma_start3A_14 = arith.constant 0 : i32
    %dma_start3A_15 = tpu.memref_slice %arg4[%dma_start3A_14] : memref<160000xf32, #tpu.memory_space<hbm>> -> memref<2000xf32, #tpu.memory_space<hbm>>
    %dma_start3A_16 = arith.constant 0 : i32
    %dma_start3A_17 = tpu.memref_slice %arg4[%dma_start3A_16] : memref<160000xf32, #tpu.memory_space<hbm>> -> memref<2000xf32, #tpu.memory_space<hbm>>
    tpu.enqueue_dma source(%dma_start3A_17 : memref<2000xf32, #tpu.memory_space<hbm>>) target(%arg14 : memref<2000xf32, #tpu.memory_space<vmem>>) target_semaphore(%arg24 : memref<!tpu.dma_semaphore, #tpu.memory_space<semaphore_mem>>)
    %scan3A = arith.constant 0 : i32
    %scan3A_18 = arith.constant 0 : i32
    %scan3A_19 = arith.constant 80 : i32
    %scan3A_20 = arith.addi %scan3A_18, %scan3A_19 : i32
    %scan3A_21 = arith.constant 1 : i32
    %scan3A_22 = scf.for %scan3A_1184 = %scan3A_18 to %scan3A_20 step %scan3A_21 iter_args(%scan3A_1185 = %scan3A) -> (i32)  : i32 {
      %rem3A_1186 = arith.constant 2 : i32
      %rem3A_1187 = arith.remsi %scan3A_1184, %rem3A_1186 : i32
      %add3A_1188 = arith.constant 1 : i32
      %add3A_1189 = arith.addi %scan3A_1184, %add3A_1188 : i32
      %lt3A = arith.constant 80 : i32
      %lt3A_1190 = arith.cmpi slt, %add3A_1189, %lt3A : i32
      %convert_element_type3A = arith.extui %lt3A_1190 : i1 to i32
      %cond3A = arith.constant 0 : i32
      %cond3A_1191 = arith.cmpi ne, %convert_element_type3A, %cond3A : i32
      scf.if %cond3A_1191 {
        %eq3A_1211 = arith.constant 0 : i32
        %eq3A_1212 = arith.cmpi eq, %rem3A_1187, %eq3A_1211 : i32
        %convert_element_type3A_1213 = arith.extui %eq3A_1212 : i1 to i32
        %cond3A_1214 = arith.constant 0 : i32
        %cond3A_1215 = arith.cmpi ne, %convert_element_type3A_1213, %cond3A_1214 : i32
        scf.if %cond3A_1215 {
          %add3A_1216 = arith.constant 1 : i32
          %add3A_1217 = arith.addi %scan3A_1184, %add3A_1216 : i32
          %mul3A_1218 = arith.constant 2000 : i32
          %mul3A_1219 = arith.muli %add3A_1217, %mul3A_1218 : i32
          %dma_start3A_1220 = tpu.memref_slice %arg2[%mul3A_1219] : memref<160000xi32, #tpu.memory_space<hbm>> -> memref<2000xi32, #tpu.memory_space<hbm>>
          %dma_start3A_1221 = tpu.memref_slice %arg2[%mul3A_1219] : memref<160000xi32, #tpu.memory_space<hbm>> -> memref<2000xi32, #tpu.memory_space<hbm>>
          tpu.enqueue_dma source(%dma_start3A_1221 : memref<2000xi32, #tpu.memory_space<hbm>>) target(%arg11 : memref<2000xi32, #tpu.memory_space<vmem>>) target_semaphore(%arg25 : memref<!tpu.dma_semaphore, #tpu.memory_space<semaphore_mem>>)
          %dma_start3A_1222 = tpu.memref_slice %arg3[%mul3A_1219] : memref<160000xi32, #tpu.memory_space<hbm>> -> memref<2000xi32, #tpu.memory_space<hbm>>
          %dma_start3A_1223 = tpu.memref_slice %arg3[%mul3A_1219] : memref<160000xi32, #tpu.memory_space<hbm>> -> memref<2000xi32, #tpu.memory_space<hbm>>
          tpu.enqueue_dma source(%dma_start3A_1223 : memref<2000xi32, #tpu.memory_space<hbm>>) target(%arg13 : memref<2000xi32, #tpu.memory_space<vmem>>) target_semaphore(%arg25 : memref<!tpu.dma_semaphore, #tpu.memory_space<semaphore_mem>>)
          %dma_start3A_1224 = tpu.memref_slice %arg4[%mul3A_1219] : memref<160000xf32, #tpu.memory_space<hbm>> -> memref<2000xf32, #tpu.memory_space<hbm>>
          %dma_start3A_1225 = tpu.memref_slice %arg4[%mul3A_1219] : memref<160000xf32, #tpu.memory_space<hbm>> -> memref<2000xf32, #tpu.memory_space<hbm>>
          tpu.enqueue_dma source(%dma_start3A_1225 : memref<2000xf32, #tpu.memory_space<hbm>>) target(%arg15 : memref<2000xf32, #tpu.memory_space<vmem>>) target_semaphore(%arg25 : memref<!tpu.dma_semaphore, #tpu.memory_space<semaphore_mem>>)
        } else {
          %add3A_1216 = arith.constant 1 : i32
          %add3A_1217 = arith.addi %scan3A_1184, %add3A_1216 : i32
          %mul3A_1218 = arith.constant 2000 : i32
          %mul3A_1219 = arith.muli %add3A_1217, %mul3A_1218 : i32
          %dma_start3A_1220 = tpu.memref_slice %arg2[%mul3A_1219] : memref<160000xi32, #tpu.memory_space<hbm>> -> memref<2000xi32, #tpu.memory_space<hbm>>
          %dma_start3A_1221 = tpu.memref_slice %arg2[%mul3A_1219] : memref<160000xi32, #tpu.memory_space<hbm>> -> memref<2000xi32, #tpu.memory_space<hbm>>
          tpu.enqueue_dma source(%dma_start3A_1221 : memref<2000xi32, #tpu.memory_space<hbm>>) target(%arg10 : memref<2000xi32, #tpu.memory_space<vmem>>) target_semaphore(%arg24 : memref<!tpu.dma_semaphore, #tpu.memory_space<semaphore_mem>>)
          %dma_start3A_1222 = tpu.memref_slice %arg3[%mul3A_1219] : memref<160000xi32, #tpu.memory_space<hbm>> -> memref<2000xi32, #tpu.memory_space<hbm>>
          %dma_start3A_1223 = tpu.memref_slice %arg3[%mul3A_1219] : memref<160000xi32, #tpu.memory_space<hbm>> -> memref<2000xi32, #tpu.memory_space<hbm>>
          tpu.enqueue_dma source(%dma_start3A_1223 : memref<2000xi32, #tpu.memory_space<hbm>>) target(%arg12 : memref<2000xi32, #tpu.memory_space<vmem>>) target_semaphore(%arg24 : memref<!tpu.dma_semaphore, #tpu.memory_space<semaphore_mem>>)
          %dma_start3A_1224 = tpu.memref_slice %arg4[%mul3A_1219] : memref<160000xf32, #tpu.memory_space<hbm>> -> memref<2000xf32, #tpu.memory_space<hbm>>
          %dma_start3A_1225 = tpu.memref_slice %arg4[%mul3A_1219] : memref<160000xf32, #tpu.memory_space<hbm>> -> memref<2000xf32, #tpu.memory_space<hbm>>
          tpu.enqueue_dma source(%dma_start3A_1225 : memref<2000xf32, #tpu.memory_space<hbm>>) target(%arg14 : memref<2000xf32, #tpu.memory_space<vmem>>) target_semaphore(%arg24 : memref<!tpu.dma_semaphore, #tpu.memory_space<semaphore_mem>>)
        }
      } else {
      }
      %eq3A = arith.constant 0 : i32
      %eq3A_1192 = arith.cmpi eq, %rem3A_1187, %eq3A : i32
      %convert_element_type3A_1193 = arith.extui %eq3A_1192 : i1 to i32
      %cond3A_1194 = arith.constant 0 : i32
      %cond3A_1195 = arith.cmpi ne, %convert_element_type3A_1193, %cond3A_1194 : i32
      scf.if %cond3A_1195 {
        %mul3A_1211 = arith.constant 2000 : i32
        %mul3A_1212 = arith.muli %scan3A_1184, %mul3A_1211 : i32
        %dma_wait3A = tpu.memref_slice %arg2[%mul3A_1212] : memref<160000xi32, #tpu.memory_space<hbm>> -> memref<2000xi32, #tpu.memory_space<hbm>>
        %dma_wait3A_1213 = tpu.memref_slice %arg2[%mul3A_1212] : memref<160000xi32, #tpu.memory_space<hbm>> -> memref<2000xi32, #tpu.memory_space<hbm>>
        tpu.wait_dma2 semaphore(%arg24 : memref<!tpu.dma_semaphore, #tpu.memory_space<semaphore_mem>>) src(%dma_wait3A_1213 : memref<2000xi32, #tpu.memory_space<hbm>>) dst(%arg10 : memref<2000xi32, #tpu.memory_space<vmem>>)
        %dma_wait3A_1214 = tpu.memref_slice %arg3[%mul3A_1212] : memref<160000xi32, #tpu.memory_space<hbm>> -> memref<2000xi32, #tpu.memory_space<hbm>>
        %dma_wait3A_1215 = tpu.memref_slice %arg3[%mul3A_1212] : memref<160000xi32, #tpu.memory_space<hbm>> -> memref<2000xi32, #tpu.memory_space<hbm>>
        tpu.wait_dma2 semaphore(%arg24 : memref<!tpu.dma_semaphore, #tpu.memory_space<semaphore_mem>>) src(%dma_wait3A_1215 : memref<2000xi32, #tpu.memory_space<hbm>>) dst(%arg12 : memref<2000xi32, #tpu.memory_space<vmem>>)
        %dma_wait3A_1216 = tpu.memref_slice %arg4[%mul3A_1212] : memref<160000xf32, #tpu.memory_space<hbm>> -> memref<2000xf32, #tpu.memory_space<hbm>>
        %dma_wait3A_1217 = tpu.memref_slice %arg4[%mul3A_1212] : memref<160000xf32, #tpu.memory_space<hbm>> -> memref<2000xf32, #tpu.memory_space<hbm>>
        tpu.wait_dma2 semaphore(%arg24 : memref<!tpu.dma_semaphore, #tpu.memory_space<semaphore_mem>>) src(%dma_wait3A_1217 : memref<2000xf32, #tpu.memory_space<hbm>>) dst(%arg14 : memref<2000xf32, #tpu.memory_space<vmem>>)
      } else {
        %mul3A_1211 = arith.constant 2000 : i32
        %mul3A_1212 = arith.muli %scan3A_1184, %mul3A_1211 : i32
        %dma_wait3A = tpu.memref_slice %arg2[%mul3A_1212] : memref<160000xi32, #tpu.memory_space<hbm>> -> memref<2000xi32, #tpu.memory_space<hbm>>
        %dma_wait3A_1213 = tpu.memref_slice %arg2[%mul3A_1212] : memref<160000xi32, #tpu.memory_space<hbm>> -> memref<2000xi32, #tpu.memory_space<hbm>>
        tpu.wait_dma2 semaphore(%arg25 : memref<!tpu.dma_semaphore, #tpu.memory_space<semaphore_mem>>) src(%dma_wait3A_1213 : memref<2000xi32, #tpu.memory_space<hbm>>) dst(%arg11 : memref<2000xi32, #tpu.memory_space<vmem>>)
        %dma_wait3A_1214 = tpu.memref_slice %arg3[%mul3A_1212] : memref<160000xi32, #tpu.memory_space<hbm>> -> memref<2000xi32, #tpu.memory_space<hbm>>
        %dma_wait3A_1215 = tpu.memref_slice %arg3[%mul3A_1212] : memref<160000xi32, #tpu.memory_space<hbm>> -> memref<2000xi32, #tpu.memory_space<hbm>>
        tpu.wait_dma2 semaphore(%arg25 : memref<!tpu.dma_semaphore, #tpu.memory_space<semaphore_mem>>) src(%dma_wait3A_1215 : memref<2000xi32, #tpu.memory_space<hbm>>) dst(%arg13 : memref<2000xi32, #tpu.memory_space<vmem>>)
        %dma_wait3A_1216 = tpu.memref_slice %arg4[%mul3A_1212] : memref<160000xf32, #tpu.memory_space<hbm>> -> memref<2000xf32, #tpu.memory_space<hbm>>
        %dma_wait3A_1217 = tpu.memref_slice %arg4[%mul3A_1212] : memref<160000xf32, #tpu.memory_space<hbm>> -> memref<2000xf32, #tpu.memory_space<hbm>>
        tpu.wait_dma2 semaphore(%arg25 : memref<!tpu.dma_semaphore, #tpu.memory_space<semaphore_mem>>) src(%dma_wait3A_1217 : memref<2000xf32, #tpu.memory_space<hbm>>) dst(%arg15 : memref<2000xf32, #tpu.memory_space<vmem>>)
      }
      %eq3A_1196 = arith.constant 0 : i32
      %eq3A_1197 = arith.cmpi eq, %rem3A_1187, %eq3A_1196 : i32
      %convert_element_type3A_1198 = arith.extui %eq3A_1197 : i1 to i32
      %cond3A_1199 = arith.constant 0 : i32
      %cond3A_1200 = arith.cmpi ne, %convert_element_type3A_1198, %cond3A_1199 : i32
      %cond3A_1201 = scf.if %cond3A_1200 -> (i32) {
        %parallel_loop3A = arith.constant 0 : i32
        %parallel_loop3A_1211 = arith.constant 125 : i32
        %parallel_loop3A_1212 = arith.constant 1 : i32
        %parallel_loop3A_1213 = scf.for %parallel_loop3A_1214 = %parallel_loop3A to %parallel_loop3A_1211 step %parallel_loop3A_1212 iter_args(%parallel_loop3A_1215 = %scan3A_1185) -> (i32)  : i32 {
          %parallel_loop3A_1216 = arith.constant 16 : i32
          %parallel_loop3A_1217 = arith.muli %parallel_loop3A_1214, %parallel_loop3A_1216 : i32
          %parallel_loop3A_1218 = arith.index_cast %parallel_loop3A_1217 : i32 to index
          %parallel_loop3A_1219 = tpu.vector_load %arg12[%parallel_loop3A_1218] {strides = array<i32>} : memref<2000xi32, #tpu.memory_space<vmem>>, vector<16xi32>,
          %parallel_loop3A_1220 = arith.constant 16 : i32
          %parallel_loop3A_1221 = arith.muli %parallel_loop3A_1214, %parallel_loop3A_1220 : i32
          %parallel_loop3A_1222 = arith.index_cast %parallel_loop3A_1221 : i32 to index
          %parallel_loop3A_1223 = tpu.vector_load %arg10[%parallel_loop3A_1222] {strides = array<i32>} : memref<2000xi32, #tpu.memory_space<vmem>>, vector<16xi32>,
          %parallel_loop3A_1224 = arith.constant 16 : i32
          %parallel_loop3A_1225 = arith.muli %parallel_loop3A_1214, %parallel_loop3A_1224 : i32
          %parallel_loop3A_1226 = arith.index_cast %parallel_loop3A_1225 : i32 to index
          %parallel_loop3A_1227 = tpu.vector_load %arg14[%parallel_loop3A_1226] {strides = array<i32>} : memref<2000xf32, #tpu.memory_space<vmem>>, vector<16xf32>,
          %parallel_loop3A_1228 = vector.broadcast %mul3A_2 : i32 to vector<16xi32>
          %parallel_loop3A_1229 = arith.cmpi sge, %parallel_loop3A_1219, %parallel_loop3A_1228 : vector<16xi32>
          %parallel_loop3A_1230 = arith.constant 320 : i32
          %parallel_loop3A_1231 = arith.addi %mul3A_2, %parallel_loop3A_1230 : i32
          %parallel_loop3A_1232 = vector.broadcast %parallel_loop3A_1231 : i32 to vector<16xi32>
          %parallel_loop3A_1233 = arith.cmpi slt, %parallel_loop3A_1219, %parallel_loop3A_1232 : vector<16xi32>
          %parallel_loop3A_1234 = arith.andi %parallel_loop3A_1229, %parallel_loop3A_1233 : vector<16xi1>
          %parallel_loop3A_1235 = arith.index_cast %parallel_loop3A_1215 : i32 to index
          %parallel_loop3A_1236 = tpu.vector_load %arg16[%parallel_loop3A_1235] masked %parallel_loop3A_1234 {strides = array<i32>} : memref<4128xi32, #tpu.memory_space<vmem>>, vector<16xi32>, vector<16xi1>
          tpu.vector_store %arg16[%parallel_loop3A_1235], %parallel_loop3A_1223 masked %parallel_loop3A_1234 {strides = array<i32>} : memref<4128xi32, #tpu.memory_space<vmem>>, vector<16xi32>, vector<16xi1>
          %parallel_loop3A_1237 = arith.index_cast %parallel_loop3A_1215 : i32 to index
          %parallel_loop3A_1238 = tpu.vector_load %arg17[%parallel_loop3A_1237] masked %parallel_loop3A_1234 {strides = array<i32>} : memref<4128xi32, #tpu.memory_space<vmem>>, vector<16xi32>, vector<16xi1>
          tpu.vector_store %arg17[%parallel_loop3A_1237], %parallel_loop3A_1219 masked %parallel_loop3A_1234 {strides = array<i32>} : memref<4128xi32, #tpu.memory_space<vmem>>, vector<16xi32>, vector<16xi1>
          %parallel_loop3A_1239 = arith.index_cast %parallel_loop3A_1215 : i32 to index
          %parallel_loop3A_1240 = tpu.vector_load %arg18[%parallel_loop3A_1239] masked %parallel_loop3A_1234 {strides = array<i32>} : memref<4128xf32, #tpu.memory_space<vmem>>, vector<16xf32>, vector<16xi1>
          tpu.vector_store %arg18[%parallel_loop3A_1239], %parallel_loop3A_1227 masked %parallel_loop3A_1234 {strides = array<i32>} : memref<4128xf32, #tpu.memory_space<vmem>>, vector<16xf32>, vector<16xi1>
          %parallel_loop3A_1241 = arith.extui %parallel_loop3A_1234 : vector<16xi1> to vector<16xi32>
          %parallel_loop3A_1242 = arith.constant true
          %parallel_loop3A_1243 = vector.broadcast %parallel_loop3A_1242 : i1 to vector<16xi1>
          %parallel_loop3A_1244 = tpu.scan <sum>, %parallel_loop3A_1241 masked %parallel_loop3A_1243 : vector<16xi32>, vector<16xi1> -> vector<16xi32>
          %parallel_loop3A_1245 = vector.extract %parallel_loop3A_1244[15] : i32 from vector<16xi32>
          %parallel_loop3A_1246 = arith.addi %parallel_loop3A_1215, %parallel_loop3A_1245 : i32
          scf.yield %parallel_loop3A_1246 : i32
        } {sc.loop_unroll_factor = 2 : i64, sc.parallel_access}
        scf.yield %parallel_loop3A_1213 : i32
      } else {
        %parallel_loop3A = arith.constant 0 : i32
        %parallel_loop3A_1211 = arith.constant 125 : i32
        %parallel_loop3A_1212 = arith.constant 1 : i32
        %parallel_loop3A_1213 = scf.for %parallel_loop3A_1214 = %parallel_loop3A to %parallel_loop3A_1211 step %parallel_loop3A_1212 iter_args(%parallel_loop3A_1215 = %scan3A_1185) -> (i32)  : i32 {
          %parallel_loop3A_1216 = arith.constant 16 : i32
          %parallel_loop3A_1217 = arith.muli %parallel_loop3A_1214, %parallel_loop3A_1216 : i32
          %parallel_loop3A_1218 = arith.index_cast %parallel_loop3A_1217 : i32 to index
          %parallel_loop3A_1219 = tpu.vector_load %arg13[%parallel_loop3A_1218] {strides = array<i32>} : memref<2000xi32, #tpu.memory_space<vmem>>, vector<16xi32>,
          %parallel_loop3A_1220 = arith.constant 16 : i32
          %parallel_loop3A_1221 = arith.muli %parallel_loop3A_1214, %parallel_loop3A_1220 : i32
          %parallel_loop3A_1222 = arith.index_cast %parallel_loop3A_1221 : i32 to index
          %parallel_loop3A_1223 = tpu.vector_load %arg11[%parallel_loop3A_1222] {strides = array<i32>} : memref<2000xi32, #tpu.memory_space<vmem>>, vector<16xi32>,
          %parallel_loop3A_1224 = arith.constant 16 : i32
          %parallel_loop3A_1225 = arith.muli %parallel_loop3A_1214, %parallel_loop3A_1224 : i32
          %parallel_loop3A_1226 = arith.index_cast %parallel_loop3A_1225 : i32 to index
          %parallel_loop3A_1227 = tpu.vector_load %arg15[%parallel_loop3A_1226] {strides = array<i32>} : memref<2000xf32, #tpu.memory_space<vmem>>, vector<16xf32>,
          %parallel_loop3A_1228 = vector.broadcast %mul3A_2 : i32 to vector<16xi32>
          %parallel_loop3A_1229 = arith.cmpi sge, %parallel_loop3A_1219, %parallel_loop3A_1228 : vector<16xi32>
          %parallel_loop3A_1230 = arith.constant 320 : i32
          %parallel_loop3A_1231 = arith.addi %mul3A_2, %parallel_loop3A_1230 : i32
          %parallel_loop3A_1232 = vector.broadcast %parallel_loop3A_1231 : i32 to vector<16xi32>
          %parallel_loop3A_1233 = arith.cmpi slt, %parallel_loop3A_1219, %parallel_loop3A_1232 : vector<16xi32>
          %parallel_loop3A_1234 = arith.andi %parallel_loop3A_1229, %parallel_loop3A_1233 : vector<16xi1>
          %parallel_loop3A_1235 = arith.index_cast %parallel_loop3A_1215 : i32 to index
          %parallel_loop3A_1236 = tpu.vector_load %arg16[%parallel_loop3A_1235] masked %parallel_loop3A_1234 {strides = array<i32>} : memref<4128xi32, #tpu.memory_space<vmem>>, vector<16xi32>, vector<16xi1>
          tpu.vector_store %arg16[%parallel_loop3A_1235], %parallel_loop3A_1223 masked %parallel_loop3A_1234 {strides = array<i32>} : memref<4128xi32, #tpu.memory_space<vmem>>, vector<16xi32>, vector<16xi1>
          %parallel_loop3A_1237 = arith.index_cast %parallel_loop3A_1215 : i32 to index
          %parallel_loop3A_1238 = tpu.vector_load %arg17[%parallel_loop3A_1237] masked %parallel_loop3A_1234 {strides = array<i32>} : memref<4128xi32, #tpu.memory_space<vmem>>, vector<16xi32>, vector<16xi1>
          tpu.vector_store %arg17[%parallel_loop3A_1237], %parallel_loop3A_1219 masked %parallel_loop3A_1234 {strides = array<i32>} : memref<4128xi32, #tpu.memory_space<vmem>>, vector<16xi32>, vector<16xi1>
          %parallel_loop3A_1239 = arith.index_cast %parallel_loop3A_1215 : i32 to index
          %parallel_loop3A_1240 = tpu.vector_load %arg18[%parallel_loop3A_1239] masked %parallel_loop3A_1234 {strides = array<i32>} : memref<4128xf32, #tpu.memory_space<vmem>>, vector<16xf32>, vector<16xi1>
          tpu.vector_store %arg18[%parallel_loop3A_1239], %parallel_loop3A_1227 masked %parallel_loop3A_1234 {strides = array<i32>} : memref<4128xf32, #tpu.memory_space<vmem>>, vector<16xf32>, vector<16xi1>
          %parallel_loop3A_1241 = arith.extui %parallel_loop3A_1234 : vector<16xi1> to vector<16xi32>
          %parallel_loop3A_1242 = arith.constant true
          %parallel_loop3A_1243 = vector.broadcast %parallel_loop3A_1242 : i1 to vector<16xi1>
          %parallel_loop3A_1244 = tpu.scan <sum>, %parallel_loop3A_1241 masked %parallel_loop3A_1243 : vector<16xi32>, vector<16xi1> -> vector<16xi32>
          %parallel_loop3A_1245 = vector.extract %parallel_loop3A_1244[15] : i32 from vector<16xi32>
          %parallel_loop3A_1246 = arith.addi %parallel_loop3A_1215, %parallel_loop3A_1245 : i32
          scf.yield %parallel_loop3A_1246 : i32
        } {sc.loop_unroll_factor = 2 : i64, sc.parallel_access}
        scf.yield %parallel_loop3A_1213 : i32
      }
      %ge3A = arith.constant 2048 : i32
      %ge3A_1202 = arith.cmpi sge, %cond3A_1201, %ge3A : i32
      %convert_element_type3A_1203 = arith.extui %ge3A_1202 : i1 to i32
      %cond3A_1204 = arith.constant 0 : i32
      %cond3A_1205 = arith.cmpi ne, %convert_element_type3A_1203, %cond3A_1204 : i32
      scf.if %cond3A_1205 {
        %get3A_1211 = arith.constant 0 : i32
        %get3A_1212 = arith.index_cast %get3A_1211 : i32 to index
        %get3A_1213 = memref.load %arg23[%get3A_1212] : memref<1xi32, #tpu.memory_space<smem>>
        %mul3A_1214 = arith.constant 162240 : i32
        %mul3A_1215 = arith.muli %add3A, %mul3A_1214 : i32
        %add3A_1216 = arith.addi %mul3A_1215, %get3A_1213 : i32
        %multiple_of3A_1217 = tpu.assume_multiple %add3A_1216, 64 : i32
        "tpu.region"() ({
          %run_scoped3A = tpu.sem_alloc : memref<!tpu.dma_semaphore, #tpu.memory_space<semaphore_mem>>
          %dma_start3A_1273 = arith.constant 0 : i32
          %dma_start3A_1274 = tpu.memref_slice %arg16[%dma_start3A_1273] : memref<4128xi32, #tpu.memory_space<vmem>> -> memref<2048xi32, #tpu.memory_space<vmem>>
          %dma_start3A_1275 = tpu.memref_slice %arg5[%multiple_of3A_1217] : memref<5191680xi32, #tpu.memory_space<hbm>> -> memref<2048xi32, #tpu.memory_space<hbm>>
          %dma_start3A_1276 = tpu.memref_slice %arg5[%multiple_of3A_1217] : memref<5191680xi32, #tpu.memory_space<hbm>> -> memref<2048xi32, #tpu.memory_space<hbm>>
          %dma_start3A_1277 = arith.constant 0 : i32
          %dma_start3A_1278 = tpu.memref_slice %arg16[%dma_start3A_1277] : memref<4128xi32, #tpu.memory_space<vmem>> -> memref<2048xi32, #tpu.memory_space<vmem>>
          tpu.enqueue_dma source(%dma_start3A_1278 : memref<2048xi32, #tpu.memory_space<vmem>>) target(%dma_start3A_1276 : memref<2048xi32, #tpu.memory_space<hbm>>) target_semaphore(%run_scoped3A : memref<!tpu.dma_semaphore, #tpu.memory_space<semaphore_mem>>)
          %dma_wait3A = arith.constant 0 : i32
          %dma_wait3A_1279 = tpu.memref_slice %arg16[%dma_wait3A] : memref<4128xi32, #tpu.memory_space<vmem>> -> memref<2048xi32, #tpu.memory_space<vmem>>
          %dma_wait3A_1280 = tpu.memref_slice %arg5[%multiple_of3A_1217] : memref<5191680xi32, #tpu.memory_space<hbm>> -> memref<2048xi32, #tpu.memory_space<hbm>>
          %dma_wait3A_1281 = tpu.memref_slice %arg5[%multiple_of3A_1217] : memref<5191680xi32, #tpu.memory_space<hbm>> -> memref<2048xi32, #tpu.memory_space<hbm>>
          %dma_wait3A_1282 = arith.constant 0 : i32
          %dma_wait3A_1283 = tpu.memref_slice %arg16[%dma_wait3A_1282] : memref<4128xi32, #tpu.memory_space<vmem>> -> memref<2048xi32, #tpu.memory_space<vmem>>
          tpu.wait_dma2 semaphore(%run_scoped3A : memref<!tpu.dma_semaphore, #tpu.memory_space<semaphore_mem>>) src(%dma_wait3A_1283 : memref<2048xi32, #tpu.memory_space<vmem>>) dst(%dma_wait3A_1281 : memref<2048xi32, #tpu.memory_space<hbm>>)
          tpu.yield
        }) : () -> ()
        %mul3A_1218 = arith.constant 162240 : i32
        %mul3A_1219 = arith.muli %add3A, %mul3A_1218 : i32
        %add3A_1220 = arith.addi %mul3A_1219, %get3A_1213 : i32
        %multiple_of3A_1221 = tpu.assume_multiple %add3A_1220, 64 : i32
        "tpu.region"() ({
          %run_scoped3A = tpu.sem_alloc : memref<!tpu.dma_semaphore, #tpu.memory_space<semaphore_mem>>
          %dma_start3A_1273 = arith.constant 0 : i32
          %dma_start3A_1274 = tpu.memref_slice %arg17[%dma_start3A_1273] : memref<4128xi32, #tpu.memory_space<vmem>> -> memref<2048xi32, #tpu.memory_space<vmem>>
          %dma_start3A_1275 = tpu.memref_slice %arg6[%multiple_of3A_1221] : memref<5191680xi32, #tpu.memory_space<hbm>> -> memref<2048xi32, #tpu.memory_space<hbm>>
          %dma_start3A_1276 = tpu.memref_slice %arg6[%multiple_of3A_1221] : memref<5191680xi32, #tpu.memory_space<hbm>> -> memref<2048xi32, #tpu.memory_space<hbm>>
          %dma_start3A_1277 = arith.constant 0 : i32
          %dma_start3A_1278 = tpu.memref_slice %arg17[%dma_start3A_1277] : memref<4128xi32, #tpu.memory_space<vmem>> -> memref<2048xi32, #tpu.memory_space<vmem>>
          tpu.enqueue_dma source(%dma_start3A_1278 : memref<2048xi32, #tpu.memory_space<vmem>>) target(%dma_start3A_1276 : memref<2048xi32, #tpu.memory_space<hbm>>) target_semaphore(%run_scoped3A : memref<!tpu.dma_semaphore, #tpu.memory_space<semaphore_mem>>)
          %dma_wait3A = arith.constant 0 : i32
          %dma_wait3A_1279 = tpu.memref_slice %arg17[%dma_wait3A] : memref<4128xi32, #tpu.memory_space<vmem>> -> memref<2048xi32, #tpu.memory_space<vmem>>
          %dma_wait3A_1280 = tpu.memref_slice %arg6[%multiple_of3A_1221] : memref<5191680xi32, #tpu.memory_space<hbm>> -> memref<2048xi32, #tpu.memory_space<hbm>>
          %dma_wait3A_1281 = tpu.memref_slice %arg6[%multiple_of3A_1221] : memref<5191680xi32, #tpu.memory_space<hbm>> -> memref<2048xi32, #tpu.memory_space<hbm>>
          %dma_wait3A_1282 = arith.constant 0 : i32
          %dma_wait3A_1283 = tpu.memref_slice %arg17[%dma_wait3A_1282] : memref<4128xi32, #tpu.memory_space<vmem>> -> memref<2048xi32, #tpu.memory_space<vmem>>
          tpu.wait_dma2 semaphore(%run_scoped3A : memref<!tpu.dma_semaphore, #tpu.memory_space<semaphore_mem>>) src(%dma_wait3A_1283 : memref<2048xi32, #tpu.memory_space<vmem>>) dst(%dma_wait3A_1281 : memref<2048xi32, #tpu.memory_space<hbm>>)
          tpu.yield
        }) : () -> ()
        %mul3A_1222 = arith.constant 162240 : i32
        %mul3A_1223 = arith.muli %add3A, %mul3A_1222 : i32
        %add3A_1224 = arith.addi %mul3A_1223, %get3A_1213 : i32
        %multiple_of3A_1225 = tpu.assume_multiple %add3A_1224, 64 : i32
        "tpu.region"() ({
          %run_scoped3A = tpu.sem_alloc : memref<!tpu.dma_semaphore, #tpu.memory_space<semaphore_mem>>
          %dma_start3A_1273 = arith.constant 0 : i32
          %dma_start3A_1274 = tpu.memref_slice %arg18[%dma_start3A_1273] : memref<4128xf32, #tpu.memory_space<vmem>> -> memref<2048xf32, #tpu.memory_space<vmem>>
          %dma_start3A_1275 = tpu.memref_slice %arg7[%multiple_of3A_1225] : memref<5191680xf32, #tpu.memory_space<hbm>> -> memref<2048xf32, #tpu.memory_space<hbm>>
          %dma_start3A_1276 = tpu.memref_slice %arg7[%multiple_of3A_1225] : memref<5191680xf32, #tpu.memory_space<hbm>> -> memref<2048xf32, #tpu.memory_space<hbm>>
          %dma_start3A_1277 = arith.constant 0 : i32
          %dma_start3A_1278 = tpu.memref_slice %arg18[%dma_start3A_1277] : memref<4128xf32, #tpu.memory_space<vmem>> -> memref<2048xf32, #tpu.memory_space<vmem>>
          tpu.enqueue_dma source(%dma_start3A_1278 : memref<2048xf32, #tpu.memory_space<vmem>>) target(%dma_start3A_1276 : memref<2048xf32, #tpu.memory_space<hbm>>) target_semaphore(%run_scoped3A : memref<!tpu.dma_semaphore, #tpu.memory_space<semaphore_mem>>)
          %dma_wait3A = arith.constant 0 : i32
          %dma_wait3A_1279 = tpu.memref_slice %arg18[%dma_wait3A] : memref<4128xf32, #tpu.memory_space<vmem>> -> memref<2048xf32, #tpu.memory_space<vmem>>
          %dma_wait3A_1280 = tpu.memref_slice %arg7[%multiple_of3A_1225] : memref<5191680xf32, #tpu.memory_space<hbm>> -> memref<2048xf32, #tpu.memory_space<hbm>>
          %dma_wait3A_1281 = tpu.memref_slice %arg7[%multiple_of3A_1225] : memref<5191680xf32, #tpu.memory_space<hbm>> -> memref<2048xf32, #tpu.memory_space<hbm>>
          %dma_wait3A_1282 = arith.constant 0 : i32
          %dma_wait3A_1283 = tpu.memref_slice %arg18[%dma_wait3A_1282] : memref<4128xf32, #tpu.memory_space<vmem>> -> memref<2048xf32, #tpu.memory_space<vmem>>
          tpu.wait_dma2 semaphore(%run_scoped3A : memref<!tpu.dma_semaphore, #tpu.memory_space<semaphore_mem>>) src(%dma_wait3A_1283 : memref<2048xf32, #tpu.memory_space<vmem>>) dst(%dma_wait3A_1281 : memref<2048xf32, #tpu.memory_space<hbm>>)
          tpu.yield
        }) : () -> ()
        %sub3A_1226 = arith.constant 2048 : i32
        %sub3A_1227 = arith.subi %cond3A_1201, %sub3A_1226 : i32
        %add3A_1228 = arith.constant 16 : i32
        %add3A_1229 = arith.addi %sub3A_1227, %add3A_1228 : i32
        %sub3A_1230 = arith.constant 1 : i32
        %sub3A_1231 = arith.subi %add3A_1229, %sub3A_1230 : i32
        %jit3A_1232 = arith.constant 16 : i32
        %div3A_1233 = arith.divsi %sub3A_1231, %jit3A_1232 : i32
        %sign3A_1234 = arith.constant 0 : i32
        %sign3A_1235 = arith.cmpi sgt, %sub3A_1231, %sign3A_1234 : i32
        %sign3A_1236 = arith.extui %sign3A_1235 : i1 to i32
        %sign3A_1237 = arith.constant 0 : i32
        %sign3A_1238 = arith.cmpi slt, %sub3A_1231, %sign3A_1237 : i32
        %sign3A_1239 = arith.extui %sign3A_1238 : i1 to i32
        %sign3A_1240 = arith.subi %sign3A_1236, %sign3A_1239 : i32
        %sign3A_1241 = arith.constant 0 : i32
        %sign3A_1242 = arith.cmpi sgt, %jit3A_1232, %sign3A_1241 : i32
        %sign3A_1243 = arith.extui %sign3A_1242 : i1 to i32
        %sign3A_1244 = arith.constant 0 : i32
        %sign3A_1245 = arith.cmpi slt, %jit3A_1232, %sign3A_1244 : i32
        %sign3A_1246 = arith.extui %sign3A_1245 : i1 to i32
        %sign3A_1247 = arith.subi %sign3A_1243, %sign3A_1246 : i32
        %ne3A_1248 = arith.cmpi ne, %sign3A_1240, %sign3A_1247 : i32
        %rem3A_1249 = arith.remsi %sub3A_1231, %jit3A_1232 : i32
        %ne3A_1250 = arith.constant 0 : i32
        %ne3A_1251 = arith.cmpi ne, %rem3A_1249, %ne3A_1250 : i32
        %and3A_1252 = arith.andi %ne3A_1248, %ne3A_1251 : i1
        %sub3A_1253 = arith.constant 1 : i32
        %sub3A_1254 = arith.subi %div3A_1233, %sub3A_1253 : i32
        %select_n3A_1255 = arith.select %and3A_1252, %sub3A_1254, %div3A_1233 : i32
        %while3A_1256 = arith.constant 0 : i32
        %while3A_1257 = arith.constant 0 : i32
        %while3A_1258 = arith.subi %select_n3A_1255, %while3A_1256 : i32
        %while3A_1259 = arith.addi %while3A_1256, %while3A_1258 : i32
        %while3A_1260 = arith.constant 1 : i32
        %while3A_1261 = arith.divsi %while3A_1258, %while3A_1260 : i32
        %while3A_1262 = arith.muli %while3A_1261, %while3A_1260 : i32
        %while3A_1263 = arith.addi %while3A_1256, %while3A_1262 : i32
        %while3A_1264 = arith.constant 1 : i32
        %while3A_1265 = scf.for %while3A_1273 = %while3A_1256 to %while3A_1263 step %while3A_1264 iter_args(%while3A_1274 = %while3A_1257) -> (i32)  : i32 {
          %mul3A_1275 = arith.constant 16 : i32
          %mul3A_1276 = arith.muli %while3A_1273, %mul3A_1275 : i32
          %add3A_1277 = arith.constant 2048 : i32
          %add3A_1278 = arith.addi %add3A_1277, %mul3A_1276 : i32
          %get3A_1279 = arith.index_cast %add3A_1278 : i32 to index
          %get3A_1280 = tpu.vector_load %arg16[%get3A_1279] {strides = array<i32>} : memref<4128xi32, #tpu.memory_space<vmem>>, vector<16xi32>,
          %mul3A_1281 = arith.constant 16 : i32
          %mul3A_1282 = arith.muli %while3A_1273, %mul3A_1281 : i32
          %swap3A_1283 = arith.index_cast %mul3A_1282 : i32 to index
          %swap3A_1284 = tpu.vector_load %arg16[%swap3A_1283] {strides = array<i32>} : memref<4128xi32, #tpu.memory_space<vmem>>, vector<16xi32>,
          tpu.vector_store %arg16[%swap3A_1283], %get3A_1280 {strides = array<i32>} : memref<4128xi32, #tpu.memory_space<vmem>>, vector<16xi32>,
          %mul3A_1285 = arith.constant 16 : i32
          %mul3A_1286 = arith.muli %while3A_1273, %mul3A_1285 : i32
          %add3A_1287 = arith.constant 2048 : i32
          %add3A_1288 = arith.addi %add3A_1287, %mul3A_1286 : i32
          %get3A_1289 = arith.index_cast %add3A_1288 : i32 to index
          %get3A_1290 = tpu.vector_load %arg17[%get3A_1289] {strides = array<i32>} : memref<4128xi32, #tpu.memory_space<vmem>>, vector<16xi32>,
          %mul3A_1291 = arith.constant 16 : i32
          %mul3A_1292 = arith.muli %while3A_1273, %mul3A_1291 : i32
          %swap3A_1293 = arith.index_cast %mul3A_1292 : i32 to index
          %swap3A_1294 = tpu.vector_load %arg17[%swap3A_1293] {strides = array<i32>} : memref<4128xi32, #tpu.memory_space<vmem>>, vector<16xi32>,
          tpu.vector_store %arg17[%swap3A_1293], %get3A_1290 {strides = array<i32>} : memref<4128xi32, #tpu.memory_space<vmem>>, vector<16xi32>,
          %mul3A_1295 = arith.constant 16 : i32
          %mul3A_1296 = arith.muli %while3A_1273, %mul3A_1295 : i32
          %add3A_1297 = arith.constant 2048 : i32
          %add3A_1298 = arith.addi %add3A_1297, %mul3A_1296 : i32
          %get3A_1299 = arith.index_cast %add3A_1298 : i32 to index
          %get3A_1300 = tpu.vector_load %arg18[%get3A_1299] {strides = array<i32>} : memref<4128xf32, #tpu.memory_space<vmem>>, vector<16xf32>,
          %mul3A_1301 = arith.constant 16 : i32
          %mul3A_1302 = arith.muli %while3A_1273, %mul3A_1301 : i32
          %swap3A_1303 = arith.index_cast %mul3A_1302 : i32 to index
          %swap3A_1304 = tpu.vector_load %arg18[%swap3A_1303] {strides = array<i32>} : memref<4128xf32, #tpu.memory_space<vmem>>, vector<16xf32>,
          tpu.vector_store %arg18[%swap3A_1303], %get3A_1300 {strides = array<i32>} : memref<4128xf32, #tpu.memory_space<vmem>>, vector<16xf32>,
          %while3A_1305 = arith.constant 0 : i32
          scf.yield %while3A_1305 : i32
        }
        %while3A_1266 = arith.constant 1 : i32
        %while3A_1267 = scf.for %while3A_1273 = %while3A_1263 to %while3A_1259 step %while3A_1266 iter_args(%while3A_1274 = %while3A_1265) -> (i32)  : i32 {
          %mul3A_1275 = arith.constant 16 : i32
          %mul3A_1276 = arith.muli %while3A_1273, %mul3A_1275 : i32
          %add3A_1277 = arith.constant 2048 : i32
          %add3A_1278 = arith.addi %add3A_1277, %mul3A_1276 : i32
          %get3A_1279 = arith.index_cast %add3A_1278 : i32 to index
          %get3A_1280 = tpu.vector_load %arg16[%get3A_1279] {strides = array<i32>} : memref<4128xi32, #tpu.memory_space<vmem>>, vector<16xi32>,
          %mul3A_1281 = arith.constant 16 : i32
          %mul3A_1282 = arith.muli %while3A_1273, %mul3A_1281 : i32
          %swap3A_1283 = arith.index_cast %mul3A_1282 : i32 to index
          %swap3A_1284 = tpu.vector_load %arg16[%swap3A_1283] {strides = array<i32>} : memref<4128xi32, #tpu.memory_space<vmem>>, vector<16xi32>,
          tpu.vector_store %arg16[%swap3A_1283], %get3A_1280 {strides = array<i32>} : memref<4128xi32, #tpu.memory_space<vmem>>, vector<16xi32>,
          %mul3A_1285 = arith.constant 16 : i32
          %mul3A_1286 = arith.muli %while3A_1273, %mul3A_1285 : i32
          %add3A_1287 = arith.constant 2048 : i32
          %add3A_1288 = arith.addi %add3A_1287, %mul3A_1286 : i32
          %get3A_1289 = arith.index_cast %add3A_1288 : i32 to index
          %get3A_1290 = tpu.vector_load %arg17[%get3A_1289] {strides = array<i32>} : memref<4128xi32, #tpu.memory_space<vmem>>, vector<16xi32>,
          %mul3A_1291 = arith.constant 16 : i32
          %mul3A_1292 = arith.muli %while3A_1273, %mul3A_1291 : i32
          %swap3A_1293 = arith.index_cast %mul3A_1292 : i32 to index
          %swap3A_1294 = tpu.vector_load %arg17[%swap3A_1293] {strides = array<i32>} : memref<4128xi32, #tpu.memory_space<vmem>>, vector<16xi32>,
          tpu.vector_store %arg17[%swap3A_1293], %get3A_1290 {strides = array<i32>} : memref<4128xi32, #tpu.memory_space<vmem>>, vector<16xi32>,
          %mul3A_1295 = arith.constant 16 : i32
          %mul3A_1296 = arith.muli %while3A_1273, %mul3A_1295 : i32
          %add3A_1297 = arith.constant 2048 : i32
          %add3A_1298 = arith.addi %add3A_1297, %mul3A_1296 : i32
          %get3A_1299 = arith.index_cast %add3A_1298 : i32 to index
          %get3A_1300 = tpu.vector_load %arg18[%get3A_1299] {strides = array<i32>} : memref<4128xf32, #tpu.memory_space<vmem>>, vector<16xf32>,
          %mul3A_1301 = arith.constant 16 : i32
          %mul3A_1302 = arith.muli %while3A_1273, %mul3A_1301 : i32
          %swap3A_1303 = arith.index_cast %mul3A_1302 : i32 to index
          %swap3A_1304 = tpu.vector_load %arg18[%swap3A_1303] {strides = array<i32>} : memref<4128xf32, #tpu.memory_space<vmem>>, vector<16xf32>,
          tpu.vector_store %arg18[%swap3A_1303], %get3A_1300 {strides = array<i32>} : memref<4128xf32, #tpu.memory_space<vmem>>, vector<16xf32>,
          %while3A_1305 = arith.constant 0 : i32
          scf.yield %while3A_1305 : i32
        }
        %add3A_1268 = arith.constant 2048 : i32
        %add3A_1269 = arith.addi %get3A_1213, %add3A_1268 : i32
        %swap3A_1270 = arith.constant 0 : i32
        %swap3A_1271 = arith.index_cast %swap3A_1270 : i32 to index
        %swap3A_1272 = memref.load %arg23[%swap3A_1271] : memref<1xi32, #tpu.memory_space<smem>>
        memref.store %add3A_1269, %arg23[%swap3A_1271] : memref<1xi32, #tpu.memory_space<smem>>
      } else {
      }
      %ge3A_1206 = arith.constant 2048 : i32
      %ge3A_1207 = arith.cmpi sge, %cond3A_1201, %ge3A_1206 : i32
      %sub3A_1208 = arith.constant 2048 : i32
      %sub3A_1209 = arith.subi %cond3A_1201, %sub3A_1208 : i32
      %select_n3A_1210 = arith.select %ge3A_1207, %sub3A_1209, %cond3A_1201 : i32
      scf.yield %select_n3A_1210 : i32
    }
    %scan3A_23 = arith.constant 80 : i32
    %rem3A = arith.constant 64 : i32
    %rem3A_24 = arith.remsi %scan3A_22, %rem3A : i32
    %sub3A = arith.constant 64 : i32
    %sub3A_25 = arith.subi %sub3A, %rem3A_24 : i32
    %rem3A_26 = arith.constant 64 : i32
    %rem3A_27 = arith.remsi %sub3A_25, %rem3A_26 : i32
    %broadcast_in_dim3A_28 = arith.constant 0 : i32
    %broadcast_in_dim3A_29 = vector.broadcast %broadcast_in_dim3A_28 : i32 to vector<16xi32>
    %broadcast_in_dim3A_30 = arith.constant 1 : i32
    %broadcast_in_dim3A_31 = vector.broadcast %broadcast_in_dim3A_30 : i32 to vector<16xi32>
    %mul3A_32 = vector.broadcast %mul3A_2 : i32 to vector<16xi32>
    %mul3A_33 = arith.muli %broadcast_in_dim3A_31, %mul3A_32 : vector<16xi32>
    %add3A_34 = arith.constant 0 : i32
    %add3A_35 = arith.addi %scan3A_22, %add3A_34 : i32
    %swap3A_36 = arith.index_cast %add3A_35 : i32 to index
    %swap3A_37 = tpu.vector_load %arg16[%swap3A_36] {strides = array<i32>} : memref<4128xi32, #tpu.memory_space<vmem>>, vector<16xi32>,
    tpu.vector_store %arg16[%swap3A_36], %broadcast_in_dim3A_29 {strides = array<i32>} : memref<4128xi32, #tpu.memory_space<vmem>>, vector<16xi32>,
    %add3A_38 = arith.constant 0 : i32
    %add3A_39 = arith.addi %scan3A_22, %add3A_38 : i32
    %swap3A_40 = arith.index_cast %add3A_39 : i32 to index
    %swap3A_41 = tpu.vector_load %arg17[%swap3A_40] {strides = array<i32>} : memref<4128xi32, #tpu.memory_space<vmem>>, vector<16xi32>,
    tpu.vector_store %arg17[%swap3A_40], %mul3A_33 {strides = array<i32>} : memref<4128xi32, #tpu.memory_space<vmem>>, vector<16xi32>,
    %add3A_42 = arith.constant 0 : i32
    %add3A_43 = arith.addi %scan3A_22, %add3A_42 : i32
    %swap3A_44 = arith.index_cast %add3A_43 : i32 to index
    %swap3A_45 = tpu.vector_load %arg18[%swap3A_44] {strides = array<i32>} : memref<4128xf32, #tpu.memory_space<vmem>>, vector<16xf32>,
    tpu.vector_store %arg18[%swap3A_44], %broadcast_in_dim3A_3 {strides = array<i32>} : memref<4128xf32, #tpu.memory_space<vmem>>, vector<16xf32>,
    %add3A_46 = arith.constant 16 : i32
    %add3A_47 = arith.addi %scan3A_22, %add3A_46 : i32
    %swap3A_48 = arith.index_cast %add3A_47 : i32 to index
    %swap3A_49 = tpu.vector_load %arg16[%swap3A_48] {strides = array<i32>} : memref<4128xi32, #tpu.memory_space<vmem>>, vector<16xi32>,
    tpu.vector_store %arg16[%swap3A_48], %broadcast_in_dim3A_29 {strides = array<i32>} : memref<4128xi32, #tpu.memory_space<vmem>>, vector<16xi32>,
    %add3A_50 = arith.constant 16 : i32
    %add3A_51 = arith.addi %scan3A_22, %add3A_50 : i32
    %swap3A_52 = arith.index_cast %add3A_51 : i32 to index
    %swap3A_53 = tpu.vector_load %arg17[%swap3A_52] {strides = array<i32>} : memref<4128xi32, #tpu.memory_space<vmem>>, vector<16xi32>,
    tpu.vector_store %arg17[%swap3A_52], %mul3A_33 {strides = array<i32>} : memref<4128xi32, #tpu.memory_space<vmem>>, vector<16xi32>,
    %add3A_54 = arith.constant 16 : i32
    %add3A_55 = arith.addi %scan3A_22, %add3A_54 : i32
    %swap3A_56 = arith.index_cast %add3A_55 : i32 to index
    %swap3A_57 = tpu.vector_load %arg18[%swap3A_56] {strides = array<i32>} : memref<4128xf32, #tpu.memory_space<vmem>>, vector<16xf32>,
    tpu.vector_store %arg18[%swap3A_56], %broadcast_in_dim3A_3 {strides = array<i32>} : memref<4128xf32, #tpu.memory_space<vmem>>, vector<16xf32>,
    %add3A_58 = arith.constant 32 : i32
    %add3A_59 = arith.addi %scan3A_22, %add3A_58 : i32
    %swap3A_60 = arith.index_cast %add3A_59 : i32 to index
    %swap3A_61 = tpu.vector_load %arg16[%swap3A_60] {strides = array<i32>} : memref<4128xi32, #tpu.memory_space<vmem>>, vector<16xi32>,
    tpu.vector_store %arg16[%swap3A_60], %broadcast_in_dim3A_29 {strides = array<i32>} : memref<4128xi32, #tpu.memory_space<vmem>>, vector<16xi32>,
    %add3A_62 = arith.constant 32 : i32
    %add3A_63 = arith.addi %scan3A_22, %add3A_62 : i32
    %swap3A_64 = arith.index_cast %add3A_63 : i32 to index
    %swap3A_65 = tpu.vector_load %arg17[%swap3A_64] {strides = array<i32>} : memref<4128xi32, #tpu.memory_space<vmem>>, vector<16xi32>,
    tpu.vector_store %arg17[%swap3A_64], %mul3A_33 {strides = array<i32>} : memref<4128xi32, #tpu.memory_space<vmem>>, vector<16xi32>,
    %add3A_66 = arith.constant 32 : i32
    %add3A_67 = arith.addi %scan3A_22, %add3A_66 : i32
    %swap3A_68 = arith.index_cast %add3A_67 : i32 to index
    %swap3A_69 = tpu.vector_load %arg18[%swap3A_68] {strides = array<i32>} : memref<4128xf32, #tpu.memory_space<vmem>>, vector<16xf32>,
    tpu.vector_store %arg18[%swap3A_68], %broadcast_in_dim3A_3 {strides = array<i32>} : memref<4128xf32, #tpu.memory_space<vmem>>, vector<16xf32>,
    %add3A_70 = arith.constant 48 : i32
    %add3A_71 = arith.addi %scan3A_22, %add3A_70 : i32
    %swap3A_72 = arith.index_cast %add3A_71 : i32 to index
    %swap3A_73 = tpu.vector_load %arg16[%swap3A_72] {strides = array<i32>} : memref<4128xi32, #tpu.memory_space<vmem>>, vector<16xi32>,
    tpu.vector_store %arg16[%swap3A_72], %broadcast_in_dim3A_29 {strides = array<i32>} : memref<4128xi32, #tpu.memory_space<vmem>>, vector<16xi32>,
    %add3A_74 = arith.constant 48 : i32
    %add3A_75 = arith.addi %scan3A_22, %add3A_74 : i32
    %swap3A_76 = arith.index_cast %add3A_75 : i32 to index
    %swap3A_77 = tpu.vector_load %arg17[%swap3A_76] {strides = array<i32>} : memref<4128xi32, #tpu.memory_space<vmem>>, vector<16xi32>,
    tpu.vector_store %arg17[%swap3A_76], %mul3A_33 {strides = array<i32>} : memref<4128xi32, #tpu.memory_space<vmem>>, vector<16xi32>,
    %add3A_78 = arith.constant 48 : i32
    %add3A_79 = arith.addi %scan3A_22, %add3A_78 : i32
    %swap3A_80 = arith.index_cast %add3A_79 : i32 to index
    %swap3A_81 = tpu.vector_load %arg18[%swap3A_80] {strides = array<i32>} : memref<4128xf32, #tpu.memory_space<vmem>>, vector<16xf32>,
    tpu.vector_store %arg18[%swap3A_80], %broadcast_in_dim3A_3 {strides = array<i32>} : memref<4128xf32, #tpu.memory_space<vmem>>, vector<16xf32>,
    %add3A_82 = arith.addi %scan3A_22, %rem3A_27 : i32
    %jit3A = arith.constant 64 : i32
    %div3A = arith.divsi %add3A_82, %jit3A : i32
    %sign3A = arith.constant 0 : i32
    %sign3A_83 = arith.cmpi sgt, %add3A_82, %sign3A : i32
    %sign3A_84 = arith.extui %sign3A_83 : i1 to i32
    %sign3A_85 = arith.constant 0 : i32
    %sign3A_86 = arith.cmpi slt, %add3A_82, %sign3A_85 : i32
    %sign3A_87 = arith.extui %sign3A_86 : i1 to i32
    %sign3A_88 = arith.subi %sign3A_84, %sign3A_87 : i32
    %sign3A_89 = arith.constant 0 : i32
    %sign3A_90 = arith.cmpi sgt, %jit3A, %sign3A_89 : i32
    %sign3A_91 = arith.extui %sign3A_90 : i1 to i32
    %sign3A_92 = arith.constant 0 : i32
    %sign3A_93 = arith.cmpi slt, %jit3A, %sign3A_92 : i32
    %sign3A_94 = arith.extui %sign3A_93 : i1 to i32
    %sign3A_95 = arith.subi %sign3A_91, %sign3A_94 : i32
    %ne3A = arith.cmpi ne, %sign3A_88, %sign3A_95 : i32
    %rem3A_96 = arith.remsi %add3A_82, %jit3A : i32
    %ne3A_97 = arith.constant 0 : i32
    %ne3A_98 = arith.cmpi ne, %rem3A_96, %ne3A_97 : i32
    %and3A = arith.andi %ne3A, %ne3A_98 : i1
    %sub3A_99 = arith.constant 1 : i32
    %sub3A_100 = arith.subi %div3A, %sub3A_99 : i32
    %select_n3A = arith.select %and3A, %sub3A_100, %div3A : i32
    %while3A = arith.constant 0 : i32
    %while3A_101 = arith.constant 0 : i32
    %while3A_102 = arith.subi %select_n3A, %while3A : i32
    %while3A_103 = arith.addi %while3A, %while3A_102 : i32
    %while3A_104 = arith.constant 1 : i32
    %while3A_105 = arith.divsi %while3A_102, %while3A_104 : i32
    %while3A_106 = arith.muli %while3A_105, %while3A_104 : i32
    %while3A_107 = arith.addi %while3A, %while3A_106 : i32
    %while3A_108 = arith.constant 1 : i32
    %while3A_109 = scf.for %while3A_1184 = %while3A to %while3A_107 step %while3A_108 iter_args(%while3A_1185 = %while3A_101) -> (i32)  : i32 {
      %get3A_1186 = arith.constant 0 : i32
      %get3A_1187 = arith.index_cast %get3A_1186 : i32 to index
      %get3A_1188 = memref.load %arg23[%get3A_1187] : memref<1xi32, #tpu.memory_space<smem>>
      %mul3A_1189 = arith.constant 64 : i32
      %mul3A_1190 = arith.muli %while3A_1184, %mul3A_1189 : i32
      %mul3A_1191 = arith.constant 162240 : i32
      %mul3A_1192 = arith.muli %add3A, %mul3A_1191 : i32
      %add3A_1193 = arith.addi %mul3A_1192, %get3A_1188 : i32
      %mul3A_1194 = arith.constant 64 : i32
      %mul3A_1195 = arith.muli %while3A_1184, %mul3A_1194 : i32
      %add3A_1196 = arith.addi %add3A_1193, %mul3A_1195 : i32
      %multiple_of3A_1197 = tpu.assume_multiple %add3A_1196, 64 : i32
      "tpu.region"() ({
        %run_scoped3A = tpu.sem_alloc : memref<!tpu.dma_semaphore, #tpu.memory_space<semaphore_mem>>
        %dma_start3A_1217 = tpu.memref_slice %arg16[%mul3A_1190] : memref<4128xi32, #tpu.memory_space<vmem>> -> memref<64xi32, #tpu.memory_space<vmem>>
        %dma_start3A_1218 = tpu.memref_slice %arg5[%multiple_of3A_1197] : memref<5191680xi32, #tpu.memory_space<hbm>> -> memref<64xi32, #tpu.memory_space<hbm>>
        %dma_start3A_1219 = tpu.memref_slice %arg5[%multiple_of3A_1197] : memref<5191680xi32, #tpu.memory_space<hbm>> -> memref<64xi32, #tpu.memory_space<hbm>>
        %dma_start3A_1220 = tpu.memref_slice %arg16[%mul3A_1190] : memref<4128xi32, #tpu.memory_space<vmem>> -> memref<64xi32, #tpu.memory_space<vmem>>
        tpu.enqueue_dma source(%dma_start3A_1220 : memref<64xi32, #tpu.memory_space<vmem>>) target(%dma_start3A_1219 : memref<64xi32, #tpu.memory_space<hbm>>) target_semaphore(%run_scoped3A : memref<!tpu.dma_semaphore, #tpu.memory_space<semaphore_mem>>)
        %dma_wait3A = tpu.memref_slice %arg16[%mul3A_1190] : memref<4128xi32, #tpu.memory_space<vmem>> -> memref<64xi32, #tpu.memory_space<vmem>>
        %dma_wait3A_1221 = tpu.memref_slice %arg5[%multiple_of3A_1197] : memref<5191680xi32, #tpu.memory_space<hbm>> -> memref<64xi32, #tpu.memory_space<hbm>>
        %dma_wait3A_1222 = tpu.memref_slice %arg5[%multiple_of3A_1197] : memref<5191680xi32, #tpu.memory_space<hbm>> -> memref<64xi32, #tpu.memory_space<hbm>>
        %dma_wait3A_1223 = tpu.memref_slice %arg16[%mul3A_1190] : memref<4128xi32, #tpu.memory_space<vmem>> -> memref<64xi32, #tpu.memory_space<vmem>>
        tpu.wait_dma2 semaphore(%run_scoped3A : memref<!tpu.dma_semaphore, #tpu.memory_space<semaphore_mem>>) src(%dma_wait3A_1223 : memref<64xi32, #tpu.memory_space<vmem>>) dst(%dma_wait3A_1222 : memref<64xi32, #tpu.memory_space<hbm>>)
        tpu.yield
      }) : () -> ()
      %mul3A_1198 = arith.constant 64 : i32
      %mul3A_1199 = arith.muli %while3A_1184, %mul3A_1198 : i32
      %mul3A_1200 = arith.constant 162240 : i32
      %mul3A_1201 = arith.muli %add3A, %mul3A_1200 : i32
      %add3A_1202 = arith.addi %mul3A_1201, %get3A_1188 : i32
      %mul3A_1203 = arith.constant 64 : i32
      %mul3A_1204 = arith.muli %while3A_1184, %mul3A_1203 : i32
      %add3A_1205 = arith.addi %add3A_1202, %mul3A_1204 : i32
      %multiple_of3A_1206 = tpu.assume_multiple %add3A_1205, 64 : i32
      "tpu.region"() ({
        %run_scoped3A = tpu.sem_alloc : memref<!tpu.dma_semaphore, #tpu.memory_space<semaphore_mem>>
        %dma_start3A_1217 = tpu.memref_slice %arg17[%mul3A_1199] : memref<4128xi32, #tpu.memory_space<vmem>> -> memref<64xi32, #tpu.memory_space<vmem>>
        %dma_start3A_1218 = tpu.memref_slice %arg6[%multiple_of3A_1206] : memref<5191680xi32, #tpu.memory_space<hbm>> -> memref<64xi32, #tpu.memory_space<hbm>>
        %dma_start3A_1219 = tpu.memref_slice %arg6[%multiple_of3A_1206] : memref<5191680xi32, #tpu.memory_space<hbm>> -> memref<64xi32, #tpu.memory_space<hbm>>
        %dma_start3A_1220 = tpu.memref_slice %arg17[%mul3A_1199] : memref<4128xi32, #tpu.memory_space<vmem>> -> memref<64xi32, #tpu.memory_space<vmem>>
        tpu.enqueue_dma source(%dma_start3A_1220 : memref<64xi32, #tpu.memory_space<vmem>>) target(%dma_start3A_1219 : memref<64xi32, #tpu.memory_space<hbm>>) target_semaphore(%run_scoped3A : memref<!tpu.dma_semaphore, #tpu.memory_space<semaphore_mem>>)
        %dma_wait3A = tpu.memref_slice %arg17[%mul3A_1199] : memref<4128xi32, #tpu.memory_space<vmem>> -> memref<64xi32, #tpu.memory_space<vmem>>
        %dma_wait3A_1221 = tpu.memref_slice %arg6[%multiple_of3A_1206] : memref<5191680xi32, #tpu.memory_space<hbm>> -> memref<64xi32, #tpu.memory_space<hbm>>
        %dma_wait3A_1222 = tpu.memref_slice %arg6[%multiple_of3A_1206] : memref<5191680xi32, #tpu.memory_space<hbm>> -> memref<64xi32, #tpu.memory_space<hbm>>
        %dma_wait3A_1223 = tpu.memref_slice %arg17[%mul3A_1199] : memref<4128xi32, #tpu.memory_space<vmem>> -> memref<64xi32, #tpu.memory_space<vmem>>
        tpu.wait_dma2 semaphore(%run_scoped3A : memref<!tpu.dma_semaphore, #tpu.memory_space<semaphore_mem>>) src(%dma_wait3A_1223 : memref<64xi32, #tpu.memory_space<vmem>>) dst(%dma_wait3A_1222 : memref<64xi32, #tpu.memory_space<hbm>>)
        tpu.yield
      }) : () -> ()
      %mul3A_1207 = arith.constant 64 : i32
      %mul3A_1208 = arith.muli %while3A_1184, %mul3A_1207 : i32
      %mul3A_1209 = arith.constant 162240 : i32
      %mul3A_1210 = arith.muli %add3A, %mul3A_1209 : i32
      %add3A_1211 = arith.addi %mul3A_1210, %get3A_1188 : i32
      %mul3A_1212 = arith.constant 64 : i32
      %mul3A_1213 = arith.muli %while3A_1184, %mul3A_1212 : i32
      %add3A_1214 = arith.addi %add3A_1211, %mul3A_1213 : i32
      %multiple_of3A_1215 = tpu.assume_multiple %add3A_1214, 64 : i32
      "tpu.region"() ({
        %run_scoped3A = tpu.sem_alloc : memref<!tpu.dma_semaphore, #tpu.memory_space<semaphore_mem>>
        %dma_start3A_1217 = tpu.memref_slice %arg18[%mul3A_1208] : memref<4128xf32, #tpu.memory_space<vmem>> -> memref<64xf32, #tpu.memory_space<vmem>>
        %dma_start3A_1218 = tpu.memref_slice %arg7[%multiple_of3A_1215] : memref<5191680xf32, #tpu.memory_space<hbm>> -> memref<64xf32, #tpu.memory_space<hbm>>
        %dma_start3A_1219 = tpu.memref_slice %arg7[%multiple_of3A_1215] : memref<5191680xf32, #tpu.memory_space<hbm>> -> memref<64xf32, #tpu.memory_space<hbm>>
        %dma_start3A_1220 = tpu.memref_slice %arg18[%mul3A_1208] : memref<4128xf32, #tpu.memory_space<vmem>> -> memref<64xf32, #tpu.memory_space<vmem>>
        tpu.enqueue_dma source(%dma_start3A_1220 : memref<64xf32, #tpu.memory_space<vmem>>) target(%dma_start3A_1219 : memref<64xf32, #tpu.memory_space<hbm>>) target_semaphore(%run_scoped3A : memref<!tpu.dma_semaphore, #tpu.memory_space<semaphore_mem>>)
        %dma_wait3A = tpu.memref_slice %arg18[%mul3A_1208] : memref<4128xf32, #tpu.memory_space<vmem>> -> memref<64xf32, #tpu.memory_space<vmem>>
        %dma_wait3A_1221 = tpu.memref_slice %arg7[%multiple_of3A_1215] : memref<5191680xf32, #tpu.memory_space<hbm>> -> memref<64xf32, #tpu.memory_space<hbm>>
        %dma_wait3A_1222 = tpu.memref_slice %arg7[%multiple_of3A_1215] : memref<5191680xf32, #tpu.memory_space<hbm>> -> memref<64xf32, #tpu.memory_space<hbm>>
        %dma_wait3A_1223 = tpu.memref_slice %arg18[%mul3A_1208] : memref<4128xf32, #tpu.memory_space<vmem>> -> memref<64xf32, #tpu.memory_space<vmem>>
        tpu.wait_dma2 semaphore(%run_scoped3A : memref<!tpu.dma_semaphore, #tpu.memory_space<semaphore_mem>>) src(%dma_wait3A_1223 : memref<64xf32, #tpu.memory_space<vmem>>) dst(%dma_wait3A_1222 : memref<64xf32, #tpu.memory_space<hbm>>)
        tpu.yield
      }) : () -> ()
      %while3A_1216 = arith.constant 0 : i32
      scf.yield %while3A_1216 : i32
    }
    %while3A_110 = arith.constant 1 : i32
    %while3A_111 = scf.for %while3A_1184 = %while3A_107 to %while3A_103 step %while3A_110 iter_args(%while3A_1185 = %while3A_109) -> (i32)  : i32 {
      %get3A_1186 = arith.constant 0 : i32
      %get3A_1187 = arith.index_cast %get3A_1186 : i32 to index
      %get3A_1188 = memref.load %arg23[%get3A_1187] : memref<1xi32, #tpu.memory_space<smem>>
      %mul3A_1189 = arith.constant 64 : i32
      %mul3A_1190 = arith.muli %while3A_1184, %mul3A_1189 : i32
      %mul3A_1191 = arith.constant 162240 : i32
      %mul3A_1192 = arith.muli %add3A, %mul3A_1191 : i32
      %add3A_1193 = arith.addi %mul3A_1192, %get3A_1188 : i32
      %mul3A_1194 = arith.constant 64 : i32
      %mul3A_1195 = arith.muli %while3A_1184, %mul3A_1194 : i32
      %add3A_1196 = arith.addi %add3A_1193, %mul3A_1195 : i32
      %multiple_of3A_1197 = tpu.assume_multiple %add3A_1196, 64 : i32
      "tpu.region"() ({
        %run_scoped3A = tpu.sem_alloc : memref<!tpu.dma_semaphore, #tpu.memory_space<semaphore_mem>>
        %dma_start3A_1217 = tpu.memref_slice %arg16[%mul3A_1190] : memref<4128xi32, #tpu.memory_space<vmem>> -> memref<64xi32, #tpu.memory_space<vmem>>
        %dma_start3A_1218 = tpu.memref_slice %arg5[%multiple_of3A_1197] : memref<5191680xi32, #tpu.memory_space<hbm>> -> memref<64xi32, #tpu.memory_space<hbm>>
        %dma_start3A_1219 = tpu.memref_slice %arg5[%multiple_of3A_1197] : memref<5191680xi32, #tpu.memory_space<hbm>> -> memref<64xi32, #tpu.memory_space<hbm>>
        %dma_start3A_1220 = tpu.memref_slice %arg16[%mul3A_1190] : memref<4128xi32, #tpu.memory_space<vmem>> -> memref<64xi32, #tpu.memory_space<vmem>>
        tpu.enqueue_dma source(%dma_start3A_1220 : memref<64xi32, #tpu.memory_space<vmem>>) target(%dma_start3A_1219 : memref<64xi32, #tpu.memory_space<hbm>>) target_semaphore(%run_scoped3A : memref<!tpu.dma_semaphore, #tpu.memory_space<semaphore_mem>>)
        %dma_wait3A = tpu.memref_slice %arg16[%mul3A_1190] : memref<4128xi32, #tpu.memory_space<vmem>> -> memref<64xi32, #tpu.memory_space<vmem>>
        %dma_wait3A_1221 = tpu.memref_slice %arg5[%multiple_of3A_1197] : memref<5191680xi32, #tpu.memory_space<hbm>> -> memref<64xi32, #tpu.memory_space<hbm>>
        %dma_wait3A_1222 = tpu.memref_slice %arg5[%multiple_of3A_1197] : memref<5191680xi32, #tpu.memory_space<hbm>> -> memref<64xi32, #tpu.memory_space<hbm>>
        %dma_wait3A_1223 = tpu.memref_slice %arg16[%mul3A_1190] : memref<4128xi32, #tpu.memory_space<vmem>> -> memref<64xi32, #tpu.memory_space<vmem>>
        tpu.wait_dma2 semaphore(%run_scoped3A : memref<!tpu.dma_semaphore, #tpu.memory_space<semaphore_mem>>) src(%dma_wait3A_1223 : memref<64xi32, #tpu.memory_space<vmem>>) dst(%dma_wait3A_1222 : memref<64xi32, #tpu.memory_space<hbm>>)
        tpu.yield
      }) : () -> ()
      %mul3A_1198 = arith.constant 64 : i32
      %mul3A_1199 = arith.muli %while3A_1184, %mul3A_1198 : i32
      %mul3A_1200 = arith.constant 162240 : i32
      %mul3A_1201 = arith.muli %add3A, %mul3A_1200 : i32
      %add3A_1202 = arith.addi %mul3A_1201, %get3A_1188 : i32
      %mul3A_1203 = arith.constant 64 : i32
      %mul3A_1204 = arith.muli %while3A_1184, %mul3A_1203 : i32
      %add3A_1205 = arith.addi %add3A_1202, %mul3A_1204 : i32
      %multiple_of3A_1206 = tpu.assume_multiple %add3A_1205, 64 : i32
      "tpu.region"() ({
        %run_scoped3A = tpu.sem_alloc : memref<!tpu.dma_semaphore, #tpu.memory_space<semaphore_mem>>
        %dma_start3A_1217 = tpu.memref_slice %arg17[%mul3A_1199] : memref<4128xi32, #tpu.memory_space<vmem>> -> memref<64xi32, #tpu.memory_space<vmem>>
        %dma_start3A_1218 = tpu.memref_slice %arg6[%multiple_of3A_1206] : memref<5191680xi32, #tpu.memory_space<hbm>> -> memref<64xi32, #tpu.memory_space<hbm>>
        %dma_start3A_1219 = tpu.memref_slice %arg6[%multiple_of3A_1206] : memref<5191680xi32, #tpu.memory_space<hbm>> -> memref<64xi32, #tpu.memory_space<hbm>>
        %dma_start3A_1220 = tpu.memref_slice %arg17[%mul3A_1199] : memref<4128xi32, #tpu.memory_space<vmem>> -> memref<64xi32, #tpu.memory_space<vmem>>
        tpu.enqueue_dma source(%dma_start3A_1220 : memref<64xi32, #tpu.memory_space<vmem>>) target(%dma_start3A_1219 : memref<64xi32, #tpu.memory_space<hbm>>) target_semaphore(%run_scoped3A : memref<!tpu.dma_semaphore, #tpu.memory_space<semaphore_mem>>)
        %dma_wait3A = tpu.memref_slice %arg17[%mul3A_1199] : memref<4128xi32, #tpu.memory_space<vmem>> -> memref<64xi32, #tpu.memory_space<vmem>>
        %dma_wait3A_1221 = tpu.memref_slice %arg6[%multiple_of3A_1206] : memref<5191680xi32, #tpu.memory_space<hbm>> -> memref<64xi32, #tpu.memory_space<hbm>>
        %dma_wait3A_1222 = tpu.memref_slice %arg6[%multiple_of3A_1206] : memref<5191680xi32, #tpu.memory_space<hbm>> -> memref<64xi32, #tpu.memory_space<hbm>>
        %dma_wait3A_1223 = tpu.memref_slice %arg17[%mul3A_1199] : memref<4128xi32, #tpu.memory_space<vmem>> -> memref<64xi32, #tpu.memory_space<vmem>>
        tpu.wait_dma2 semaphore(%run_scoped3A : memref<!tpu.dma_semaphore, #tpu.memory_space<semaphore_mem>>) src(%dma_wait3A_1223 : memref<64xi32, #tpu.memory_space<vmem>>) dst(%dma_wait3A_1222 : memref<64xi32, #tpu.memory_space<hbm>>)
        tpu.yield
      }) : () -> ()
      %mul3A_1207 = arith.constant 64 : i32
      %mul3A_1208 = arith.muli %while3A_1184, %mul3A_1207 : i32
      %mul3A_1209 = arith.constant 162240 : i32
      %mul3A_1210 = arith.muli %add3A, %mul3A_1209 : i32
      %add3A_1211 = arith.addi %mul3A_1210, %get3A_1188 : i32
      %mul3A_1212 = arith.constant 64 : i32
      %mul3A_1213 = arith.muli %while3A_1184, %mul3A_1212 : i32
      %add3A_1214 = arith.addi %add3A_1211, %mul3A_1213 : i32
      %multiple_of3A_1215 = tpu.assume_multiple %add3A_1214, 64 : i32
      "tpu.region"() ({
        %run_scoped3A = tpu.sem_alloc : memref<!tpu.dma_semaphore, #tpu.memory_space<semaphore_mem>>
        %dma_start3A_1217 = tpu.memref_slice %arg18[%mul3A_1208] : memref<4128xf32, #tpu.memory_space<vmem>> -> memref<64xf32, #tpu.memory_space<vmem>>
        %dma_start3A_1218 = tpu.memref_slice %arg7[%multiple_of3A_1215] : memref<5191680xf32, #tpu.memory_space<hbm>> -> memref<64xf32, #tpu.memory_space<hbm>>
        %dma_start3A_1219 = tpu.memref_slice %arg7[%multiple_of3A_1215] : memref<5191680xf32, #tpu.memory_space<hbm>> -> memref<64xf32, #tpu.memory_space<hbm>>
        %dma_start3A_1220 = tpu.memref_slice %arg18[%mul3A_1208] : memref<4128xf32, #tpu.memory_space<vmem>> -> memref<64xf32, #tpu.memory_space<vmem>>
        tpu.enqueue_dma source(%dma_start3A_1220 : memref<64xf32, #tpu.memory_space<vmem>>) target(%dma_start3A_1219 : memref<64xf32, #tpu.memory_space<hbm>>) target_semaphore(%run_scoped3A : memref<!tpu.dma_semaphore, #tpu.memory_space<semaphore_mem>>)
        %dma_wait3A = tpu.memref_slice %arg18[%mul3A_1208] : memref<4128xf32, #tpu.memory_space<vmem>> -> memref<64xf32, #tpu.memory_space<vmem>>
        %dma_wait3A_1221 = tpu.memref_slice %arg7[%multiple_of3A_1215] : memref<5191680xf32, #tpu.memory_space<hbm>> -> memref<64xf32, #tpu.memory_space<hbm>>
        %dma_wait3A_1222 = tpu.memref_slice %arg7[%multiple_of3A_1215] : memref<5191680xf32, #tpu.memory_space<hbm>> -> memref<64xf32, #tpu.memory_space<hbm>>
        %dma_wait3A_1223 = tpu.memref_slice %arg18[%mul3A_1208] : memref<4128xf32, #tpu.memory_space<vmem>> -> memref<64xf32, #tpu.memory_space<vmem>>
        tpu.wait_dma2 semaphore(%run_scoped3A : memref<!tpu.dma_semaphore, #tpu.memory_space<semaphore_mem>>) src(%dma_wait3A_1223 : memref<64xf32, #tpu.memory_space<vmem>>) dst(%dma_wait3A_1222 : memref<64xf32, #tpu.memory_space<hbm>>)
        tpu.yield
      }) : () -> ()
      %while3A_1216 = arith.constant 0 : i32
      scf.yield %while3A_1216 : i32
    }
    %get3A = arith.constant 0 : i32
    %get3A_112 = arith.index_cast %get3A : i32 to index
    %get3A_113 = memref.load %arg23[%get3A_112] : memref<1xi32, #tpu.memory_space<smem>>
    %add3A_114 = arith.addi %get3A_113, %add3A_82 : i32
    %broadcast_in_dim3A_115 = vector.broadcast %add3A_114 : i32 to vector<16xi32>
    %swap3A_116 = arith.constant 0 : index
    %swap3A_117 = tpu.vector_load %arg21[%swap3A_116] {strides = array<i32>} : memref<16xi32, #tpu.memory_space<vmem>>, vector<16xi32>,
    tpu.vector_store %arg21[%swap3A_116], %broadcast_in_dim3A_115 {strides = array<i32>} : memref<16xi32, #tpu.memory_space<vmem>>, vector<16xi32>,
    %mul3A_118 = arith.constant 16 : i32
    %mul3A_119 = arith.muli %add3A, %mul3A_118 : i32
    %multiple_of3A = tpu.assume_multiple %mul3A_119, 16 : i32
    "tpu.region"() ({
      %run_scoped3A = tpu.sem_alloc : memref<!tpu.dma_semaphore, #tpu.memory_space<semaphore_mem>>
      %dma_start3A_1184 = tpu.memref_slice %arg8[%multiple_of3A] : memref<512xi32, #tpu.memory_space<hbm>> -> memref<16xi32, #tpu.memory_space<hbm>>
      %dma_start3A_1185 = tpu.memref_slice %arg8[%multiple_of3A] : memref<512xi32, #tpu.memory_space<hbm>> -> memref<16xi32, #tpu.memory_space<hbm>>
      tpu.enqueue_dma source(%arg21 : memref<16xi32, #tpu.memory_space<vmem>>) target(%dma_start3A_1185 : memref<16xi32, #tpu.memory_space<hbm>>) target_semaphore(%run_scoped3A : memref<!tpu.dma_semaphore, #tpu.memory_space<semaphore_mem>>)
      %dma_wait3A = tpu.memref_slice %arg8[%multiple_of3A] : memref<512xi32, #tpu.memory_space<hbm>> -> memref<16xi32, #tpu.memory_space<hbm>>
      %dma_wait3A_1186 = tpu.memref_slice %arg8[%multiple_of3A] : memref<512xi32, #tpu.memory_space<hbm>> -> memref<16xi32, #tpu.memory_space<hbm>>
      tpu.wait_dma2 semaphore(%run_scoped3A : memref<!tpu.dma_semaphore, #tpu.memory_space<semaphore_mem>>) src(%arg21 : memref<16xi32, #tpu.memory_space<vmem>>) dst(%dma_wait3A_1186 : memref<16xi32, #tpu.memory_space<hbm>>)
      tpu.yield
    }) : () -> ()
    %scan3A_120 = arith.constant 0 : i32
    %scan3A_121 = arith.constant 0 : i32
    %scan3A_122 = arith.constant 320 : i32
    %scan3A_123 = arith.addi %scan3A_121, %scan3A_122 : i32
    %scan3A_124 = arith.constant 1 : i32
    %scan3A_125 = scf.for %scan3A_1184 = %scan3A_121 to %scan3A_123 step %scan3A_124 iter_args(%scan3A_1185 = %scan3A_120) -> (i32)  : i32 {
      %mul3A_1186 = arith.constant 16 : i32
      %mul3A_1187 = arith.muli %scan3A_1184, %mul3A_1186 : i32
      %swap3A_1188 = arith.index_cast %mul3A_1187 : i32 to index
      %swap3A_1189 = tpu.vector_load %arg19[%swap3A_1188] {strides = array<i32>} : memref<5120xf32, #tpu.memory_space<vmem>>, vector<16xf32>,
      tpu.vector_store %arg19[%swap3A_1188], %broadcast_in_dim3A_3 {strides = array<i32>} : memref<5120xf32, #tpu.memory_space<vmem>>, vector<16xf32>,
      %scan3A_1190 = arith.constant 0 : i32
      scf.yield %scan3A_1190 : i32
    }
    %scan3A_126 = arith.constant 320 : i32
    %add3A_127 = arith.constant 1999 : i32
    %add3A_128 = arith.addi %add3A_114, %add3A_127 : i32
    %div3A_129 = arith.constant 2000 : i32
    %div3A_130 = arith.divsi %add3A_128, %div3A_129 : i32
    %while3A_131 = arith.constant 0 : i32
    %while3A_132 = arith.constant 0 : i32
    %while3A_133 = arith.subi %div3A_130, %while3A_131 : i32
    %while3A_134 = arith.addi %while3A_131, %while3A_133 : i32
    %while3A_135 = arith.constant 1 : i32
    %while3A_136 = arith.divsi %while3A_133, %while3A_135 : i32
    %while3A_137 = arith.muli %while3A_136, %while3A_135 : i32
    %while3A_138 = arith.addi %while3A_131, %while3A_137 : i32
    %while3A_139 = arith.constant 1 : i32
    %while3A_140 = scf.for %while3A_1184 = %while3A_131 to %while3A_138 step %while3A_139 iter_args(%while3A_1185 = %while3A_132) -> (i32)  : i32 {
      %mul3A_1186 = arith.constant 162240 : i32
      %mul3A_1187 = arith.muli %add3A, %mul3A_1186 : i32
      %mul3A_1188 = arith.constant 2000 : i32
      %mul3A_1189 = arith.muli %while3A_1184, %mul3A_1188 : i32
      %add3A_1190 = arith.addi %mul3A_1187, %mul3A_1189 : i32
      %multiple_of3A_1191 = tpu.assume_multiple %add3A_1190, 16 : i32
      "tpu.region"() ({
        %run_scoped3A = tpu.sem_alloc : memref<!tpu.dma_semaphore, #tpu.memory_space<semaphore_mem>>
        %dma_start3A_1200 = tpu.memref_slice %arg6[%multiple_of3A_1191] : memref<5191680xi32, #tpu.memory_space<hbm>> -> memref<2000xi32, #tpu.memory_space<hbm>>
        %dma_start3A_1201 = tpu.memref_slice %arg6[%multiple_of3A_1191] : memref<5191680xi32, #tpu.memory_space<hbm>> -> memref<2000xi32, #tpu.memory_space<hbm>>
        tpu.enqueue_dma source(%dma_start3A_1201 : memref<2000xi32, #tpu.memory_space<hbm>>) target(%arg12 : memref<2000xi32, #tpu.memory_space<vmem>>) target_semaphore(%run_scoped3A : memref<!tpu.dma_semaphore, #tpu.memory_space<semaphore_mem>>)
        %dma_wait3A = tpu.memref_slice %arg6[%multiple_of3A_1191] : memref<5191680xi32, #tpu.memory_space<hbm>> -> memref<2000xi32, #tpu.memory_space<hbm>>
        %dma_wait3A_1202 = tpu.memref_slice %arg6[%multiple_of3A_1191] : memref<5191680xi32, #tpu.memory_space<hbm>> -> memref<2000xi32, #tpu.memory_space<hbm>>
        tpu.wait_dma2 semaphore(%run_scoped3A : memref<!tpu.dma_semaphore, #tpu.memory_space<semaphore_mem>>) src(%dma_wait3A_1202 : memref<2000xi32, #tpu.memory_space<hbm>>) dst(%arg12 : memref<2000xi32, #tpu.memory_space<vmem>>)
        tpu.yield
      }) : () -> ()
      "tpu.region"() ({
        %run_scoped3A = tpu.sem_alloc : memref<!tpu.dma_semaphore, #tpu.memory_space<semaphore_mem>>
        %dma_start3A_1200 = tpu.memref_slice %arg7[%multiple_of3A_1191] : memref<5191680xf32, #tpu.memory_space<hbm>> -> memref<2000xf32, #tpu.memory_space<hbm>>
        %dma_start3A_1201 = tpu.memref_slice %arg7[%multiple_of3A_1191] : memref<5191680xf32, #tpu.memory_space<hbm>> -> memref<2000xf32, #tpu.memory_space<hbm>>
        tpu.enqueue_dma source(%dma_start3A_1201 : memref<2000xf32, #tpu.memory_space<hbm>>) target(%arg14 : memref<2000xf32, #tpu.memory_space<vmem>>) target_semaphore(%run_scoped3A : memref<!tpu.dma_semaphore, #tpu.memory_space<semaphore_mem>>)
        %dma_wait3A = tpu.memref_slice %arg7[%multiple_of3A_1191] : memref<5191680xf32, #tpu.memory_space<hbm>> -> memref<2000xf32, #tpu.memory_space<hbm>>
        %dma_wait3A_1202 = tpu.memref_slice %arg7[%multiple_of3A_1191] : memref<5191680xf32, #tpu.memory_space<hbm>> -> memref<2000xf32, #tpu.memory_space<hbm>>
        tpu.wait_dma2 semaphore(%run_scoped3A : memref<!tpu.dma_semaphore, #tpu.memory_space<semaphore_mem>>) src(%dma_wait3A_1202 : memref<2000xf32, #tpu.memory_space<hbm>>) dst(%arg14 : memref<2000xf32, #tpu.memory_space<vmem>>)
        tpu.yield
      }) : () -> ()
      %scan3A_1192 = arith.constant 0 : i32
      %scan3A_1193 = arith.constant 0 : i32
      %scan3A_1194 = arith.constant 125 : i32
      %scan3A_1195 = arith.addi %scan3A_1193, %scan3A_1194 : i32
      %scan3A_1196 = arith.constant 1 : i32
      %scan3A_1197 = scf.for %scan3A_1200 = %scan3A_1193 to %scan3A_1195 step %scan3A_1196 iter_args(%scan3A_1201 = %scan3A_1192) -> (i32)  : i32 {
        %mul3A_1202 = arith.constant 2000 : i32
        %mul3A_1203 = arith.muli %while3A_1184, %mul3A_1202 : i32
        %mul3A_1204 = arith.constant 16 : i32
        %mul3A_1205 = arith.muli %scan3A_1200, %mul3A_1204 : i32
        %add3A_1206 = arith.addi %mul3A_1203, %mul3A_1205 : i32
        %add3A_1207 = vector.broadcast %add3A_1206 : i32 to vector<16xi32>
        %add3A_1208 = arith.addi %add3A_1207, %iota3A : vector<16xi32>
        %lt3A = vector.broadcast %add3A_114 : i32 to vector<16xi32>
        %lt3A_1209 = arith.cmpi slt, %add3A_1208, %lt3A : vector<16xi32>
        %mul3A_1210 = arith.constant 16 : i32
        %mul3A_1211 = arith.muli %scan3A_1200, %mul3A_1210 : i32
        %get3A_1212 = arith.index_cast %mul3A_1211 : i32 to index
        %get3A_1213 = tpu.vector_load %arg12[%get3A_1212] {strides = array<i32>} : memref<2000xi32, #tpu.memory_space<vmem>>, vector<16xi32>,
        %sub3A_1214 = vector.broadcast %mul3A_2 : i32 to vector<16xi32>
        %sub3A_1215 = arith.subi %get3A_1213, %sub3A_1214 : vector<16xi32>
        %max3A = arith.constant 0 : i32
        %max3A_1216 = vector.broadcast %max3A : i32 to vector<16xi32>
        %max3A_1217 = arith.maxsi %sub3A_1215, %max3A_1216 : vector<16xi32>
        %min3A = arith.constant 319 : i32
        %min3A_1218 = vector.broadcast %min3A : i32 to vector<16xi32>
        %min3A_1219 = arith.minsi %max3A_1217, %min3A_1218 : vector<16xi32>
        %mul3A_1220 = arith.constant 16 : i32
        %mul3A_1221 = arith.muli %scan3A_1200, %mul3A_1220 : i32
        %get3A_1222 = arith.index_cast %mul3A_1221 : i32 to index
        %get3A_1223 = tpu.vector_load %arg14[%get3A_1222] {strides = array<i32>} : memref<2000xf32, #tpu.memory_space<vmem>>, vector<16xf32>,
        %jit3A_1224 = arith.constant 0.000000e+00 : f32
        %broadcast_in_dim3A_1225 = vector.broadcast %jit3A_1224 : f32 to vector<16xf32>
        %select_n3A_1226 = arith.select %lt3A_1209, %get3A_1223, %broadcast_in_dim3A_1225 : vector<16xi1>, vector<16xf32>
        %mul3A_1227 = arith.constant 320 : i32
        %mul3A_1228 = vector.broadcast %mul3A_1227 : i32 to vector<16xi32>
        %mul3A_1229 = arith.muli %iota3A, %mul3A_1228 : vector<16xi32>
        %add3A_1230 = arith.addi %mul3A_1229, %min3A_1219 : vector<16xi32>
        tpu.vector_store_idx %arg19[%add3A_1230], %select_n3A_1226 {add = true} : memref<5120xf32, #tpu.memory_space<vmem>>[vector<16xi32>], vector<16xf32>,
        %scan3A_1231 = arith.constant 0 : i32
        scf.yield %scan3A_1231 : i32
      }
      %scan3A_1198 = arith.constant 125 : i32
      %while3A_1199 = arith.constant 0 : i32
      scf.yield %while3A_1199 : i32
    }
    %while3A_141 = arith.constant 1 : i32
    %while3A_142 = scf.for %while3A_1184 = %while3A_138 to %while3A_134 step %while3A_141 iter_args(%while3A_1185 = %while3A_140) -> (i32)  : i32 {
      %mul3A_1186 = arith.constant 162240 : i32
      %mul3A_1187 = arith.muli %add3A, %mul3A_1186 : i32
      %mul3A_1188 = arith.constant 2000 : i32
      %mul3A_1189 = arith.muli %while3A_1184, %mul3A_1188 : i32
      %add3A_1190 = arith.addi %mul3A_1187, %mul3A_1189 : i32
      %multiple_of3A_1191 = tpu.assume_multiple %add3A_1190, 16 : i32
      "tpu.region"() ({
        %run_scoped3A = tpu.sem_alloc : memref<!tpu.dma_semaphore, #tpu.memory_space<semaphore_mem>>
        %dma_start3A_1200 = tpu.memref_slice %arg6[%multiple_of3A_1191] : memref<5191680xi32, #tpu.memory_space<hbm>> -> memref<2000xi32, #tpu.memory_space<hbm>>
        %dma_start3A_1201 = tpu.memref_slice %arg6[%multiple_of3A_1191] : memref<5191680xi32, #tpu.memory_space<hbm>> -> memref<2000xi32, #tpu.memory_space<hbm>>
        tpu.enqueue_dma source(%dma_start3A_1201 : memref<2000xi32, #tpu.memory_space<hbm>>) target(%arg12 : memref<2000xi32, #tpu.memory_space<vmem>>) target_semaphore(%run_scoped3A : memref<!tpu.dma_semaphore, #tpu.memory_space<semaphore_mem>>)
        %dma_wait3A = tpu.memref_slice %arg6[%multiple_of3A_1191] : memref<5191680xi32, #tpu.memory_space<hbm>> -> memref<2000xi32, #tpu.memory_space<hbm>>
        %dma_wait3A_1202 = tpu.memref_slice %arg6[%multiple_of3A_1191] : memref<5191680xi32, #tpu.memory_space<hbm>> -> memref<2000xi32, #tpu.memory_space<hbm>>
        tpu.wait_dma2 semaphore(%run_scoped3A : memref<!tpu.dma_semaphore, #tpu.memory_space<semaphore_mem>>) src(%dma_wait3A_1202 : memref<2000xi32, #tpu.memory_space<hbm>>) dst(%arg12 : memref<2000xi32, #tpu.memory_space<vmem>>)
        tpu.yield
      }) : () -> ()
      "tpu.region"() ({
        %run_scoped3A = tpu.sem_alloc : memref<!tpu.dma_semaphore, #tpu.memory_space<semaphore_mem>>
        %dma_start3A_1200 = tpu.memref_slice %arg7[%multiple_of3A_1191] : memref<5191680xf32, #tpu.memory_space<hbm>> -> memref<2000xf32, #tpu.memory_space<hbm>>
        %dma_start3A_1201 = tpu.memref_slice %arg7[%multiple_of3A_1191] : memref<5191680xf32, #tpu.memory_space<hbm>> -> memref<2000xf32, #tpu.memory_space<hbm>>
        tpu.enqueue_dma source(%dma_start3A_1201 : memref<2000xf32, #tpu.memory_space<hbm>>) target(%arg14 : memref<2000xf32, #tpu.memory_space<vmem>>) target_semaphore(%run_scoped3A : memref<!tpu.dma_semaphore, #tpu.memory_space<semaphore_mem>>)
        %dma_wait3A = tpu.memref_slice %arg7[%multiple_of3A_1191] : memref<5191680xf32, #tpu.memory_space<hbm>> -> memref<2000xf32, #tpu.memory_space<hbm>>
        %dma_wait3A_1202 = tpu.memref_slice %arg7[%multiple_of3A_1191] : memref<5191680xf32, #tpu.memory_space<hbm>> -> memref<2000xf32, #tpu.memory_space<hbm>>
        tpu.wait_dma2 semaphore(%run_scoped3A : memref<!tpu.dma_semaphore, #tpu.memory_space<semaphore_mem>>) src(%dma_wait3A_1202 : memref<2000xf32, #tpu.memory_space<hbm>>) dst(%arg14 : memref<2000xf32, #tpu.memory_space<vmem>>)
        tpu.yield
      }) : () -> ()
      %scan3A_1192 = arith.constant 0 : i32
      %scan3A_1193 = arith.constant 0 : i32
      %scan3A_1194 = arith.constant 125 : i32
      %scan3A_1195 = arith.addi %scan3A_1193, %scan3A_1194 : i32
      %scan3A_1196 = arith.constant 1 : i32
      %scan3A_1197 = scf.for %scan3A_1200 = %scan3A_1193 to %scan3A_1195 step %scan3A_1196 iter_args(%scan3A_1201 = %scan3A_1192) -> (i32)  : i32 {
        %mul3A_1202 = arith.constant 2000 : i32
        %mul3A_1203 = arith.muli %while3A_1184, %mul3A_1202 : i32
        %mul3A_1204 = arith.constant 16 : i32
        %mul3A_1205 = arith.muli %scan3A_1200, %mul3A_1204 : i32
        %add3A_1206 = arith.addi %mul3A_1203, %mul3A_1205 : i32
        %add3A_1207 = vector.broadcast %add3A_1206 : i32 to vector<16xi32>
        %add3A_1208 = arith.addi %add3A_1207, %iota3A : vector<16xi32>
        %lt3A = vector.broadcast %add3A_114 : i32 to vector<16xi32>
        %lt3A_1209 = arith.cmpi slt, %add3A_1208, %lt3A : vector<16xi32>
        %mul3A_1210 = arith.constant 16 : i32
        %mul3A_1211 = arith.muli %scan3A_1200, %mul3A_1210 : i32
        %get3A_1212 = arith.index_cast %mul3A_1211 : i32 to index
        %get3A_1213 = tpu.vector_load %arg12[%get3A_1212] {strides = array<i32>} : memref<2000xi32, #tpu.memory_space<vmem>>, vector<16xi32>,
        %sub3A_1214 = vector.broadcast %mul3A_2 : i32 to vector<16xi32>
        %sub3A_1215 = arith.subi %get3A_1213, %sub3A_1214 : vector<16xi32>
        %max3A = arith.constant 0 : i32
        %max3A_1216 = vector.broadcast %max3A : i32 to vector<16xi32>
        %max3A_1217 = arith.maxsi %sub3A_1215, %max3A_1216 : vector<16xi32>
        %min3A = arith.constant 319 : i32
        %min3A_1218 = vector.broadcast %min3A : i32 to vector<16xi32>
        %min3A_1219 = arith.minsi %max3A_1217, %min3A_1218 : vector<16xi32>
        %mul3A_1220 = arith.constant 16 : i32
        %mul3A_1221 = arith.muli %scan3A_1200, %mul3A_1220 : i32
        %get3A_1222 = arith.index_cast %mul3A_1221 : i32 to index
        %get3A_1223 = tpu.vector_load %arg14[%get3A_1222] {strides = array<i32>} : memref<2000xf32, #tpu.memory_space<vmem>>, vector<16xf32>,
        %jit3A_1224 = arith.constant 0.000000e+00 : f32
        %broadcast_in_dim3A_1225 = vector.broadcast %jit3A_1224 : f32 to vector<16xf32>
        %select_n3A_1226 = arith.select %lt3A_1209, %get3A_1223, %broadcast_in_dim3A_1225 : vector<16xi1>, vector<16xf32>
        %mul3A_1227 = arith.constant 320 : i32
        %mul3A_1228 = vector.broadcast %mul3A_1227 : i32 to vector<16xi32>
        %mul3A_1229 = arith.muli %iota3A, %mul3A_1228 : vector<16xi32>
        %add3A_1230 = arith.addi %mul3A_1229, %min3A_1219 : vector<16xi32>
        tpu.vector_store_idx %arg19[%add3A_1230], %select_n3A_1226 {add = true} : memref<5120xf32, #tpu.memory_space<vmem>>[vector<16xi32>], vector<16xf32>,
        %scan3A_1231 = arith.constant 0 : i32
        scf.yield %scan3A_1231 : i32
      }
      %scan3A_1198 = arith.constant 125 : i32
      %while3A_1199 = arith.constant 0 : i32
      scf.yield %while3A_1199 : i32
    }
    %broadcast_in_dim3A_143 = arith.constant 2.000000e+00 : f32
    %broadcast_in_dim3A_144 = vector.broadcast %broadcast_in_dim3A_143 : f32 to vector<16xf32>
    %get3A_145 = arith.constant 0 : index
    %get3A_146 = tpu.vector_load %arg19[%get3A_145] {strides = array<i32>} : memref<5120xf32, #tpu.memory_space<vmem>>, vector<16xf32>,
    %add3A_147 = arith.addf %broadcast_in_dim3A_144, %get3A_146 : vector<16xf32>
    %get3A_148 = arith.constant 320 : index
    %get3A_149 = tpu.vector_load %arg19[%get3A_148] {strides = array<i32>} : memref<5120xf32, #tpu.memory_space<vmem>>, vector<16xf32>,
    %add3A_150 = arith.addf %add3A_147, %get3A_149 : vector<16xf32>
    %get3A_151 = arith.constant 640 : index
    %get3A_152 = tpu.vector_load %arg19[%get3A_151] {strides = array<i32>} : memref<5120xf32, #tpu.memory_space<vmem>>, vector<16xf32>,
    %add3A_153 = arith.addf %add3A_150, %get3A_152 : vector<16xf32>
    %get3A_154 = arith.constant 960 : index
    %get3A_155 = tpu.vector_load %arg19[%get3A_154] {strides = array<i32>} : memref<5120xf32, #tpu.memory_space<vmem>>, vector<16xf32>,
    %add3A_156 = arith.addf %add3A_153, %get3A_155 : vector<16xf32>
    %get3A_157 = arith.constant 1280 : index
    %get3A_158 = tpu.vector_load %arg19[%get3A_157] {strides = array<i32>} : memref<5120xf32, #tpu.memory_space<vmem>>, vector<16xf32>,
    %add3A_159 = arith.addf %add3A_156, %get3A_158 : vector<16xf32>
    %get3A_160 = arith.constant 1600 : index
    %get3A_161 = tpu.vector_load %arg19[%get3A_160] {strides = array<i32>} : memref<5120xf32, #tpu.memory_space<vmem>>, vector<16xf32>,
    %add3A_162 = arith.addf %add3A_159, %get3A_161 : vector<16xf32>
    %get3A_163 = arith.constant 1920 : index
    %get3A_164 = tpu.vector_load %arg19[%get3A_163] {strides = array<i32>} : memref<5120xf32, #tpu.memory_space<vmem>>, vector<16xf32>,
    %add3A_165 = arith.addf %add3A_162, %get3A_164 : vector<16xf32>
    %get3A_166 = arith.constant 2240 : index
    %get3A_167 = tpu.vector_load %arg19[%get3A_166] {strides = array<i32>} : memref<5120xf32, #tpu.memory_space<vmem>>, vector<16xf32>,
    %add3A_168 = arith.addf %add3A_165, %get3A_167 : vector<16xf32>
    %get3A_169 = arith.constant 2560 : index
    %get3A_170 = tpu.vector_load %arg19[%get3A_169] {strides = array<i32>} : memref<5120xf32, #tpu.memory_space<vmem>>, vector<16xf32>,
    %add3A_171 = arith.addf %add3A_168, %get3A_170 : vector<16xf32>
    %get3A_172 = arith.constant 2880 : index
    %get3A_173 = tpu.vector_load %arg19[%get3A_172] {strides = array<i32>} : memref<5120xf32, #tpu.memory_space<vmem>>, vector<16xf32>,
    %add3A_174 = arith.addf %add3A_171, %get3A_173 : vector<16xf32>
    %get3A_175 = arith.constant 3200 : index
    %get3A_176 = tpu.vector_load %arg19[%get3A_175] {strides = array<i32>} : memref<5120xf32, #tpu.memory_space<vmem>>, vector<16xf32>,
    %add3A_177 = arith.addf %add3A_174, %get3A_176 : vector<16xf32>
    %get3A_178 = arith.constant 3520 : index
    %get3A_179 = tpu.vector_load %arg19[%get3A_178] {strides = array<i32>} : memref<5120xf32, #tpu.memory_space<vmem>>, vector<16xf32>,
    %add3A_180 = arith.addf %add3A_177, %get3A_179 : vector<16xf32>
    %get3A_181 = arith.constant 3840 : index
    %get3A_182 = tpu.vector_load %arg19[%get3A_181] {strides = array<i32>} : memref<5120xf32, #tpu.memory_space<vmem>>, vector<16xf32>,
    %add3A_183 = arith.addf %add3A_180, %get3A_182 : vector<16xf32>
    %get3A_184 = arith.constant 4160 : index
    %get3A_185 = tpu.vector_load %arg19[%get3A_184] {strides = array<i32>} : memref<5120xf32, #tpu.memory_space<vmem>>, vector<16xf32>,
    %add3A_186 = arith.addf %add3A_183, %get3A_185 : vector<16xf32>
    %get3A_187 = arith.constant 4480 : index
    %get3A_188 = tpu.vector_load %arg19[%get3A_187] {strides = array<i32>} : memref<5120xf32, #tpu.memory_space<vmem>>, vector<16xf32>,
    %add3A_189 = arith.addf %add3A_186, %get3A_188 : vector<16xf32>
    %get3A_190 = arith.constant 4800 : index
    %get3A_191 = tpu.vector_load %arg19[%get3A_190] {strides = array<i32>} : memref<5120xf32, #tpu.memory_space<vmem>>, vector<16xf32>,
    %add3A_192 = arith.addf %add3A_189, %get3A_191 : vector<16xf32>
    %swap3A_193 = arith.constant 0 : index
    %swap3A_194 = tpu.vector_load %arg20[%swap3A_193] {strides = array<i32>} : memref<320xf32, #tpu.memory_space<vmem>>, vector<16xf32>,
    tpu.vector_store %arg20[%swap3A_193], %add3A_192 {strides = array<i32>} : memref<320xf32, #tpu.memory_space<vmem>>, vector<16xf32>,
    %broadcast_in_dim3A_195 = arith.constant 2.000000e+00 : f32
    %broadcast_in_dim3A_196 = vector.broadcast %broadcast_in_dim3A_195 : f32 to vector<16xf32>
    %get3A_197 = arith.constant 16 : index
    %get3A_198 = tpu.vector_load %arg19[%get3A_197] {strides = array<i32>} : memref<5120xf32, #tpu.memory_space<vmem>>, vector<16xf32>,
    %add3A_199 = arith.addf %broadcast_in_dim3A_196, %get3A_198 : vector<16xf32>
    %get3A_200 = arith.constant 336 : index
    %get3A_201 = tpu.vector_load %arg19[%get3A_200] {strides = array<i32>} : memref<5120xf32, #tpu.memory_space<vmem>>, vector<16xf32>,
    %add3A_202 = arith.addf %add3A_199, %get3A_201 : vector<16xf32>
    %get3A_203 = arith.constant 656 : index
    %get3A_204 = tpu.vector_load %arg19[%get3A_203] {strides = array<i32>} : memref<5120xf32, #tpu.memory_space<vmem>>, vector<16xf32>,
    %add3A_205 = arith.addf %add3A_202, %get3A_204 : vector<16xf32>
    %get3A_206 = arith.constant 976 : index
    %get3A_207 = tpu.vector_load %arg19[%get3A_206] {strides = array<i32>} : memref<5120xf32, #tpu.memory_space<vmem>>, vector<16xf32>,
    %add3A_208 = arith.addf %add3A_205, %get3A_207 : vector<16xf32>
    %get3A_209 = arith.constant 1296 : index
    %get3A_210 = tpu.vector_load %arg19[%get3A_209] {strides = array<i32>} : memref<5120xf32, #tpu.memory_space<vmem>>, vector<16xf32>,
    %add3A_211 = arith.addf %add3A_208, %get3A_210 : vector<16xf32>
    %get3A_212 = arith.constant 1616 : index
    %get3A_213 = tpu.vector_load %arg19[%get3A_212] {strides = array<i32>} : memref<5120xf32, #tpu.memory_space<vmem>>, vector<16xf32>,
    %add3A_214 = arith.addf %add3A_211, %get3A_213 : vector<16xf32>
    %get3A_215 = arith.constant 1936 : index
    %get3A_216 = tpu.vector_load %arg19[%get3A_215] {strides = array<i32>} : memref<5120xf32, #tpu.memory_space<vmem>>, vector<16xf32>,
    %add3A_217 = arith.addf %add3A_214, %get3A_216 : vector<16xf32>
    %get3A_218 = arith.constant 2256 : index
    %get3A_219 = tpu.vector_load %arg19[%get3A_218] {strides = array<i32>} : memref<5120xf32, #tpu.memory_space<vmem>>, vector<16xf32>,
    %add3A_220 = arith.addf %add3A_217, %get3A_219 : vector<16xf32>
    %get3A_221 = arith.constant 2576 : index
    %get3A_222 = tpu.vector_load %arg19[%get3A_221] {strides = array<i32>} : memref<5120xf32, #tpu.memory_space<vmem>>, vector<16xf32>,
    %add3A_223 = arith.addf %add3A_220, %get3A_222 : vector<16xf32>
    %get3A_224 = arith.constant 2896 : index
    %get3A_225 = tpu.vector_load %arg19[%get3A_224] {strides = array<i32>} : memref<5120xf32, #tpu.memory_space<vmem>>, vector<16xf32>,
    %add3A_226 = arith.addf %add3A_223, %get3A_225 : vector<16xf32>
    %get3A_227 = arith.constant 3216 : index
    %get3A_228 = tpu.vector_load %arg19[%get3A_227] {strides = array<i32>} : memref<5120xf32, #tpu.memory_space<vmem>>, vector<16xf32>,
    %add3A_229 = arith.addf %add3A_226, %get3A_228 : vector<16xf32>
    %get3A_230 = arith.constant 3536 : index
    %get3A_231 = tpu.vector_load %arg19[%get3A_230] {strides = array<i32>} : memref<5120xf32, #tpu.memory_space<vmem>>, vector<16xf32>,
    %add3A_232 = arith.addf %add3A_229, %get3A_231 : vector<16xf32>
    %get3A_233 = arith.constant 3856 : index
    %get3A_234 = tpu.vector_load %arg19[%get3A_233] {strides = array<i32>} : memref<5120xf32, #tpu.memory_space<vmem>>, vector<16xf32>,
    %add3A_235 = arith.addf %add3A_232, %get3A_234 : vector<16xf32>
    %get3A_236 = arith.constant 4176 : index
    %get3A_237 = tpu.vector_load %arg19[%get3A_236] {strides = array<i32>} : memref<5120xf32, #tpu.memory_space<vmem>>, vector<16xf32>,
    %add3A_238 = arith.addf %add3A_235, %get3A_237 : vector<16xf32>
    %get3A_239 = arith.constant 4496 : index
    %get3A_240 = tpu.vector_load %arg19[%get3A_239] {strides = array<i32>} : memref<5120xf32, #tpu.memory_space<vmem>>, vector<16xf32>,
    %add3A_241 = arith.addf %add3A_238, %get3A_240 : vector<16xf32>
    %get3A_242 = arith.constant 4816 : index
    %get3A_243 = tpu.vector_load %arg19[%get3A_242] {strides = array<i32>} : memref<5120xf32, #tpu.memory_space<vmem>>, vector<16xf32>,
    %add3A_244 = arith.addf %add3A_241, %get3A_243 : vector<16xf32>
    %swap3A_245 = arith.constant 16 : index
    %swap3A_246 = tpu.vector_load %arg20[%swap3A_245] {strides = array<i32>} : memref<320xf32, #tpu.memory_space<vmem>>, vector<16xf32>,
    tpu.vector_store %arg20[%swap3A_245], %add3A_244 {strides = array<i32>} : memref<320xf32, #tpu.memory_space<vmem>>, vector<16xf32>,
    %broadcast_in_dim3A_247 = arith.constant 2.000000e+00 : f32
    %broadcast_in_dim3A_248 = vector.broadcast %broadcast_in_dim3A_247 : f32 to vector<16xf32>
    %get3A_249 = arith.constant 32 : index
    %get3A_250 = tpu.vector_load %arg19[%get3A_249] {strides = array<i32>} : memref<5120xf32, #tpu.memory_space<vmem>>, vector<16xf32>,
    %add3A_251 = arith.addf %broadcast_in_dim3A_248, %get3A_250 : vector<16xf32>
    %get3A_252 = arith.constant 352 : index
    %get3A_253 = tpu.vector_load %arg19[%get3A_252] {strides = array<i32>} : memref<5120xf32, #tpu.memory_space<vmem>>, vector<16xf32>,
    %add3A_254 = arith.addf %add3A_251, %get3A_253 : vector<16xf32>
    %get3A_255 = arith.constant 672 : index
    %get3A_256 = tpu.vector_load %arg19[%get3A_255] {strides = array<i32>} : memref<5120xf32, #tpu.memory_space<vmem>>, vector<16xf32>,
    %add3A_257 = arith.addf %add3A_254, %get3A_256 : vector<16xf32>
    %get3A_258 = arith.constant 992 : index
    %get3A_259 = tpu.vector_load %arg19[%get3A_258] {strides = array<i32>} : memref<5120xf32, #tpu.memory_space<vmem>>, vector<16xf32>,
    %add3A_260 = arith.addf %add3A_257, %get3A_259 : vector<16xf32>
    %get3A_261 = arith.constant 1312 : index
    %get3A_262 = tpu.vector_load %arg19[%get3A_261] {strides = array<i32>} : memref<5120xf32, #tpu.memory_space<vmem>>, vector<16xf32>,
    %add3A_263 = arith.addf %add3A_260, %get3A_262 : vector<16xf32>
    %get3A_264 = arith.constant 1632 : index
    %get3A_265 = tpu.vector_load %arg19[%get3A_264] {strides = array<i32>} : memref<5120xf32, #tpu.memory_space<vmem>>, vector<16xf32>,
    %add3A_266 = arith.addf %add3A_263, %get3A_265 : vector<16xf32>
    %get3A_267 = arith.constant 1952 : index
    %get3A_268 = tpu.vector_load %arg19[%get3A_267] {strides = array<i32>} : memref<5120xf32, #tpu.memory_space<vmem>>, vector<16xf32>,
    %add3A_269 = arith.addf %add3A_266, %get3A_268 : vector<16xf32>
    %get3A_270 = arith.constant 2272 : index
    %get3A_271 = tpu.vector_load %arg19[%get3A_270] {strides = array<i32>} : memref<5120xf32, #tpu.memory_space<vmem>>, vector<16xf32>,
    %add3A_272 = arith.addf %add3A_269, %get3A_271 : vector<16xf32>
    %get3A_273 = arith.constant 2592 : index
    %get3A_274 = tpu.vector_load %arg19[%get3A_273] {strides = array<i32>} : memref<5120xf32, #tpu.memory_space<vmem>>, vector<16xf32>,
    %add3A_275 = arith.addf %add3A_272, %get3A_274 : vector<16xf32>
    %get3A_276 = arith.constant 2912 : index
    %get3A_277 = tpu.vector_load %arg19[%get3A_276] {strides = array<i32>} : memref<5120xf32, #tpu.memory_space<vmem>>, vector<16xf32>,
    %add3A_278 = arith.addf %add3A_275, %get3A_277 : vector<16xf32>
    %get3A_279 = arith.constant 3232 : index
    %get3A_280 = tpu.vector_load %arg19[%get3A_279] {strides = array<i32>} : memref<5120xf32, #tpu.memory_space<vmem>>, vector<16xf32>,
    %add3A_281 = arith.addf %add3A_278, %get3A_280 : vector<16xf32>
    %get3A_282 = arith.constant 3552 : index
    %get3A_283 = tpu.vector_load %arg19[%get3A_282] {strides = array<i32>} : memref<5120xf32, #tpu.memory_space<vmem>>, vector<16xf32>,
    %add3A_284 = arith.addf %add3A_281, %get3A_283 : vector<16xf32>
    %get3A_285 = arith.constant 3872 : index
    %get3A_286 = tpu.vector_load %arg19[%get3A_285] {strides = array<i32>} : memref<5120xf32, #tpu.memory_space<vmem>>, vector<16xf32>,
    %add3A_287 = arith.addf %add3A_284, %get3A_286 : vector<16xf32>
    %get3A_288 = arith.constant 4192 : index
    %get3A_289 = tpu.vector_load %arg19[%get3A_288] {strides = array<i32>} : memref<5120xf32, #tpu.memory_space<vmem>>, vector<16xf32>,
    %add3A_290 = arith.addf %add3A_287, %get3A_289 : vector<16xf32>
    %get3A_291 = arith.constant 4512 : index
    %get3A_292 = tpu.vector_load %arg19[%get3A_291] {strides = array<i32>} : memref<5120xf32, #tpu.memory_space<vmem>>, vector<16xf32>,
    %add3A_293 = arith.addf %add3A_290, %get3A_292 : vector<16xf32>
    %get3A_294 = arith.constant 4832 : index
    %get3A_295 = tpu.vector_load %arg19[%get3A_294] {strides = array<i32>} : memref<5120xf32, #tpu.memory_space<vmem>>, vector<16xf32>,
    %add3A_296 = arith.addf %add3A_293, %get3A_295 : vector<16xf32>
    %swap3A_297 = arith.constant 32 : index
    %swap3A_298 = tpu.vector_load %arg20[%swap3A_297] {strides = array<i32>} : memref<320xf32, #tpu.memory_space<vmem>>, vector<16xf32>,
    tpu.vector_store %arg20[%swap3A_297], %add3A_296 {strides = array<i32>} : memref<320xf32, #tpu.memory_space<vmem>>, vector<16xf32>,
    %broadcast_in_dim3A_299 = arith.constant 2.000000e+00 : f32
    %broadcast_in_dim3A_300 = vector.broadcast %broadcast_in_dim3A_299 : f32 to vector<16xf32>
    %get3A_301 = arith.constant 48 : index
    %get3A_302 = tpu.vector_load %arg19[%get3A_301] {strides = array<i32>} : memref<5120xf32, #tpu.memory_space<vmem>>, vector<16xf32>,
    %add3A_303 = arith.addf %broadcast_in_dim3A_300, %get3A_302 : vector<16xf32>
    %get3A_304 = arith.constant 368 : index
    %get3A_305 = tpu.vector_load %arg19[%get3A_304] {strides = array<i32>} : memref<5120xf32, #tpu.memory_space<vmem>>, vector<16xf32>,
    %add3A_306 = arith.addf %add3A_303, %get3A_305 : vector<16xf32>
    %get3A_307 = arith.constant 688 : index
    %get3A_308 = tpu.vector_load %arg19[%get3A_307] {strides = array<i32>} : memref<5120xf32, #tpu.memory_space<vmem>>, vector<16xf32>,
    %add3A_309 = arith.addf %add3A_306, %get3A_308 : vector<16xf32>
    %get3A_310 = arith.constant 1008 : index
    %get3A_311 = tpu.vector_load %arg19[%get3A_310] {strides = array<i32>} : memref<5120xf32, #tpu.memory_space<vmem>>, vector<16xf32>,
    %add3A_312 = arith.addf %add3A_309, %get3A_311 : vector<16xf32>
    %get3A_313 = arith.constant 1328 : index
    %get3A_314 = tpu.vector_load %arg19[%get3A_313] {strides = array<i32>} : memref<5120xf32, #tpu.memory_space<vmem>>, vector<16xf32>,
    %add3A_315 = arith.addf %add3A_312, %get3A_314 : vector<16xf32>
    %get3A_316 = arith.constant 1648 : index
    %get3A_317 = tpu.vector_load %arg19[%get3A_316] {strides = array<i32>} : memref<5120xf32, #tpu.memory_space<vmem>>, vector<16xf32>,
    %add3A_318 = arith.addf %add3A_315, %get3A_317 : vector<16xf32>
    %get3A_319 = arith.constant 1968 : index
    %get3A_320 = tpu.vector_load %arg19[%get3A_319] {strides = array<i32>} : memref<5120xf32, #tpu.memory_space<vmem>>, vector<16xf32>,
    %add3A_321 = arith.addf %add3A_318, %get3A_320 : vector<16xf32>
    %get3A_322 = arith.constant 2288 : index
    %get3A_323 = tpu.vector_load %arg19[%get3A_322] {strides = array<i32>} : memref<5120xf32, #tpu.memory_space<vmem>>, vector<16xf32>,
    %add3A_324 = arith.addf %add3A_321, %get3A_323 : vector<16xf32>
    %get3A_325 = arith.constant 2608 : index
    %get3A_326 = tpu.vector_load %arg19[%get3A_325] {strides = array<i32>} : memref<5120xf32, #tpu.memory_space<vmem>>, vector<16xf32>,
    %add3A_327 = arith.addf %add3A_324, %get3A_326 : vector<16xf32>
    %get3A_328 = arith.constant 2928 : index
    %get3A_329 = tpu.vector_load %arg19[%get3A_328] {strides = array<i32>} : memref<5120xf32, #tpu.memory_space<vmem>>, vector<16xf32>,
    %add3A_330 = arith.addf %add3A_327, %get3A_329 : vector<16xf32>
    %get3A_331 = arith.constant 3248 : index
    %get3A_332 = tpu.vector_load %arg19[%get3A_331] {strides = array<i32>} : memref<5120xf32, #tpu.memory_space<vmem>>, vector<16xf32>,
    %add3A_333 = arith.addf %add3A_330, %get3A_332 : vector<16xf32>
    %get3A_334 = arith.constant 3568 : index
    %get3A_335 = tpu.vector_load %arg19[%get3A_334] {strides = array<i32>} : memref<5120xf32, #tpu.memory_space<vmem>>, vector<16xf32>,
    %add3A_336 = arith.addf %add3A_333, %get3A_335 : vector<16xf32>
    %get3A_337 = arith.constant 3888 : index
    %get3A_338 = tpu.vector_load %arg19[%get3A_337] {strides = array<i32>} : memref<5120xf32, #tpu.memory_space<vmem>>, vector<16xf32>,
    %add3A_339 = arith.addf %add3A_336, %get3A_338 : vector<16xf32>
    %get3A_340 = arith.constant 4208 : index
    %get3A_341 = tpu.vector_load %arg19[%get3A_340] {strides = array<i32>} : memref<5120xf32, #tpu.memory_space<vmem>>, vector<16xf32>,
    %add3A_342 = arith.addf %add3A_339, %get3A_341 : vector<16xf32>
    %get3A_343 = arith.constant 4528 : index
    %get3A_344 = tpu.vector_load %arg19[%get3A_343] {strides = array<i32>} : memref<5120xf32, #tpu.memory_space<vmem>>, vector<16xf32>,
    %add3A_345 = arith.addf %add3A_342, %get3A_344 : vector<16xf32>
    %get3A_346 = arith.constant 4848 : index
    %get3A_347 = tpu.vector_load %arg19[%get3A_346] {strides = array<i32>} : memref<5120xf32, #tpu.memory_space<vmem>>, vector<16xf32>,
    %add3A_348 = arith.addf %add3A_345, %get3A_347 : vector<16xf32>
    %swap3A_349 = arith.constant 48 : index
    %swap3A_350 = tpu.vector_load %arg20[%swap3A_349] {strides = array<i32>} : memref<320xf32, #tpu.memory_space<vmem>>, vector<16xf32>,
    tpu.vector_store %arg20[%swap3A_349], %add3A_348 {strides = array<i32>} : memref<320xf32, #tpu.memory_space<vmem>>, vector<16xf32>,
    %broadcast_in_dim3A_351 = arith.constant 2.000000e+00 : f32
    %broadcast_in_dim3A_352 = vector.broadcast %broadcast_in_dim3A_351 : f32 to vector<16xf32>
    %get3A_353 = arith.constant 64 : index
    %get3A_354 = tpu.vector_load %arg19[%get3A_353] {strides = array<i32>} : memref<5120xf32, #tpu.memory_space<vmem>>, vector<16xf32>,
    %add3A_355 = arith.addf %broadcast_in_dim3A_352, %get3A_354 : vector<16xf32>
    %get3A_356 = arith.constant 384 : index
    %get3A_357 = tpu.vector_load %arg19[%get3A_356] {strides = array<i32>} : memref<5120xf32, #tpu.memory_space<vmem>>, vector<16xf32>,
    %add3A_358 = arith.addf %add3A_355, %get3A_357 : vector<16xf32>
    %get3A_359 = arith.constant 704 : index
    %get3A_360 = tpu.vector_load %arg19[%get3A_359] {strides = array<i32>} : memref<5120xf32, #tpu.memory_space<vmem>>, vector<16xf32>,
    %add3A_361 = arith.addf %add3A_358, %get3A_360 : vector<16xf32>
    %get3A_362 = arith.constant 1024 : index
    %get3A_363 = tpu.vector_load %arg19[%get3A_362] {strides = array<i32>} : memref<5120xf32, #tpu.memory_space<vmem>>, vector<16xf32>,
    %add3A_364 = arith.addf %add3A_361, %get3A_363 : vector<16xf32>
    %get3A_365 = arith.constant 1344 : index
    %get3A_366 = tpu.vector_load %arg19[%get3A_365] {strides = array<i32>} : memref<5120xf32, #tpu.memory_space<vmem>>, vector<16xf32>,
    %add3A_367 = arith.addf %add3A_364, %get3A_366 : vector<16xf32>
    %get3A_368 = arith.constant 1664 : index
    %get3A_369 = tpu.vector_load %arg19[%get3A_368] {strides = array<i32>} : memref<5120xf32, #tpu.memory_space<vmem>>, vector<16xf32>,
    %add3A_370 = arith.addf %add3A_367, %get3A_369 : vector<16xf32>
    %get3A_371 = arith.constant 1984 : index
    %get3A_372 = tpu.vector_load %arg19[%get3A_371] {strides = array<i32>} : memref<5120xf32, #tpu.memory_space<vmem>>, vector<16xf32>,
    %add3A_373 = arith.addf %add3A_370, %get3A_372 : vector<16xf32>
    %get3A_374 = arith.constant 2304 : index
    %get3A_375 = tpu.vector_load %arg19[%get3A_374] {strides = array<i32>} : memref<5120xf32, #tpu.memory_space<vmem>>, vector<16xf32>,
    %add3A_376 = arith.addf %add3A_373, %get3A_375 : vector<16xf32>
    %get3A_377 = arith.constant 2624 : index
    %get3A_378 = tpu.vector_load %arg19[%get3A_377] {strides = array<i32>} : memref<5120xf32, #tpu.memory_space<vmem>>, vector<16xf32>,
    %add3A_379 = arith.addf %add3A_376, %get3A_378 : vector<16xf32>
    %get3A_380 = arith.constant 2944 : index
    %get3A_381 = tpu.vector_load %arg19[%get3A_380] {strides = array<i32>} : memref<5120xf32, #tpu.memory_space<vmem>>, vector<16xf32>,
    %add3A_382 = arith.addf %add3A_379, %get3A_381 : vector<16xf32>
    %get3A_383 = arith.constant 3264 : index
    %get3A_384 = tpu.vector_load %arg19[%get3A_383] {strides = array<i32>} : memref<5120xf32, #tpu.memory_space<vmem>>, vector<16xf32>,
    %add3A_385 = arith.addf %add3A_382, %get3A_384 : vector<16xf32>
    %get3A_386 = arith.constant 3584 : index
    %get3A_387 = tpu.vector_load %arg19[%get3A_386] {strides = array<i32>} : memref<5120xf32, #tpu.memory_space<vmem>>, vector<16xf32>,
    %add3A_388 = arith.addf %add3A_385, %get3A_387 : vector<16xf32>
    %get3A_389 = arith.constant 3904 : index
    %get3A_390 = tpu.vector_load %arg19[%get3A_389] {strides = array<i32>} : memref<5120xf32, #tpu.memory_space<vmem>>, vector<16xf32>,
    %add3A_391 = arith.addf %add3A_388, %get3A_390 : vector<16xf32>
    %get3A_392 = arith.constant 4224 : index
    %get3A_393 = tpu.vector_load %arg19[%get3A_392] {strides = array<i32>} : memref<5120xf32, #tpu.memory_space<vmem>>, vector<16xf32>,
    %add3A_394 = arith.addf %add3A_391, %get3A_393 : vector<16xf32>
    %get3A_395 = arith.constant 4544 : index
    %get3A_396 = tpu.vector_load %arg19[%get3A_395] {strides = array<i32>} : memref<5120xf32, #tpu.memory_space<vmem>>, vector<16xf32>,
    %add3A_397 = arith.addf %add3A_394, %get3A_396 : vector<16xf32>
    %get3A_398 = arith.constant 4864 : index
    %get3A_399 = tpu.vector_load %arg19[%get3A_398] {strides = array<i32>} : memref<5120xf32, #tpu.memory_space<vmem>>, vector<16xf32>,
    %add3A_400 = arith.addf %add3A_397, %get3A_399 : vector<16xf32>
    %swap3A_401 = arith.constant 64 : index
    %swap3A_402 = tpu.vector_load %arg20[%swap3A_401] {strides = array<i32>} : memref<320xf32, #tpu.memory_space<vmem>>, vector<16xf32>,
    tpu.vector_store %arg20[%swap3A_401], %add3A_400 {strides = array<i32>} : memref<320xf32, #tpu.memory_space<vmem>>, vector<16xf32>,
    %broadcast_in_dim3A_403 = arith.constant 2.000000e+00 : f32
    %broadcast_in_dim3A_404 = vector.broadcast %broadcast_in_dim3A_403 : f32 to vector<16xf32>
    %get3A_405 = arith.constant 80 : index
    %get3A_406 = tpu.vector_load %arg19[%get3A_405] {strides = array<i32>} : memref<5120xf32, #tpu.memory_space<vmem>>, vector<16xf32>,
    %add3A_407 = arith.addf %broadcast_in_dim3A_404, %get3A_406 : vector<16xf32>
    %get3A_408 = arith.constant 400 : index
    %get3A_409 = tpu.vector_load %arg19[%get3A_408] {strides = array<i32>} : memref<5120xf32, #tpu.memory_space<vmem>>, vector<16xf32>,
    %add3A_410 = arith.addf %add3A_407, %get3A_409 : vector<16xf32>
    %get3A_411 = arith.constant 720 : index
    %get3A_412 = tpu.vector_load %arg19[%get3A_411] {strides = array<i32>} : memref<5120xf32, #tpu.memory_space<vmem>>, vector<16xf32>,
    %add3A_413 = arith.addf %add3A_410, %get3A_412 : vector<16xf32>
    %get3A_414 = arith.constant 1040 : index
    %get3A_415 = tpu.vector_load %arg19[%get3A_414] {strides = array<i32>} : memref<5120xf32, #tpu.memory_space<vmem>>, vector<16xf32>,
    %add3A_416 = arith.addf %add3A_413, %get3A_415 : vector<16xf32>
    %get3A_417 = arith.constant 1360 : index
    %get3A_418 = tpu.vector_load %arg19[%get3A_417] {strides = array<i32>} : memref<5120xf32, #tpu.memory_space<vmem>>, vector<16xf32>,
    %add3A_419 = arith.addf %add3A_416, %get3A_418 : vector<16xf32>
    %get3A_420 = arith.constant 1680 : index
    %get3A_421 = tpu.vector_load %arg19[%get3A_420] {strides = array<i32>} : memref<5120xf32, #tpu.memory_space<vmem>>, vector<16xf32>,
    %add3A_422 = arith.addf %add3A_419, %get3A_421 : vector<16xf32>
    %get3A_423 = arith.constant 2000 : index
    %get3A_424 = tpu.vector_load %arg19[%get3A_423] {strides = array<i32>} : memref<5120xf32, #tpu.memory_space<vmem>>, vector<16xf32>,
    %add3A_425 = arith.addf %add3A_422, %get3A_424 : vector<16xf32>
    %get3A_426 = arith.constant 2320 : index
    %get3A_427 = tpu.vector_load %arg19[%get3A_426] {strides = array<i32>} : memref<5120xf32, #tpu.memory_space<vmem>>, vector<16xf32>,
    %add3A_428 = arith.addf %add3A_425, %get3A_427 : vector<16xf32>
    %get3A_429 = arith.constant 2640 : index
    %get3A_430 = tpu.vector_load %arg19[%get3A_429] {strides = array<i32>} : memref<5120xf32, #tpu.memory_space<vmem>>, vector<16xf32>,
    %add3A_431 = arith.addf %add3A_428, %get3A_430 : vector<16xf32>
    %get3A_432 = arith.constant 2960 : index
    %get3A_433 = tpu.vector_load %arg19[%get3A_432] {strides = array<i32>} : memref<5120xf32, #tpu.memory_space<vmem>>, vector<16xf32>,
    %add3A_434 = arith.addf %add3A_431, %get3A_433 : vector<16xf32>
    %get3A_435 = arith.constant 3280 : index
    %get3A_436 = tpu.vector_load %arg19[%get3A_435] {strides = array<i32>} : memref<5120xf32, #tpu.memory_space<vmem>>, vector<16xf32>,
    %add3A_437 = arith.addf %add3A_434, %get3A_436 : vector<16xf32>
    %get3A_438 = arith.constant 3600 : index
    %get3A_439 = tpu.vector_load %arg19[%get3A_438] {strides = array<i32>} : memref<5120xf32, #tpu.memory_space<vmem>>, vector<16xf32>,
    %add3A_440 = arith.addf %add3A_437, %get3A_439 : vector<16xf32>
    %get3A_441 = arith.constant 3920 : index
    %get3A_442 = tpu.vector_load %arg19[%get3A_441] {strides = array<i32>} : memref<5120xf32, #tpu.memory_space<vmem>>, vector<16xf32>,
    %add3A_443 = arith.addf %add3A_440, %get3A_442 : vector<16xf32>
    %get3A_444 = arith.constant 4240 : index
    %get3A_445 = tpu.vector_load %arg19[%get3A_444] {strides = array<i32>} : memref<5120xf32, #tpu.memory_space<vmem>>, vector<16xf32>,
    %add3A_446 = arith.addf %add3A_443, %get3A_445 : vector<16xf32>
    %get3A_447 = arith.constant 4560 : index
    %get3A_448 = tpu.vector_load %arg19[%get3A_447] {strides = array<i32>} : memref<5120xf32, #tpu.memory_space<vmem>>, vector<16xf32>,
    %add3A_449 = arith.addf %add3A_446, %get3A_448 : vector<16xf32>
    %get3A_450 = arith.constant 4880 : index
    %get3A_451 = tpu.vector_load %arg19[%get3A_450] {strides = array<i32>} : memref<5120xf32, #tpu.memory_space<vmem>>, vector<16xf32>,
    %add3A_452 = arith.addf %add3A_449, %get3A_451 : vector<16xf32>
    %swap3A_453 = arith.constant 80 : index
    %swap3A_454 = tpu.vector_load %arg20[%swap3A_453] {strides = array<i32>} : memref<320xf32, #tpu.memory_space<vmem>>, vector<16xf32>,
    tpu.vector_store %arg20[%swap3A_453], %add3A_452 {strides = array<i32>} : memref<320xf32, #tpu.memory_space<vmem>>, vector<16xf32>,
    %broadcast_in_dim3A_455 = arith.constant 2.000000e+00 : f32
    %broadcast_in_dim3A_456 = vector.broadcast %broadcast_in_dim3A_455 : f32 to vector<16xf32>
    %get3A_457 = arith.constant 96 : index
    %get3A_458 = tpu.vector_load %arg19[%get3A_457] {strides = array<i32>} : memref<5120xf32, #tpu.memory_space<vmem>>, vector<16xf32>,
    %add3A_459 = arith.addf %broadcast_in_dim3A_456, %get3A_458 : vector<16xf32>
    %get3A_460 = arith.constant 416 : index
    %get3A_461 = tpu.vector_load %arg19[%get3A_460] {strides = array<i32>} : memref<5120xf32, #tpu.memory_space<vmem>>, vector<16xf32>,
    %add3A_462 = arith.addf %add3A_459, %get3A_461 : vector<16xf32>
    %get3A_463 = arith.constant 736 : index
    %get3A_464 = tpu.vector_load %arg19[%get3A_463] {strides = array<i32>} : memref<5120xf32, #tpu.memory_space<vmem>>, vector<16xf32>,
    %add3A_465 = arith.addf %add3A_462, %get3A_464 : vector<16xf32>
    %get3A_466 = arith.constant 1056 : index
    %get3A_467 = tpu.vector_load %arg19[%get3A_466] {strides = array<i32>} : memref<5120xf32, #tpu.memory_space<vmem>>, vector<16xf32>,
    %add3A_468 = arith.addf %add3A_465, %get3A_467 : vector<16xf32>
    %get3A_469 = arith.constant 1376 : index
    %get3A_470 = tpu.vector_load %arg19[%get3A_469] {strides = array<i32>} : memref<5120xf32, #tpu.memory_space<vmem>>, vector<16xf32>,
    %add3A_471 = arith.addf %add3A_468, %get3A_470 : vector<16xf32>
    %get3A_472 = arith.constant 1696 : index
    %get3A_473 = tpu.vector_load %arg19[%get3A_472] {strides = array<i32>} : memref<5120xf32, #tpu.memory_space<vmem>>, vector<16xf32>,
    %add3A_474 = arith.addf %add3A_471, %get3A_473 : vector<16xf32>
    %get3A_475 = arith.constant 2016 : index
    %get3A_476 = tpu.vector_load %arg19[%get3A_475] {strides = array<i32>} : memref<5120xf32, #tpu.memory_space<vmem>>, vector<16xf32>,
    %add3A_477 = arith.addf %add3A_474, %get3A_476 : vector<16xf32>
    %get3A_478 = arith.constant 2336 : index
    %get3A_479 = tpu.vector_load %arg19[%get3A_478] {strides = array<i32>} : memref<5120xf32, #tpu.memory_space<vmem>>, vector<16xf32>,
    %add3A_480 = arith.addf %add3A_477, %get3A_479 : vector<16xf32>
    %get3A_481 = arith.constant 2656 : index
    %get3A_482 = tpu.vector_load %arg19[%get3A_481] {strides = array<i32>} : memref<5120xf32, #tpu.memory_space<vmem>>, vector<16xf32>,
    %add3A_483 = arith.addf %add3A_480, %get3A_482 : vector<16xf32>
    %get3A_484 = arith.constant 2976 : index
    %get3A_485 = tpu.vector_load %arg19[%get3A_484] {strides = array<i32>} : memref<5120xf32, #tpu.memory_space<vmem>>, vector<16xf32>,
    %add3A_486 = arith.addf %add3A_483, %get3A_485 : vector<16xf32>
    %get3A_487 = arith.constant 3296 : index
    %get3A_488 = tpu.vector_load %arg19[%get3A_487] {strides = array<i32>} : memref<5120xf32, #tpu.memory_space<vmem>>, vector<16xf32>,
    %add3A_489 = arith.addf %add3A_486, %get3A_488 : vector<16xf32>
    %get3A_490 = arith.constant 3616 : index
    %get3A_491 = tpu.vector_load %arg19[%get3A_490] {strides = array<i32>} : memref<5120xf32, #tpu.memory_space<vmem>>, vector<16xf32>,
    %add3A_492 = arith.addf %add3A_489, %get3A_491 : vector<16xf32>
    %get3A_493 = arith.constant 3936 : index
    %get3A_494 = tpu.vector_load %arg19[%get3A_493] {strides = array<i32>} : memref<5120xf32, #tpu.memory_space<vmem>>, vector<16xf32>,
    %add3A_495 = arith.addf %add3A_492, %get3A_494 : vector<16xf32>
    %get3A_496 = arith.constant 4256 : index
    %get3A_497 = tpu.vector_load %arg19[%get3A_496] {strides = array<i32>} : memref<5120xf32, #tpu.memory_space<vmem>>, vector<16xf32>,
    %add3A_498 = arith.addf %add3A_495, %get3A_497 : vector<16xf32>
    %get3A_499 = arith.constant 4576 : index
    %get3A_500 = tpu.vector_load %arg19[%get3A_499] {strides = array<i32>} : memref<5120xf32, #tpu.memory_space<vmem>>, vector<16xf32>,
    %add3A_501 = arith.addf %add3A_498, %get3A_500 : vector<16xf32>
    %get3A_502 = arith.constant 4896 : index
    %get3A_503 = tpu.vector_load %arg19[%get3A_502] {strides = array<i32>} : memref<5120xf32, #tpu.memory_space<vmem>>, vector<16xf32>,
    %add3A_504 = arith.addf %add3A_501, %get3A_503 : vector<16xf32>
    %swap3A_505 = arith.constant 96 : index
    %swap3A_506 = tpu.vector_load %arg20[%swap3A_505] {strides = array<i32>} : memref<320xf32, #tpu.memory_space<vmem>>, vector<16xf32>,
    tpu.vector_store %arg20[%swap3A_505], %add3A_504 {strides = array<i32>} : memref<320xf32, #tpu.memory_space<vmem>>, vector<16xf32>,
    %broadcast_in_dim3A_507 = arith.constant 2.000000e+00 : f32
    %broadcast_in_dim3A_508 = vector.broadcast %broadcast_in_dim3A_507 : f32 to vector<16xf32>
    %get3A_509 = arith.constant 112 : index
    %get3A_510 = tpu.vector_load %arg19[%get3A_509] {strides = array<i32>} : memref<5120xf32, #tpu.memory_space<vmem>>, vector<16xf32>,
    %add3A_511 = arith.addf %broadcast_in_dim3A_508, %get3A_510 : vector<16xf32>
    %get3A_512 = arith.constant 432 : index
    %get3A_513 = tpu.vector_load %arg19[%get3A_512] {strides = array<i32>} : memref<5120xf32, #tpu.memory_space<vmem>>, vector<16xf32>,
    %add3A_514 = arith.addf %add3A_511, %get3A_513 : vector<16xf32>
    %get3A_515 = arith.constant 752 : index
    %get3A_516 = tpu.vector_load %arg19[%get3A_515] {strides = array<i32>} : memref<5120xf32, #tpu.memory_space<vmem>>, vector<16xf32>,
    %add3A_517 = arith.addf %add3A_514, %get3A_516 : vector<16xf32>
    %get3A_518 = arith.constant 1072 : index
    %get3A_519 = tpu.vector_load %arg19[%get3A_518] {strides = array<i32>} : memref<5120xf32, #tpu.memory_space<vmem>>, vector<16xf32>,
    %add3A_520 = arith.addf %add3A_517, %get3A_519 : vector<16xf32>
    %get3A_521 = arith.constant 1392 : index
    %get3A_522 = tpu.vector_load %arg19[%get3A_521] {strides = array<i32>} : memref<5120xf32, #tpu.memory_space<vmem>>, vector<16xf32>,
    %add3A_523 = arith.addf %add3A_520, %get3A_522 : vector<16xf32>
    %get3A_524 = arith.constant 1712 : index
    %get3A_525 = tpu.vector_load %arg19[%get3A_524] {strides = array<i32>} : memref<5120xf32, #tpu.memory_space<vmem>>, vector<16xf32>,
    %add3A_526 = arith.addf %add3A_523, %get3A_525 : vector<16xf32>
    %get3A_527 = arith.constant 2032 : index
    %get3A_528 = tpu.vector_load %arg19[%get3A_527] {strides = array<i32>} : memref<5120xf32, #tpu.memory_space<vmem>>, vector<16xf32>,
    %add3A_529 = arith.addf %add3A_526, %get3A_528 : vector<16xf32>
    %get3A_530 = arith.constant 2352 : index
    %get3A_531 = tpu.vector_load %arg19[%get3A_530] {strides = array<i32>} : memref<5120xf32, #tpu.memory_space<vmem>>, vector<16xf32>,
    %add3A_532 = arith.addf %add3A_529, %get3A_531 : vector<16xf32>
    %get3A_533 = arith.constant 2672 : index
    %get3A_534 = tpu.vector_load %arg19[%get3A_533] {strides = array<i32>} : memref<5120xf32, #tpu.memory_space<vmem>>, vector<16xf32>,
    %add3A_535 = arith.addf %add3A_532, %get3A_534 : vector<16xf32>
    %get3A_536 = arith.constant 2992 : index
    %get3A_537 = tpu.vector_load %arg19[%get3A_536] {strides = array<i32>} : memref<5120xf32, #tpu.memory_space<vmem>>, vector<16xf32>,
    %add3A_538 = arith.addf %add3A_535, %get3A_537 : vector<16xf32>
    %get3A_539 = arith.constant 3312 : index
    %get3A_540 = tpu.vector_load %arg19[%get3A_539] {strides = array<i32>} : memref<5120xf32, #tpu.memory_space<vmem>>, vector<16xf32>,
    %add3A_541 = arith.addf %add3A_538, %get3A_540 : vector<16xf32>
    %get3A_542 = arith.constant 3632 : index
    %get3A_543 = tpu.vector_load %arg19[%get3A_542] {strides = array<i32>} : memref<5120xf32, #tpu.memory_space<vmem>>, vector<16xf32>,
    %add3A_544 = arith.addf %add3A_541, %get3A_543 : vector<16xf32>
    %get3A_545 = arith.constant 3952 : index
    %get3A_546 = tpu.vector_load %arg19[%get3A_545] {strides = array<i32>} : memref<5120xf32, #tpu.memory_space<vmem>>, vector<16xf32>,
    %add3A_547 = arith.addf %add3A_544, %get3A_546 : vector<16xf32>
    %get3A_548 = arith.constant 4272 : index
    %get3A_549 = tpu.vector_load %arg19[%get3A_548] {strides = array<i32>} : memref<5120xf32, #tpu.memory_space<vmem>>, vector<16xf32>,
    %add3A_550 = arith.addf %add3A_547, %get3A_549 : vector<16xf32>
    %get3A_551 = arith.constant 4592 : index
    %get3A_552 = tpu.vector_load %arg19[%get3A_551] {strides = array<i32>} : memref<5120xf32, #tpu.memory_space<vmem>>, vector<16xf32>,
    %add3A_553 = arith.addf %add3A_550, %get3A_552 : vector<16xf32>
    %get3A_554 = arith.constant 4912 : index
    %get3A_555 = tpu.vector_load %arg19[%get3A_554] {strides = array<i32>} : memref<5120xf32, #tpu.memory_space<vmem>>, vector<16xf32>,
    %add3A_556 = arith.addf %add3A_553, %get3A_555 : vector<16xf32>
    %swap3A_557 = arith.constant 112 : index
    %swap3A_558 = tpu.vector_load %arg20[%swap3A_557] {strides = array<i32>} : memref<320xf32, #tpu.memory_space<vmem>>, vector<16xf32>,
    tpu.vector_store %arg20[%swap3A_557], %add3A_556 {strides = array<i32>} : memref<320xf32, #tpu.memory_space<vmem>>, vector<16xf32>,
    %broadcast_in_dim3A_559 = arith.constant 2.000000e+00 : f32
    %broadcast_in_dim3A_560 = vector.broadcast %broadcast_in_dim3A_559 : f32 to vector<16xf32>
    %get3A_561 = arith.constant 128 : index
    %get3A_562 = tpu.vector_load %arg19[%get3A_561] {strides = array<i32>} : memref<5120xf32, #tpu.memory_space<vmem>>, vector<16xf32>,
    %add3A_563 = arith.addf %broadcast_in_dim3A_560, %get3A_562 : vector<16xf32>
    %get3A_564 = arith.constant 448 : index
    %get3A_565 = tpu.vector_load %arg19[%get3A_564] {strides = array<i32>} : memref<5120xf32, #tpu.memory_space<vmem>>, vector<16xf32>,
    %add3A_566 = arith.addf %add3A_563, %get3A_565 : vector<16xf32>
    %get3A_567 = arith.constant 768 : index
    %get3A_568 = tpu.vector_load %arg19[%get3A_567] {strides = array<i32>} : memref<5120xf32, #tpu.memory_space<vmem>>, vector<16xf32>,
    %add3A_569 = arith.addf %add3A_566, %get3A_568 : vector<16xf32>
    %get3A_570 = arith.constant 1088 : index
    %get3A_571 = tpu.vector_load %arg19[%get3A_570] {strides = array<i32>} : memref<5120xf32, #tpu.memory_space<vmem>>, vector<16xf32>,
    %add3A_572 = arith.addf %add3A_569, %get3A_571 : vector<16xf32>
    %get3A_573 = arith.constant 1408 : index
    %get3A_574 = tpu.vector_load %arg19[%get3A_573] {strides = array<i32>} : memref<5120xf32, #tpu.memory_space<vmem>>, vector<16xf32>,
    %add3A_575 = arith.addf %add3A_572, %get3A_574 : vector<16xf32>
    %get3A_576 = arith.constant 1728 : index
    %get3A_577 = tpu.vector_load %arg19[%get3A_576] {strides = array<i32>} : memref<5120xf32, #tpu.memory_space<vmem>>, vector<16xf32>,
    %add3A_578 = arith.addf %add3A_575, %get3A_577 : vector<16xf32>
    %get3A_579 = arith.constant 2048 : index
    %get3A_580 = tpu.vector_load %arg19[%get3A_579] {strides = array<i32>} : memref<5120xf32, #tpu.memory_space<vmem>>, vector<16xf32>,
    %add3A_581 = arith.addf %add3A_578, %get3A_580 : vector<16xf32>
    %get3A_582 = arith.constant 2368 : index
    %get3A_583 = tpu.vector_load %arg19[%get3A_582] {strides = array<i32>} : memref<5120xf32, #tpu.memory_space<vmem>>, vector<16xf32>,
    %add3A_584 = arith.addf %add3A_581, %get3A_583 : vector<16xf32>
    %get3A_585 = arith.constant 2688 : index
    %get3A_586 = tpu.vector_load %arg19[%get3A_585] {strides = array<i32>} : memref<5120xf32, #tpu.memory_space<vmem>>, vector<16xf32>,
    %add3A_587 = arith.addf %add3A_584, %get3A_586 : vector<16xf32>
    %get3A_588 = arith.constant 3008 : index
    %get3A_589 = tpu.vector_load %arg19[%get3A_588] {strides = array<i32>} : memref<5120xf32, #tpu.memory_space<vmem>>, vector<16xf32>,
    %add3A_590 = arith.addf %add3A_587, %get3A_589 : vector<16xf32>
    %get3A_591 = arith.constant 3328 : index
    %get3A_592 = tpu.vector_load %arg19[%get3A_591] {strides = array<i32>} : memref<5120xf32, #tpu.memory_space<vmem>>, vector<16xf32>,
    %add3A_593 = arith.addf %add3A_590, %get3A_592 : vector<16xf32>
    %get3A_594 = arith.constant 3648 : index
    %get3A_595 = tpu.vector_load %arg19[%get3A_594] {strides = array<i32>} : memref<5120xf32, #tpu.memory_space<vmem>>, vector<16xf32>,
    %add3A_596 = arith.addf %add3A_593, %get3A_595 : vector<16xf32>
    %get3A_597 = arith.constant 3968 : index
    %get3A_598 = tpu.vector_load %arg19[%get3A_597] {strides = array<i32>} : memref<5120xf32, #tpu.memory_space<vmem>>, vector<16xf32>,
    %add3A_599 = arith.addf %add3A_596, %get3A_598 : vector<16xf32>
    %get3A_600 = arith.constant 4288 : index
    %get3A_601 = tpu.vector_load %arg19[%get3A_600] {strides = array<i32>} : memref<5120xf32, #tpu.memory_space<vmem>>, vector<16xf32>,
    %add3A_602 = arith.addf %add3A_599, %get3A_601 : vector<16xf32>
    %get3A_603 = arith.constant 4608 : index
    %get3A_604 = tpu.vector_load %arg19[%get3A_603] {strides = array<i32>} : memref<5120xf32, #tpu.memory_space<vmem>>, vector<16xf32>,
    %add3A_605 = arith.addf %add3A_602, %get3A_604 : vector<16xf32>
    %get3A_606 = arith.constant 4928 : index
    %get3A_607 = tpu.vector_load %arg19[%get3A_606] {strides = array<i32>} : memref<5120xf32, #tpu.memory_space<vmem>>, vector<16xf32>,
    %add3A_608 = arith.addf %add3A_605, %get3A_607 : vector<16xf32>
    %swap3A_609 = arith.constant 128 : index
    %swap3A_610 = tpu.vector_load %arg20[%swap3A_609] {strides = array<i32>} : memref<320xf32, #tpu.memory_space<vmem>>, vector<16xf32>,
    tpu.vector_store %arg20[%swap3A_609], %add3A_608 {strides = array<i32>} : memref<320xf32, #tpu.memory_space<vmem>>, vector<16xf32>,
    %broadcast_in_dim3A_611 = arith.constant 2.000000e+00 : f32
    %broadcast_in_dim3A_612 = vector.broadcast %broadcast_in_dim3A_611 : f32 to vector<16xf32>
    %get3A_613 = arith.constant 144 : index
    %get3A_614 = tpu.vector_load %arg19[%get3A_613] {strides = array<i32>} : memref<5120xf32, #tpu.memory_space<vmem>>, vector<16xf32>,
    %add3A_615 = arith.addf %broadcast_in_dim3A_612, %get3A_614 : vector<16xf32>
    %get3A_616 = arith.constant 464 : index
    %get3A_617 = tpu.vector_load %arg19[%get3A_616] {strides = array<i32>} : memref<5120xf32, #tpu.memory_space<vmem>>, vector<16xf32>,
    %add3A_618 = arith.addf %add3A_615, %get3A_617 : vector<16xf32>
    %get3A_619 = arith.constant 784 : index
    %get3A_620 = tpu.vector_load %arg19[%get3A_619] {strides = array<i32>} : memref<5120xf32, #tpu.memory_space<vmem>>, vector<16xf32>,
    %add3A_621 = arith.addf %add3A_618, %get3A_620 : vector<16xf32>
    %get3A_622 = arith.constant 1104 : index
    %get3A_623 = tpu.vector_load %arg19[%get3A_622] {strides = array<i32>} : memref<5120xf32, #tpu.memory_space<vmem>>, vector<16xf32>,
    %add3A_624 = arith.addf %add3A_621, %get3A_623 : vector<16xf32>
    %get3A_625 = arith.constant 1424 : index
    %get3A_626 = tpu.vector_load %arg19[%get3A_625] {strides = array<i32>} : memref<5120xf32, #tpu.memory_space<vmem>>, vector<16xf32>,
    %add3A_627 = arith.addf %add3A_624, %get3A_626 : vector<16xf32>
    %get3A_628 = arith.constant 1744 : index
    %get3A_629 = tpu.vector_load %arg19[%get3A_628] {strides = array<i32>} : memref<5120xf32, #tpu.memory_space<vmem>>, vector<16xf32>,
    %add3A_630 = arith.addf %add3A_627, %get3A_629 : vector<16xf32>
    %get3A_631 = arith.constant 2064 : index
    %get3A_632 = tpu.vector_load %arg19[%get3A_631] {strides = array<i32>} : memref<5120xf32, #tpu.memory_space<vmem>>, vector<16xf32>,
    %add3A_633 = arith.addf %add3A_630, %get3A_632 : vector<16xf32>
    %get3A_634 = arith.constant 2384 : index
    %get3A_635 = tpu.vector_load %arg19[%get3A_634] {strides = array<i32>} : memref<5120xf32, #tpu.memory_space<vmem>>, vector<16xf32>,
    %add3A_636 = arith.addf %add3A_633, %get3A_635 : vector<16xf32>
    %get3A_637 = arith.constant 2704 : index
    %get3A_638 = tpu.vector_load %arg19[%get3A_637] {strides = array<i32>} : memref<5120xf32, #tpu.memory_space<vmem>>, vector<16xf32>,
    %add3A_639 = arith.addf %add3A_636, %get3A_638 : vector<16xf32>
    %get3A_640 = arith.constant 3024 : index
    %get3A_641 = tpu.vector_load %arg19[%get3A_640] {strides = array<i32>} : memref<5120xf32, #tpu.memory_space<vmem>>, vector<16xf32>,
    %add3A_642 = arith.addf %add3A_639, %get3A_641 : vector<16xf32>
    %get3A_643 = arith.constant 3344 : index
    %get3A_644 = tpu.vector_load %arg19[%get3A_643] {strides = array<i32>} : memref<5120xf32, #tpu.memory_space<vmem>>, vector<16xf32>,
    %add3A_645 = arith.addf %add3A_642, %get3A_644 : vector<16xf32>
    %get3A_646 = arith.constant 3664 : index
    %get3A_647 = tpu.vector_load %arg19[%get3A_646] {strides = array<i32>} : memref<5120xf32, #tpu.memory_space<vmem>>, vector<16xf32>,
    %add3A_648 = arith.addf %add3A_645, %get3A_647 : vector<16xf32>
    %get3A_649 = arith.constant 3984 : index
    %get3A_650 = tpu.vector_load %arg19[%get3A_649] {strides = array<i32>} : memref<5120xf32, #tpu.memory_space<vmem>>, vector<16xf32>,
    %add3A_651 = arith.addf %add3A_648, %get3A_650 : vector<16xf32>
    %get3A_652 = arith.constant 4304 : index
    %get3A_653 = tpu.vector_load %arg19[%get3A_652] {strides = array<i32>} : memref<5120xf32, #tpu.memory_space<vmem>>, vector<16xf32>,
    %add3A_654 = arith.addf %add3A_651, %get3A_653 : vector<16xf32>
    %get3A_655 = arith.constant 4624 : index
    %get3A_656 = tpu.vector_load %arg19[%get3A_655] {strides = array<i32>} : memref<5120xf32, #tpu.memory_space<vmem>>, vector<16xf32>,
    %add3A_657 = arith.addf %add3A_654, %get3A_656 : vector<16xf32>
    %get3A_658 = arith.constant 4944 : index
    %get3A_659 = tpu.vector_load %arg19[%get3A_658] {strides = array<i32>} : memref<5120xf32, #tpu.memory_space<vmem>>, vector<16xf32>,
    %add3A_660 = arith.addf %add3A_657, %get3A_659 : vector<16xf32>
    %swap3A_661 = arith.constant 144 : index
    %swap3A_662 = tpu.vector_load %arg20[%swap3A_661] {strides = array<i32>} : memref<320xf32, #tpu.memory_space<vmem>>, vector<16xf32>,
    tpu.vector_store %arg20[%swap3A_661], %add3A_660 {strides = array<i32>} : memref<320xf32, #tpu.memory_space<vmem>>, vector<16xf32>,
    %broadcast_in_dim3A_663 = arith.constant 2.000000e+00 : f32
    %broadcast_in_dim3A_664 = vector.broadcast %broadcast_in_dim3A_663 : f32 to vector<16xf32>
    %get3A_665 = arith.constant 160 : index
    %get3A_666 = tpu.vector_load %arg19[%get3A_665] {strides = array<i32>} : memref<5120xf32, #tpu.memory_space<vmem>>, vector<16xf32>,
    %add3A_667 = arith.addf %broadcast_in_dim3A_664, %get3A_666 : vector<16xf32>
    %get3A_668 = arith.constant 480 : index
    %get3A_669 = tpu.vector_load %arg19[%get3A_668] {strides = array<i32>} : memref<5120xf32, #tpu.memory_space<vmem>>, vector<16xf32>,
    %add3A_670 = arith.addf %add3A_667, %get3A_669 : vector<16xf32>
    %get3A_671 = arith.constant 800 : index
    %get3A_672 = tpu.vector_load %arg19[%get3A_671] {strides = array<i32>} : memref<5120xf32, #tpu.memory_space<vmem>>, vector<16xf32>,
    %add3A_673 = arith.addf %add3A_670, %get3A_672 : vector<16xf32>
    %get3A_674 = arith.constant 1120 : index
    %get3A_675 = tpu.vector_load %arg19[%get3A_674] {strides = array<i32>} : memref<5120xf32, #tpu.memory_space<vmem>>, vector<16xf32>,
    %add3A_676 = arith.addf %add3A_673, %get3A_675 : vector<16xf32>
    %get3A_677 = arith.constant 1440 : index
    %get3A_678 = tpu.vector_load %arg19[%get3A_677] {strides = array<i32>} : memref<5120xf32, #tpu.memory_space<vmem>>, vector<16xf32>,
    %add3A_679 = arith.addf %add3A_676, %get3A_678 : vector<16xf32>
    %get3A_680 = arith.constant 1760 : index
    %get3A_681 = tpu.vector_load %arg19[%get3A_680] {strides = array<i32>} : memref<5120xf32, #tpu.memory_space<vmem>>, vector<16xf32>,
    %add3A_682 = arith.addf %add3A_679, %get3A_681 : vector<16xf32>
    %get3A_683 = arith.constant 2080 : index
    %get3A_684 = tpu.vector_load %arg19[%get3A_683] {strides = array<i32>} : memref<5120xf32, #tpu.memory_space<vmem>>, vector<16xf32>,
    %add3A_685 = arith.addf %add3A_682, %get3A_684 : vector<16xf32>
    %get3A_686 = arith.constant 2400 : index
    %get3A_687 = tpu.vector_load %arg19[%get3A_686] {strides = array<i32>} : memref<5120xf32, #tpu.memory_space<vmem>>, vector<16xf32>,
    %add3A_688 = arith.addf %add3A_685, %get3A_687 : vector<16xf32>
    %get3A_689 = arith.constant 2720 : index
    %get3A_690 = tpu.vector_load %arg19[%get3A_689] {strides = array<i32>} : memref<5120xf32, #tpu.memory_space<vmem>>, vector<16xf32>,
    %add3A_691 = arith.addf %add3A_688, %get3A_690 : vector<16xf32>
    %get3A_692 = arith.constant 3040 : index
    %get3A_693 = tpu.vector_load %arg19[%get3A_692] {strides = array<i32>} : memref<5120xf32, #tpu.memory_space<vmem>>, vector<16xf32>,
    %add3A_694 = arith.addf %add3A_691, %get3A_693 : vector<16xf32>
    %get3A_695 = arith.constant 3360 : index
    %get3A_696 = tpu.vector_load %arg19[%get3A_695] {strides = array<i32>} : memref<5120xf32, #tpu.memory_space<vmem>>, vector<16xf32>,
    %add3A_697 = arith.addf %add3A_694, %get3A_696 : vector<16xf32>
    %get3A_698 = arith.constant 3680 : index
    %get3A_699 = tpu.vector_load %arg19[%get3A_698] {strides = array<i32>} : memref<5120xf32, #tpu.memory_space<vmem>>, vector<16xf32>,
    %add3A_700 = arith.addf %add3A_697, %get3A_699 : vector<16xf32>
    %get3A_701 = arith.constant 4000 : index
    %get3A_702 = tpu.vector_load %arg19[%get3A_701] {strides = array<i32>} : memref<5120xf32, #tpu.memory_space<vmem>>, vector<16xf32>,
    %add3A_703 = arith.addf %add3A_700, %get3A_702 : vector<16xf32>
    %get3A_704 = arith.constant 4320 : index
    %get3A_705 = tpu.vector_load %arg19[%get3A_704] {strides = array<i32>} : memref<5120xf32, #tpu.memory_space<vmem>>, vector<16xf32>,
    %add3A_706 = arith.addf %add3A_703, %get3A_705 : vector<16xf32>
    %get3A_707 = arith.constant 4640 : index
    %get3A_708 = tpu.vector_load %arg19[%get3A_707] {strides = array<i32>} : memref<5120xf32, #tpu.memory_space<vmem>>, vector<16xf32>,
    %add3A_709 = arith.addf %add3A_706, %get3A_708 : vector<16xf32>
    %get3A_710 = arith.constant 4960 : index
    %get3A_711 = tpu.vector_load %arg19[%get3A_710] {strides = array<i32>} : memref<5120xf32, #tpu.memory_space<vmem>>, vector<16xf32>,
    %add3A_712 = arith.addf %add3A_709, %get3A_711 : vector<16xf32>
    %swap3A_713 = arith.constant 160 : index
    %swap3A_714 = tpu.vector_load %arg20[%swap3A_713] {strides = array<i32>} : memref<320xf32, #tpu.memory_space<vmem>>, vector<16xf32>,
    tpu.vector_store %arg20[%swap3A_713], %add3A_712 {strides = array<i32>} : memref<320xf32, #tpu.memory_space<vmem>>, vector<16xf32>,
    %broadcast_in_dim3A_715 = arith.constant 2.000000e+00 : f32
    %broadcast_in_dim3A_716 = vector.broadcast %broadcast_in_dim3A_715 : f32 to vector<16xf32>
    %get3A_717 = arith.constant 176 : index
    %get3A_718 = tpu.vector_load %arg19[%get3A_717] {strides = array<i32>} : memref<5120xf32, #tpu.memory_space<vmem>>, vector<16xf32>,
    %add3A_719 = arith.addf %broadcast_in_dim3A_716, %get3A_718 : vector<16xf32>
    %get3A_720 = arith.constant 496 : index
    %get3A_721 = tpu.vector_load %arg19[%get3A_720] {strides = array<i32>} : memref<5120xf32, #tpu.memory_space<vmem>>, vector<16xf32>,
    %add3A_722 = arith.addf %add3A_719, %get3A_721 : vector<16xf32>
    %get3A_723 = arith.constant 816 : index
    %get3A_724 = tpu.vector_load %arg19[%get3A_723] {strides = array<i32>} : memref<5120xf32, #tpu.memory_space<vmem>>, vector<16xf32>,
    %add3A_725 = arith.addf %add3A_722, %get3A_724 : vector<16xf32>
    %get3A_726 = arith.constant 1136 : index
    %get3A_727 = tpu.vector_load %arg19[%get3A_726] {strides = array<i32>} : memref<5120xf32, #tpu.memory_space<vmem>>, vector<16xf32>,
    %add3A_728 = arith.addf %add3A_725, %get3A_727 : vector<16xf32>
    %get3A_729 = arith.constant 1456 : index
    %get3A_730 = tpu.vector_load %arg19[%get3A_729] {strides = array<i32>} : memref<5120xf32, #tpu.memory_space<vmem>>, vector<16xf32>,
    %add3A_731 = arith.addf %add3A_728, %get3A_730 : vector<16xf32>
    %get3A_732 = arith.constant 1776 : index
    %get3A_733 = tpu.vector_load %arg19[%get3A_732] {strides = array<i32>} : memref<5120xf32, #tpu.memory_space<vmem>>, vector<16xf32>,
    %add3A_734 = arith.addf %add3A_731, %get3A_733 : vector<16xf32>
    %get3A_735 = arith.constant 2096 : index
    %get3A_736 = tpu.vector_load %arg19[%get3A_735] {strides = array<i32>} : memref<5120xf32, #tpu.memory_space<vmem>>, vector<16xf32>,
    %add3A_737 = arith.addf %add3A_734, %get3A_736 : vector<16xf32>
    %get3A_738 = arith.constant 2416 : index
    %get3A_739 = tpu.vector_load %arg19[%get3A_738] {strides = array<i32>} : memref<5120xf32, #tpu.memory_space<vmem>>, vector<16xf32>,
    %add3A_740 = arith.addf %add3A_737, %get3A_739 : vector<16xf32>
    %get3A_741 = arith.constant 2736 : index
    %get3A_742 = tpu.vector_load %arg19[%get3A_741] {strides = array<i32>} : memref<5120xf32, #tpu.memory_space<vmem>>, vector<16xf32>,
    %add3A_743 = arith.addf %add3A_740, %get3A_742 : vector<16xf32>
    %get3A_744 = arith.constant 3056 : index
    %get3A_745 = tpu.vector_load %arg19[%get3A_744] {strides = array<i32>} : memref<5120xf32, #tpu.memory_space<vmem>>, vector<16xf32>,
    %add3A_746 = arith.addf %add3A_743, %get3A_745 : vector<16xf32>
    %get3A_747 = arith.constant 3376 : index
    %get3A_748 = tpu.vector_load %arg19[%get3A_747] {strides = array<i32>} : memref<5120xf32, #tpu.memory_space<vmem>>, vector<16xf32>,
    %add3A_749 = arith.addf %add3A_746, %get3A_748 : vector<16xf32>
    %get3A_750 = arith.constant 3696 : index
    %get3A_751 = tpu.vector_load %arg19[%get3A_750] {strides = array<i32>} : memref<5120xf32, #tpu.memory_space<vmem>>, vector<16xf32>,
    %add3A_752 = arith.addf %add3A_749, %get3A_751 : vector<16xf32>
    %get3A_753 = arith.constant 4016 : index
    %get3A_754 = tpu.vector_load %arg19[%get3A_753] {strides = array<i32>} : memref<5120xf32, #tpu.memory_space<vmem>>, vector<16xf32>,
    %add3A_755 = arith.addf %add3A_752, %get3A_754 : vector<16xf32>
    %get3A_756 = arith.constant 4336 : index
    %get3A_757 = tpu.vector_load %arg19[%get3A_756] {strides = array<i32>} : memref<5120xf32, #tpu.memory_space<vmem>>, vector<16xf32>,
    %add3A_758 = arith.addf %add3A_755, %get3A_757 : vector<16xf32>
    %get3A_759 = arith.constant 4656 : index
    %get3A_760 = tpu.vector_load %arg19[%get3A_759] {strides = array<i32>} : memref<5120xf32, #tpu.memory_space<vmem>>, vector<16xf32>,
    %add3A_761 = arith.addf %add3A_758, %get3A_760 : vector<16xf32>
    %get3A_762 = arith.constant 4976 : index
    %get3A_763 = tpu.vector_load %arg19[%get3A_762] {strides = array<i32>} : memref<5120xf32, #tpu.memory_space<vmem>>, vector<16xf32>,
    %add3A_764 = arith.addf %add3A_761, %get3A_763 : vector<16xf32>
    %swap3A_765 = arith.constant 176 : index
    %swap3A_766 = tpu.vector_load %arg20[%swap3A_765] {strides = array<i32>} : memref<320xf32, #tpu.memory_space<vmem>>, vector<16xf32>,
    tpu.vector_store %arg20[%swap3A_765], %add3A_764 {strides = array<i32>} : memref<320xf32, #tpu.memory_space<vmem>>, vector<16xf32>,
    %broadcast_in_dim3A_767 = arith.constant 2.000000e+00 : f32
    %broadcast_in_dim3A_768 = vector.broadcast %broadcast_in_dim3A_767 : f32 to vector<16xf32>
    %get3A_769 = arith.constant 192 : index
    %get3A_770 = tpu.vector_load %arg19[%get3A_769] {strides = array<i32>} : memref<5120xf32, #tpu.memory_space<vmem>>, vector<16xf32>,
    %add3A_771 = arith.addf %broadcast_in_dim3A_768, %get3A_770 : vector<16xf32>
    %get3A_772 = arith.constant 512 : index
    %get3A_773 = tpu.vector_load %arg19[%get3A_772] {strides = array<i32>} : memref<5120xf32, #tpu.memory_space<vmem>>, vector<16xf32>,
    %add3A_774 = arith.addf %add3A_771, %get3A_773 : vector<16xf32>
    %get3A_775 = arith.constant 832 : index
    %get3A_776 = tpu.vector_load %arg19[%get3A_775] {strides = array<i32>} : memref<5120xf32, #tpu.memory_space<vmem>>, vector<16xf32>,
    %add3A_777 = arith.addf %add3A_774, %get3A_776 : vector<16xf32>
    %get3A_778 = arith.constant 1152 : index
    %get3A_779 = tpu.vector_load %arg19[%get3A_778] {strides = array<i32>} : memref<5120xf32, #tpu.memory_space<vmem>>, vector<16xf32>,
    %add3A_780 = arith.addf %add3A_777, %get3A_779 : vector<16xf32>
    %get3A_781 = arith.constant 1472 : index
    %get3A_782 = tpu.vector_load %arg19[%get3A_781] {strides = array<i32>} : memref<5120xf32, #tpu.memory_space<vmem>>, vector<16xf32>,
    %add3A_783 = arith.addf %add3A_780, %get3A_782 : vector<16xf32>
    %get3A_784 = arith.constant 1792 : index
    %get3A_785 = tpu.vector_load %arg19[%get3A_784] {strides = array<i32>} : memref<5120xf32, #tpu.memory_space<vmem>>, vector<16xf32>,
    %add3A_786 = arith.addf %add3A_783, %get3A_785 : vector<16xf32>
    %get3A_787 = arith.constant 2112 : index
    %get3A_788 = tpu.vector_load %arg19[%get3A_787] {strides = array<i32>} : memref<5120xf32, #tpu.memory_space<vmem>>, vector<16xf32>,
    %add3A_789 = arith.addf %add3A_786, %get3A_788 : vector<16xf32>
    %get3A_790 = arith.constant 2432 : index
    %get3A_791 = tpu.vector_load %arg19[%get3A_790] {strides = array<i32>} : memref<5120xf32, #tpu.memory_space<vmem>>, vector<16xf32>,
    %add3A_792 = arith.addf %add3A_789, %get3A_791 : vector<16xf32>
    %get3A_793 = arith.constant 2752 : index
    %get3A_794 = tpu.vector_load %arg19[%get3A_793] {strides = array<i32>} : memref<5120xf32, #tpu.memory_space<vmem>>, vector<16xf32>,
    %add3A_795 = arith.addf %add3A_792, %get3A_794 : vector<16xf32>
    %get3A_796 = arith.constant 3072 : index
    %get3A_797 = tpu.vector_load %arg19[%get3A_796] {strides = array<i32>} : memref<5120xf32, #tpu.memory_space<vmem>>, vector<16xf32>,
    %add3A_798 = arith.addf %add3A_795, %get3A_797 : vector<16xf32>
    %get3A_799 = arith.constant 3392 : index
    %get3A_800 = tpu.vector_load %arg19[%get3A_799] {strides = array<i32>} : memref<5120xf32, #tpu.memory_space<vmem>>, vector<16xf32>,
    %add3A_801 = arith.addf %add3A_798, %get3A_800 : vector<16xf32>
    %get3A_802 = arith.constant 3712 : index
    %get3A_803 = tpu.vector_load %arg19[%get3A_802] {strides = array<i32>} : memref<5120xf32, #tpu.memory_space<vmem>>, vector<16xf32>,
    %add3A_804 = arith.addf %add3A_801, %get3A_803 : vector<16xf32>
    %get3A_805 = arith.constant 4032 : index
    %get3A_806 = tpu.vector_load %arg19[%get3A_805] {strides = array<i32>} : memref<5120xf32, #tpu.memory_space<vmem>>, vector<16xf32>,
    %add3A_807 = arith.addf %add3A_804, %get3A_806 : vector<16xf32>
    %get3A_808 = arith.constant 4352 : index
    %get3A_809 = tpu.vector_load %arg19[%get3A_808] {strides = array<i32>} : memref<5120xf32, #tpu.memory_space<vmem>>, vector<16xf32>,
    %add3A_810 = arith.addf %add3A_807, %get3A_809 : vector<16xf32>
    %get3A_811 = arith.constant 4672 : index
    %get3A_812 = tpu.vector_load %arg19[%get3A_811] {strides = array<i32>} : memref<5120xf32, #tpu.memory_space<vmem>>, vector<16xf32>,
    %add3A_813 = arith.addf %add3A_810, %get3A_812 : vector<16xf32>
    %get3A_814 = arith.constant 4992 : index
    %get3A_815 = tpu.vector_load %arg19[%get3A_814] {strides = array<i32>} : memref<5120xf32, #tpu.memory_space<vmem>>, vector<16xf32>,
    %add3A_816 = arith.addf %add3A_813, %get3A_815 : vector<16xf32>
    %swap3A_817 = arith.constant 192 : index
    %swap3A_818 = tpu.vector_load %arg20[%swap3A_817] {strides = array<i32>} : memref<320xf32, #tpu.memory_space<vmem>>, vector<16xf32>,
    tpu.vector_store %arg20[%swap3A_817], %add3A_816 {strides = array<i32>} : memref<320xf32, #tpu.memory_space<vmem>>, vector<16xf32>,
    %broadcast_in_dim3A_819 = arith.constant 2.000000e+00 : f32
    %broadcast_in_dim3A_820 = vector.broadcast %broadcast_in_dim3A_819 : f32 to vector<16xf32>
    %get3A_821 = arith.constant 208 : index
    %get3A_822 = tpu.vector_load %arg19[%get3A_821] {strides = array<i32>} : memref<5120xf32, #tpu.memory_space<vmem>>, vector<16xf32>,
    %add3A_823 = arith.addf %broadcast_in_dim3A_820, %get3A_822 : vector<16xf32>
    %get3A_824 = arith.constant 528 : index
    %get3A_825 = tpu.vector_load %arg19[%get3A_824] {strides = array<i32>} : memref<5120xf32, #tpu.memory_space<vmem>>, vector<16xf32>,
    %add3A_826 = arith.addf %add3A_823, %get3A_825 : vector<16xf32>
    %get3A_827 = arith.constant 848 : index
    %get3A_828 = tpu.vector_load %arg19[%get3A_827] {strides = array<i32>} : memref<5120xf32, #tpu.memory_space<vmem>>, vector<16xf32>,
    %add3A_829 = arith.addf %add3A_826, %get3A_828 : vector<16xf32>
    %get3A_830 = arith.constant 1168 : index
    %get3A_831 = tpu.vector_load %arg19[%get3A_830] {strides = array<i32>} : memref<5120xf32, #tpu.memory_space<vmem>>, vector<16xf32>,
    %add3A_832 = arith.addf %add3A_829, %get3A_831 : vector<16xf32>
    %get3A_833 = arith.constant 1488 : index
    %get3A_834 = tpu.vector_load %arg19[%get3A_833] {strides = array<i32>} : memref<5120xf32, #tpu.memory_space<vmem>>, vector<16xf32>,
    %add3A_835 = arith.addf %add3A_832, %get3A_834 : vector<16xf32>
    %get3A_836 = arith.constant 1808 : index
    %get3A_837 = tpu.vector_load %arg19[%get3A_836] {strides = array<i32>} : memref<5120xf32, #tpu.memory_space<vmem>>, vector<16xf32>,
    %add3A_838 = arith.addf %add3A_835, %get3A_837 : vector<16xf32>
    %get3A_839 = arith.constant 2128 : index
    %get3A_840 = tpu.vector_load %arg19[%get3A_839] {strides = array<i32>} : memref<5120xf32, #tpu.memory_space<vmem>>, vector<16xf32>,
    %add3A_841 = arith.addf %add3A_838, %get3A_840 : vector<16xf32>
    %get3A_842 = arith.constant 2448 : index
    %get3A_843 = tpu.vector_load %arg19[%get3A_842] {strides = array<i32>} : memref<5120xf32, #tpu.memory_space<vmem>>, vector<16xf32>,
    %add3A_844 = arith.addf %add3A_841, %get3A_843 : vector<16xf32>
    %get3A_845 = arith.constant 2768 : index
    %get3A_846 = tpu.vector_load %arg19[%get3A_845] {strides = array<i32>} : memref<5120xf32, #tpu.memory_space<vmem>>, vector<16xf32>,
    %add3A_847 = arith.addf %add3A_844, %get3A_846 : vector<16xf32>
    %get3A_848 = arith.constant 3088 : index
    %get3A_849 = tpu.vector_load %arg19[%get3A_848] {strides = array<i32>} : memref<5120xf32, #tpu.memory_space<vmem>>, vector<16xf32>,
    %add3A_850 = arith.addf %add3A_847, %get3A_849 : vector<16xf32>
    %get3A_851 = arith.constant 3408 : index
    %get3A_852 = tpu.vector_load %arg19[%get3A_851] {strides = array<i32>} : memref<5120xf32, #tpu.memory_space<vmem>>, vector<16xf32>,
    %add3A_853 = arith.addf %add3A_850, %get3A_852 : vector<16xf32>
    %get3A_854 = arith.constant 3728 : index
    %get3A_855 = tpu.vector_load %arg19[%get3A_854] {strides = array<i32>} : memref<5120xf32, #tpu.memory_space<vmem>>, vector<16xf32>,
    %add3A_856 = arith.addf %add3A_853, %get3A_855 : vector<16xf32>
    %get3A_857 = arith.constant 4048 : index
    %get3A_858 = tpu.vector_load %arg19[%get3A_857] {strides = array<i32>} : memref<5120xf32, #tpu.memory_space<vmem>>, vector<16xf32>,
    %add3A_859 = arith.addf %add3A_856, %get3A_858 : vector<16xf32>
    %get3A_860 = arith.constant 4368 : index
    %get3A_861 = tpu.vector_load %arg19[%get3A_860] {strides = array<i32>} : memref<5120xf32, #tpu.memory_space<vmem>>, vector<16xf32>,
    %add3A_862 = arith.addf %add3A_859, %get3A_861 : vector<16xf32>
    %get3A_863 = arith.constant 4688 : index
    %get3A_864 = tpu.vector_load %arg19[%get3A_863] {strides = array<i32>} : memref<5120xf32, #tpu.memory_space<vmem>>, vector<16xf32>,
    %add3A_865 = arith.addf %add3A_862, %get3A_864 : vector<16xf32>
    %get3A_866 = arith.constant 5008 : index
    %get3A_867 = tpu.vector_load %arg19[%get3A_866] {strides = array<i32>} : memref<5120xf32, #tpu.memory_space<vmem>>, vector<16xf32>,
    %add3A_868 = arith.addf %add3A_865, %get3A_867 : vector<16xf32>
    %swap3A_869 = arith.constant 208 : index
    %swap3A_870 = tpu.vector_load %arg20[%swap3A_869] {strides = array<i32>} : memref<320xf32, #tpu.memory_space<vmem>>, vector<16xf32>,
    tpu.vector_store %arg20[%swap3A_869], %add3A_868 {strides = array<i32>} : memref<320xf32, #tpu.memory_space<vmem>>, vector<16xf32>,
    %broadcast_in_dim3A_871 = arith.constant 2.000000e+00 : f32
    %broadcast_in_dim3A_872 = vector.broadcast %broadcast_in_dim3A_871 : f32 to vector<16xf32>
    %get3A_873 = arith.constant 224 : index
    %get3A_874 = tpu.vector_load %arg19[%get3A_873] {strides = array<i32>} : memref<5120xf32, #tpu.memory_space<vmem>>, vector<16xf32>,
    %add3A_875 = arith.addf %broadcast_in_dim3A_872, %get3A_874 : vector<16xf32>
    %get3A_876 = arith.constant 544 : index
    %get3A_877 = tpu.vector_load %arg19[%get3A_876] {strides = array<i32>} : memref<5120xf32, #tpu.memory_space<vmem>>, vector<16xf32>,
    %add3A_878 = arith.addf %add3A_875, %get3A_877 : vector<16xf32>
    %get3A_879 = arith.constant 864 : index
    %get3A_880 = tpu.vector_load %arg19[%get3A_879] {strides = array<i32>} : memref<5120xf32, #tpu.memory_space<vmem>>, vector<16xf32>,
    %add3A_881 = arith.addf %add3A_878, %get3A_880 : vector<16xf32>
    %get3A_882 = arith.constant 1184 : index
    %get3A_883 = tpu.vector_load %arg19[%get3A_882] {strides = array<i32>} : memref<5120xf32, #tpu.memory_space<vmem>>, vector<16xf32>,
    %add3A_884 = arith.addf %add3A_881, %get3A_883 : vector<16xf32>
    %get3A_885 = arith.constant 1504 : index
    %get3A_886 = tpu.vector_load %arg19[%get3A_885] {strides = array<i32>} : memref<5120xf32, #tpu.memory_space<vmem>>, vector<16xf32>,
    %add3A_887 = arith.addf %add3A_884, %get3A_886 : vector<16xf32>
    %get3A_888 = arith.constant 1824 : index
    %get3A_889 = tpu.vector_load %arg19[%get3A_888] {strides = array<i32>} : memref<5120xf32, #tpu.memory_space<vmem>>, vector<16xf32>,
    %add3A_890 = arith.addf %add3A_887, %get3A_889 : vector<16xf32>
    %get3A_891 = arith.constant 2144 : index
    %get3A_892 = tpu.vector_load %arg19[%get3A_891] {strides = array<i32>} : memref<5120xf32, #tpu.memory_space<vmem>>, vector<16xf32>,
    %add3A_893 = arith.addf %add3A_890, %get3A_892 : vector<16xf32>
    %get3A_894 = arith.constant 2464 : index
    %get3A_895 = tpu.vector_load %arg19[%get3A_894] {strides = array<i32>} : memref<5120xf32, #tpu.memory_space<vmem>>, vector<16xf32>,
    %add3A_896 = arith.addf %add3A_893, %get3A_895 : vector<16xf32>
    %get3A_897 = arith.constant 2784 : index
    %get3A_898 = tpu.vector_load %arg19[%get3A_897] {strides = array<i32>} : memref<5120xf32, #tpu.memory_space<vmem>>, vector<16xf32>,
    %add3A_899 = arith.addf %add3A_896, %get3A_898 : vector<16xf32>
    %get3A_900 = arith.constant 3104 : index
    %get3A_901 = tpu.vector_load %arg19[%get3A_900] {strides = array<i32>} : memref<5120xf32, #tpu.memory_space<vmem>>, vector<16xf32>,
    %add3A_902 = arith.addf %add3A_899, %get3A_901 : vector<16xf32>
    %get3A_903 = arith.constant 3424 : index
    %get3A_904 = tpu.vector_load %arg19[%get3A_903] {strides = array<i32>} : memref<5120xf32, #tpu.memory_space<vmem>>, vector<16xf32>,
    %add3A_905 = arith.addf %add3A_902, %get3A_904 : vector<16xf32>
    %get3A_906 = arith.constant 3744 : index
    %get3A_907 = tpu.vector_load %arg19[%get3A_906] {strides = array<i32>} : memref<5120xf32, #tpu.memory_space<vmem>>, vector<16xf32>,
    %add3A_908 = arith.addf %add3A_905, %get3A_907 : vector<16xf32>
    %get3A_909 = arith.constant 4064 : index
    %get3A_910 = tpu.vector_load %arg19[%get3A_909] {strides = array<i32>} : memref<5120xf32, #tpu.memory_space<vmem>>, vector<16xf32>,
    %add3A_911 = arith.addf %add3A_908, %get3A_910 : vector<16xf32>
    %get3A_912 = arith.constant 4384 : index
    %get3A_913 = tpu.vector_load %arg19[%get3A_912] {strides = array<i32>} : memref<5120xf32, #tpu.memory_space<vmem>>, vector<16xf32>,
    %add3A_914 = arith.addf %add3A_911, %get3A_913 : vector<16xf32>
    %get3A_915 = arith.constant 4704 : index
    %get3A_916 = tpu.vector_load %arg19[%get3A_915] {strides = array<i32>} : memref<5120xf32, #tpu.memory_space<vmem>>, vector<16xf32>,
    %add3A_917 = arith.addf %add3A_914, %get3A_916 : vector<16xf32>
    %get3A_918 = arith.constant 5024 : index
    %get3A_919 = tpu.vector_load %arg19[%get3A_918] {strides = array<i32>} : memref<5120xf32, #tpu.memory_space<vmem>>, vector<16xf32>,
    %add3A_920 = arith.addf %add3A_917, %get3A_919 : vector<16xf32>
    %swap3A_921 = arith.constant 224 : index
    %swap3A_922 = tpu.vector_load %arg20[%swap3A_921] {strides = array<i32>} : memref<320xf32, #tpu.memory_space<vmem>>, vector<16xf32>,
    tpu.vector_store %arg20[%swap3A_921], %add3A_920 {strides = array<i32>} : memref<320xf32, #tpu.memory_space<vmem>>, vector<16xf32>,
    %broadcast_in_dim3A_923 = arith.constant 2.000000e+00 : f32
    %broadcast_in_dim3A_924 = vector.broadcast %broadcast_in_dim3A_923 : f32 to vector<16xf32>
    %get3A_925 = arith.constant 240 : index
    %get3A_926 = tpu.vector_load %arg19[%get3A_925] {strides = array<i32>} : memref<5120xf32, #tpu.memory_space<vmem>>, vector<16xf32>,
    %add3A_927 = arith.addf %broadcast_in_dim3A_924, %get3A_926 : vector<16xf32>
    %get3A_928 = arith.constant 560 : index
    %get3A_929 = tpu.vector_load %arg19[%get3A_928] {strides = array<i32>} : memref<5120xf32, #tpu.memory_space<vmem>>, vector<16xf32>,
    %add3A_930 = arith.addf %add3A_927, %get3A_929 : vector<16xf32>
    %get3A_931 = arith.constant 880 : index
    %get3A_932 = tpu.vector_load %arg19[%get3A_931] {strides = array<i32>} : memref<5120xf32, #tpu.memory_space<vmem>>, vector<16xf32>,
    %add3A_933 = arith.addf %add3A_930, %get3A_932 : vector<16xf32>
    %get3A_934 = arith.constant 1200 : index
    %get3A_935 = tpu.vector_load %arg19[%get3A_934] {strides = array<i32>} : memref<5120xf32, #tpu.memory_space<vmem>>, vector<16xf32>,
    %add3A_936 = arith.addf %add3A_933, %get3A_935 : vector<16xf32>
    %get3A_937 = arith.constant 1520 : index
    %get3A_938 = tpu.vector_load %arg19[%get3A_937] {strides = array<i32>} : memref<5120xf32, #tpu.memory_space<vmem>>, vector<16xf32>,
    %add3A_939 = arith.addf %add3A_936, %get3A_938 : vector<16xf32>
    %get3A_940 = arith.constant 1840 : index
    %get3A_941 = tpu.vector_load %arg19[%get3A_940] {strides = array<i32>} : memref<5120xf32, #tpu.memory_space<vmem>>, vector<16xf32>,
    %add3A_942 = arith.addf %add3A_939, %get3A_941 : vector<16xf32>
    %get3A_943 = arith.constant 2160 : index
    %get3A_944 = tpu.vector_load %arg19[%get3A_943] {strides = array<i32>} : memref<5120xf32, #tpu.memory_space<vmem>>, vector<16xf32>,
    %add3A_945 = arith.addf %add3A_942, %get3A_944 : vector<16xf32>
    %get3A_946 = arith.constant 2480 : index
    %get3A_947 = tpu.vector_load %arg19[%get3A_946] {strides = array<i32>} : memref<5120xf32, #tpu.memory_space<vmem>>, vector<16xf32>,
    %add3A_948 = arith.addf %add3A_945, %get3A_947 : vector<16xf32>
    %get3A_949 = arith.constant 2800 : index
    %get3A_950 = tpu.vector_load %arg19[%get3A_949] {strides = array<i32>} : memref<5120xf32, #tpu.memory_space<vmem>>, vector<16xf32>,
    %add3A_951 = arith.addf %add3A_948, %get3A_950 : vector<16xf32>
    %get3A_952 = arith.constant 3120 : index
    %get3A_953 = tpu.vector_load %arg19[%get3A_952] {strides = array<i32>} : memref<5120xf32, #tpu.memory_space<vmem>>, vector<16xf32>,
    %add3A_954 = arith.addf %add3A_951, %get3A_953 : vector<16xf32>
    %get3A_955 = arith.constant 3440 : index
    %get3A_956 = tpu.vector_load %arg19[%get3A_955] {strides = array<i32>} : memref<5120xf32, #tpu.memory_space<vmem>>, vector<16xf32>,
    %add3A_957 = arith.addf %add3A_954, %get3A_956 : vector<16xf32>
    %get3A_958 = arith.constant 3760 : index
    %get3A_959 = tpu.vector_load %arg19[%get3A_958] {strides = array<i32>} : memref<5120xf32, #tpu.memory_space<vmem>>, vector<16xf32>,
    %add3A_960 = arith.addf %add3A_957, %get3A_959 : vector<16xf32>
    %get3A_961 = arith.constant 4080 : index
    %get3A_962 = tpu.vector_load %arg19[%get3A_961] {strides = array<i32>} : memref<5120xf32, #tpu.memory_space<vmem>>, vector<16xf32>,
    %add3A_963 = arith.addf %add3A_960, %get3A_962 : vector<16xf32>
    %get3A_964 = arith.constant 4400 : index
    %get3A_965 = tpu.vector_load %arg19[%get3A_964] {strides = array<i32>} : memref<5120xf32, #tpu.memory_space<vmem>>, vector<16xf32>,
    %add3A_966 = arith.addf %add3A_963, %get3A_965 : vector<16xf32>
    %get3A_967 = arith.constant 4720 : index
    %get3A_968 = tpu.vector_load %arg19[%get3A_967] {strides = array<i32>} : memref<5120xf32, #tpu.memory_space<vmem>>, vector<16xf32>,
    %add3A_969 = arith.addf %add3A_966, %get3A_968 : vector<16xf32>
    %get3A_970 = arith.constant 5040 : index
    %get3A_971 = tpu.vector_load %arg19[%get3A_970] {strides = array<i32>} : memref<5120xf32, #tpu.memory_space<vmem>>, vector<16xf32>,
    %add3A_972 = arith.addf %add3A_969, %get3A_971 : vector<16xf32>
    %swap3A_973 = arith.constant 240 : index
    %swap3A_974 = tpu.vector_load %arg20[%swap3A_973] {strides = array<i32>} : memref<320xf32, #tpu.memory_space<vmem>>, vector<16xf32>,
    tpu.vector_store %arg20[%swap3A_973], %add3A_972 {strides = array<i32>} : memref<320xf32, #tpu.memory_space<vmem>>, vector<16xf32>,
    %broadcast_in_dim3A_975 = arith.constant 2.000000e+00 : f32
    %broadcast_in_dim3A_976 = vector.broadcast %broadcast_in_dim3A_975 : f32 to vector<16xf32>
    %get3A_977 = arith.constant 256 : index
    %get3A_978 = tpu.vector_load %arg19[%get3A_977] {strides = array<i32>} : memref<5120xf32, #tpu.memory_space<vmem>>, vector<16xf32>,
    %add3A_979 = arith.addf %broadcast_in_dim3A_976, %get3A_978 : vector<16xf32>
    %get3A_980 = arith.constant 576 : index
    %get3A_981 = tpu.vector_load %arg19[%get3A_980] {strides = array<i32>} : memref<5120xf32, #tpu.memory_space<vmem>>, vector<16xf32>,
    %add3A_982 = arith.addf %add3A_979, %get3A_981 : vector<16xf32>
    %get3A_983 = arith.constant 896 : index
    %get3A_984 = tpu.vector_load %arg19[%get3A_983] {strides = array<i32>} : memref<5120xf32, #tpu.memory_space<vmem>>, vector<16xf32>,
    %add3A_985 = arith.addf %add3A_982, %get3A_984 : vector<16xf32>
    %get3A_986 = arith.constant 1216 : index
    %get3A_987 = tpu.vector_load %arg19[%get3A_986] {strides = array<i32>} : memref<5120xf32, #tpu.memory_space<vmem>>, vector<16xf32>,
    %add3A_988 = arith.addf %add3A_985, %get3A_987 : vector<16xf32>
    %get3A_989 = arith.constant 1536 : index
    %get3A_990 = tpu.vector_load %arg19[%get3A_989] {strides = array<i32>} : memref<5120xf32, #tpu.memory_space<vmem>>, vector<16xf32>,
    %add3A_991 = arith.addf %add3A_988, %get3A_990 : vector<16xf32>
    %get3A_992 = arith.constant 1856 : index
    %get3A_993 = tpu.vector_load %arg19[%get3A_992] {strides = array<i32>} : memref<5120xf32, #tpu.memory_space<vmem>>, vector<16xf32>,
    %add3A_994 = arith.addf %add3A_991, %get3A_993 : vector<16xf32>
    %get3A_995 = arith.constant 2176 : index
    %get3A_996 = tpu.vector_load %arg19[%get3A_995] {strides = array<i32>} : memref<5120xf32, #tpu.memory_space<vmem>>, vector<16xf32>,
    %add3A_997 = arith.addf %add3A_994, %get3A_996 : vector<16xf32>
    %get3A_998 = arith.constant 2496 : index
    %get3A_999 = tpu.vector_load %arg19[%get3A_998] {strides = array<i32>} : memref<5120xf32, #tpu.memory_space<vmem>>, vector<16xf32>,
    %add3A_1000 = arith.addf %add3A_997, %get3A_999 : vector<16xf32>
    %get3A_1001 = arith.constant 2816 : index
    %get3A_1002 = tpu.vector_load %arg19[%get3A_1001] {strides = array<i32>} : memref<5120xf32, #tpu.memory_space<vmem>>, vector<16xf32>,
    %add3A_1003 = arith.addf %add3A_1000, %get3A_1002 : vector<16xf32>
    %get3A_1004 = arith.constant 3136 : index
    %get3A_1005 = tpu.vector_load %arg19[%get3A_1004] {strides = array<i32>} : memref<5120xf32, #tpu.memory_space<vmem>>, vector<16xf32>,
    %add3A_1006 = arith.addf %add3A_1003, %get3A_1005 : vector<16xf32>
    %get3A_1007 = arith.constant 3456 : index
    %get3A_1008 = tpu.vector_load %arg19[%get3A_1007] {strides = array<i32>} : memref<5120xf32, #tpu.memory_space<vmem>>, vector<16xf32>,
    %add3A_1009 = arith.addf %add3A_1006, %get3A_1008 : vector<16xf32>
    %get3A_1010 = arith.constant 3776 : index
    %get3A_1011 = tpu.vector_load %arg19[%get3A_1010] {strides = array<i32>} : memref<5120xf32, #tpu.memory_space<vmem>>, vector<16xf32>,
    %add3A_1012 = arith.addf %add3A_1009, %get3A_1011 : vector<16xf32>
    %get3A_1013 = arith.constant 4096 : index
    %get3A_1014 = tpu.vector_load %arg19[%get3A_1013] {strides = array<i32>} : memref<5120xf32, #tpu.memory_space<vmem>>, vector<16xf32>,
    %add3A_1015 = arith.addf %add3A_1012, %get3A_1014 : vector<16xf32>
    %get3A_1016 = arith.constant 4416 : index
    %get3A_1017 = tpu.vector_load %arg19[%get3A_1016] {strides = array<i32>} : memref<5120xf32, #tpu.memory_space<vmem>>, vector<16xf32>,
    %add3A_1018 = arith.addf %add3A_1015, %get3A_1017 : vector<16xf32>
    %get3A_1019 = arith.constant 4736 : index
    %get3A_1020 = tpu.vector_load %arg19[%get3A_1019] {strides = array<i32>} : memref<5120xf32, #tpu.memory_space<vmem>>, vector<16xf32>,
    %add3A_1021 = arith.addf %add3A_1018, %get3A_1020 : vector<16xf32>
    %get3A_1022 = arith.constant 5056 : index
    %get3A_1023 = tpu.vector_load %arg19[%get3A_1022] {strides = array<i32>} : memref<5120xf32, #tpu.memory_space<vmem>>, vector<16xf32>,
    %add3A_1024 = arith.addf %add3A_1021, %get3A_1023 : vector<16xf32>
    %swap3A_1025 = arith.constant 256 : index
    %swap3A_1026 = tpu.vector_load %arg20[%swap3A_1025] {strides = array<i32>} : memref<320xf32, #tpu.memory_space<vmem>>, vector<16xf32>,
    tpu.vector_store %arg20[%swap3A_1025], %add3A_1024 {strides = array<i32>} : memref<320xf32, #tpu.memory_space<vmem>>, vector<16xf32>,
    %broadcast_in_dim3A_1027 = arith.constant 2.000000e+00 : f32
    %broadcast_in_dim3A_1028 = vector.broadcast %broadcast_in_dim3A_1027 : f32 to vector<16xf32>
    %get3A_1029 = arith.constant 272 : index
    %get3A_1030 = tpu.vector_load %arg19[%get3A_1029] {strides = array<i32>} : memref<5120xf32, #tpu.memory_space<vmem>>, vector<16xf32>,
    %add3A_1031 = arith.addf %broadcast_in_dim3A_1028, %get3A_1030 : vector<16xf32>
    %get3A_1032 = arith.constant 592 : index
    %get3A_1033 = tpu.vector_load %arg19[%get3A_1032] {strides = array<i32>} : memref<5120xf32, #tpu.memory_space<vmem>>, vector<16xf32>,
    %add3A_1034 = arith.addf %add3A_1031, %get3A_1033 : vector<16xf32>
    %get3A_1035 = arith.constant 912 : index
    %get3A_1036 = tpu.vector_load %arg19[%get3A_1035] {strides = array<i32>} : memref<5120xf32, #tpu.memory_space<vmem>>, vector<16xf32>,
    %add3A_1037 = arith.addf %add3A_1034, %get3A_1036 : vector<16xf32>
    %get3A_1038 = arith.constant 1232 : index
    %get3A_1039 = tpu.vector_load %arg19[%get3A_1038] {strides = array<i32>} : memref<5120xf32, #tpu.memory_space<vmem>>, vector<16xf32>,
    %add3A_1040 = arith.addf %add3A_1037, %get3A_1039 : vector<16xf32>
    %get3A_1041 = arith.constant 1552 : index
    %get3A_1042 = tpu.vector_load %arg19[%get3A_1041] {strides = array<i32>} : memref<5120xf32, #tpu.memory_space<vmem>>, vector<16xf32>,
    %add3A_1043 = arith.addf %add3A_1040, %get3A_1042 : vector<16xf32>
    %get3A_1044 = arith.constant 1872 : index
    %get3A_1045 = tpu.vector_load %arg19[%get3A_1044] {strides = array<i32>} : memref<5120xf32, #tpu.memory_space<vmem>>, vector<16xf32>,
    %add3A_1046 = arith.addf %add3A_1043, %get3A_1045 : vector<16xf32>
    %get3A_1047 = arith.constant 2192 : index
    %get3A_1048 = tpu.vector_load %arg19[%get3A_1047] {strides = array<i32>} : memref<5120xf32, #tpu.memory_space<vmem>>, vector<16xf32>,
    %add3A_1049 = arith.addf %add3A_1046, %get3A_1048 : vector<16xf32>
    %get3A_1050 = arith.constant 2512 : index
    %get3A_1051 = tpu.vector_load %arg19[%get3A_1050] {strides = array<i32>} : memref<5120xf32, #tpu.memory_space<vmem>>, vector<16xf32>,
    %add3A_1052 = arith.addf %add3A_1049, %get3A_1051 : vector<16xf32>
    %get3A_1053 = arith.constant 2832 : index
    %get3A_1054 = tpu.vector_load %arg19[%get3A_1053] {strides = array<i32>} : memref<5120xf32, #tpu.memory_space<vmem>>, vector<16xf32>,
    %add3A_1055 = arith.addf %add3A_1052, %get3A_1054 : vector<16xf32>
    %get3A_1056 = arith.constant 3152 : index
    %get3A_1057 = tpu.vector_load %arg19[%get3A_1056] {strides = array<i32>} : memref<5120xf32, #tpu.memory_space<vmem>>, vector<16xf32>,
    %add3A_1058 = arith.addf %add3A_1055, %get3A_1057 : vector<16xf32>
    %get3A_1059 = arith.constant 3472 : index
    %get3A_1060 = tpu.vector_load %arg19[%get3A_1059] {strides = array<i32>} : memref<5120xf32, #tpu.memory_space<vmem>>, vector<16xf32>,
    %add3A_1061 = arith.addf %add3A_1058, %get3A_1060 : vector<16xf32>
    %get3A_1062 = arith.constant 3792 : index
    %get3A_1063 = tpu.vector_load %arg19[%get3A_1062] {strides = array<i32>} : memref<5120xf32, #tpu.memory_space<vmem>>, vector<16xf32>,
    %add3A_1064 = arith.addf %add3A_1061, %get3A_1063 : vector<16xf32>
    %get3A_1065 = arith.constant 4112 : index
    %get3A_1066 = tpu.vector_load %arg19[%get3A_1065] {strides = array<i32>} : memref<5120xf32, #tpu.memory_space<vmem>>, vector<16xf32>,
    %add3A_1067 = arith.addf %add3A_1064, %get3A_1066 : vector<16xf32>
    %get3A_1068 = arith.constant 4432 : index
    %get3A_1069 = tpu.vector_load %arg19[%get3A_1068] {strides = array<i32>} : memref<5120xf32, #tpu.memory_space<vmem>>, vector<16xf32>,
    %add3A_1070 = arith.addf %add3A_1067, %get3A_1069 : vector<16xf32>
    %get3A_1071 = arith.constant 4752 : index
    %get3A_1072 = tpu.vector_load %arg19[%get3A_1071] {strides = array<i32>} : memref<5120xf32, #tpu.memory_space<vmem>>, vector<16xf32>,
    %add3A_1073 = arith.addf %add3A_1070, %get3A_1072 : vector<16xf32>
    %get3A_1074 = arith.constant 5072 : index
    %get3A_1075 = tpu.vector_load %arg19[%get3A_1074] {strides = array<i32>} : memref<5120xf32, #tpu.memory_space<vmem>>, vector<16xf32>,
    %add3A_1076 = arith.addf %add3A_1073, %get3A_1075 : vector<16xf32>
    %swap3A_1077 = arith.constant 272 : index
    %swap3A_1078 = tpu.vector_load %arg20[%swap3A_1077] {strides = array<i32>} : memref<320xf32, #tpu.memory_space<vmem>>, vector<16xf32>,
    tpu.vector_store %arg20[%swap3A_1077], %add3A_1076 {strides = array<i32>} : memref<320xf32, #tpu.memory_space<vmem>>, vector<16xf32>,
    %broadcast_in_dim3A_1079 = arith.constant 2.000000e+00 : f32
    %broadcast_in_dim3A_1080 = vector.broadcast %broadcast_in_dim3A_1079 : f32 to vector<16xf32>
    %get3A_1081 = arith.constant 288 : index
    %get3A_1082 = tpu.vector_load %arg19[%get3A_1081] {strides = array<i32>} : memref<5120xf32, #tpu.memory_space<vmem>>, vector<16xf32>,
    %add3A_1083 = arith.addf %broadcast_in_dim3A_1080, %get3A_1082 : vector<16xf32>
    %get3A_1084 = arith.constant 608 : index
    %get3A_1085 = tpu.vector_load %arg19[%get3A_1084] {strides = array<i32>} : memref<5120xf32, #tpu.memory_space<vmem>>, vector<16xf32>,
    %add3A_1086 = arith.addf %add3A_1083, %get3A_1085 : vector<16xf32>
    %get3A_1087 = arith.constant 928 : index
    %get3A_1088 = tpu.vector_load %arg19[%get3A_1087] {strides = array<i32>} : memref<5120xf32, #tpu.memory_space<vmem>>, vector<16xf32>,
    %add3A_1089 = arith.addf %add3A_1086, %get3A_1088 : vector<16xf32>
    %get3A_1090 = arith.constant 1248 : index
    %get3A_1091 = tpu.vector_load %arg19[%get3A_1090] {strides = array<i32>} : memref<5120xf32, #tpu.memory_space<vmem>>, vector<16xf32>,
    %add3A_1092 = arith.addf %add3A_1089, %get3A_1091 : vector<16xf32>
    %get3A_1093 = arith.constant 1568 : index
    %get3A_1094 = tpu.vector_load %arg19[%get3A_1093] {strides = array<i32>} : memref<5120xf32, #tpu.memory_space<vmem>>, vector<16xf32>,
    %add3A_1095 = arith.addf %add3A_1092, %get3A_1094 : vector<16xf32>
    %get3A_1096 = arith.constant 1888 : index
    %get3A_1097 = tpu.vector_load %arg19[%get3A_1096] {strides = array<i32>} : memref<5120xf32, #tpu.memory_space<vmem>>, vector<16xf32>,
    %add3A_1098 = arith.addf %add3A_1095, %get3A_1097 : vector<16xf32>
    %get3A_1099 = arith.constant 2208 : index
    %get3A_1100 = tpu.vector_load %arg19[%get3A_1099] {strides = array<i32>} : memref<5120xf32, #tpu.memory_space<vmem>>, vector<16xf32>,
    %add3A_1101 = arith.addf %add3A_1098, %get3A_1100 : vector<16xf32>
    %get3A_1102 = arith.constant 2528 : index
    %get3A_1103 = tpu.vector_load %arg19[%get3A_1102] {strides = array<i32>} : memref<5120xf32, #tpu.memory_space<vmem>>, vector<16xf32>,
    %add3A_1104 = arith.addf %add3A_1101, %get3A_1103 : vector<16xf32>
    %get3A_1105 = arith.constant 2848 : index
    %get3A_1106 = tpu.vector_load %arg19[%get3A_1105] {strides = array<i32>} : memref<5120xf32, #tpu.memory_space<vmem>>, vector<16xf32>,
    %add3A_1107 = arith.addf %add3A_1104, %get3A_1106 : vector<16xf32>
    %get3A_1108 = arith.constant 3168 : index
    %get3A_1109 = tpu.vector_load %arg19[%get3A_1108] {strides = array<i32>} : memref<5120xf32, #tpu.memory_space<vmem>>, vector<16xf32>,
    %add3A_1110 = arith.addf %add3A_1107, %get3A_1109 : vector<16xf32>
    %get3A_1111 = arith.constant 3488 : index
    %get3A_1112 = tpu.vector_load %arg19[%get3A_1111] {strides = array<i32>} : memref<5120xf32, #tpu.memory_space<vmem>>, vector<16xf32>,
    %add3A_1113 = arith.addf %add3A_1110, %get3A_1112 : vector<16xf32>
    %get3A_1114 = arith.constant 3808 : index
    %get3A_1115 = tpu.vector_load %arg19[%get3A_1114] {strides = array<i32>} : memref<5120xf32, #tpu.memory_space<vmem>>, vector<16xf32>,
    %add3A_1116 = arith.addf %add3A_1113, %get3A_1115 : vector<16xf32>
    %get3A_1117 = arith.constant 4128 : index
    %get3A_1118 = tpu.vector_load %arg19[%get3A_1117] {strides = array<i32>} : memref<5120xf32, #tpu.memory_space<vmem>>, vector<16xf32>,
    %add3A_1119 = arith.addf %add3A_1116, %get3A_1118 : vector<16xf32>
    %get3A_1120 = arith.constant 4448 : index
    %get3A_1121 = tpu.vector_load %arg19[%get3A_1120] {strides = array<i32>} : memref<5120xf32, #tpu.memory_space<vmem>>, vector<16xf32>,
    %add3A_1122 = arith.addf %add3A_1119, %get3A_1121 : vector<16xf32>
    %get3A_1123 = arith.constant 4768 : index
    %get3A_1124 = tpu.vector_load %arg19[%get3A_1123] {strides = array<i32>} : memref<5120xf32, #tpu.memory_space<vmem>>, vector<16xf32>,
    %add3A_1125 = arith.addf %add3A_1122, %get3A_1124 : vector<16xf32>
    %get3A_1126 = arith.constant 5088 : index
    %get3A_1127 = tpu.vector_load %arg19[%get3A_1126] {strides = array<i32>} : memref<5120xf32, #tpu.memory_space<vmem>>, vector<16xf32>,
    %add3A_1128 = arith.addf %add3A_1125, %get3A_1127 : vector<16xf32>
    %swap3A_1129 = arith.constant 288 : index
    %swap3A_1130 = tpu.vector_load %arg20[%swap3A_1129] {strides = array<i32>} : memref<320xf32, #tpu.memory_space<vmem>>, vector<16xf32>,
    tpu.vector_store %arg20[%swap3A_1129], %add3A_1128 {strides = array<i32>} : memref<320xf32, #tpu.memory_space<vmem>>, vector<16xf32>,
    %broadcast_in_dim3A_1131 = arith.constant 2.000000e+00 : f32
    %broadcast_in_dim3A_1132 = vector.broadcast %broadcast_in_dim3A_1131 : f32 to vector<16xf32>
    %get3A_1133 = arith.constant 304 : index
    %get3A_1134 = tpu.vector_load %arg19[%get3A_1133] {strides = array<i32>} : memref<5120xf32, #tpu.memory_space<vmem>>, vector<16xf32>,
    %add3A_1135 = arith.addf %broadcast_in_dim3A_1132, %get3A_1134 : vector<16xf32>
    %get3A_1136 = arith.constant 624 : index
    %get3A_1137 = tpu.vector_load %arg19[%get3A_1136] {strides = array<i32>} : memref<5120xf32, #tpu.memory_space<vmem>>, vector<16xf32>,
    %add3A_1138 = arith.addf %add3A_1135, %get3A_1137 : vector<16xf32>
    %get3A_1139 = arith.constant 944 : index
    %get3A_1140 = tpu.vector_load %arg19[%get3A_1139] {strides = array<i32>} : memref<5120xf32, #tpu.memory_space<vmem>>, vector<16xf32>,
    %add3A_1141 = arith.addf %add3A_1138, %get3A_1140 : vector<16xf32>
    %get3A_1142 = arith.constant 1264 : index
    %get3A_1143 = tpu.vector_load %arg19[%get3A_1142] {strides = array<i32>} : memref<5120xf32, #tpu.memory_space<vmem>>, vector<16xf32>,
    %add3A_1144 = arith.addf %add3A_1141, %get3A_1143 : vector<16xf32>
    %get3A_1145 = arith.constant 1584 : index
    %get3A_1146 = tpu.vector_load %arg19[%get3A_1145] {strides = array<i32>} : memref<5120xf32, #tpu.memory_space<vmem>>, vector<16xf32>,
    %add3A_1147 = arith.addf %add3A_1144, %get3A_1146 : vector<16xf32>
    %get3A_1148 = arith.constant 1904 : index
    %get3A_1149 = tpu.vector_load %arg19[%get3A_1148] {strides = array<i32>} : memref<5120xf32, #tpu.memory_space<vmem>>, vector<16xf32>,
    %add3A_1150 = arith.addf %add3A_1147, %get3A_1149 : vector<16xf32>
    %get3A_1151 = arith.constant 2224 : index
    %get3A_1152 = tpu.vector_load %arg19[%get3A_1151] {strides = array<i32>} : memref<5120xf32, #tpu.memory_space<vmem>>, vector<16xf32>,
    %add3A_1153 = arith.addf %add3A_1150, %get3A_1152 : vector<16xf32>
    %get3A_1154 = arith.constant 2544 : index
    %get3A_1155 = tpu.vector_load %arg19[%get3A_1154] {strides = array<i32>} : memref<5120xf32, #tpu.memory_space<vmem>>, vector<16xf32>,
    %add3A_1156 = arith.addf %add3A_1153, %get3A_1155 : vector<16xf32>
    %get3A_1157 = arith.constant 2864 : index
    %get3A_1158 = tpu.vector_load %arg19[%get3A_1157] {strides = array<i32>} : memref<5120xf32, #tpu.memory_space<vmem>>, vector<16xf32>,
    %add3A_1159 = arith.addf %add3A_1156, %get3A_1158 : vector<16xf32>
    %get3A_1160 = arith.constant 3184 : index
    %get3A_1161 = tpu.vector_load %arg19[%get3A_1160] {strides = array<i32>} : memref<5120xf32, #tpu.memory_space<vmem>>, vector<16xf32>,
    %add3A_1162 = arith.addf %add3A_1159, %get3A_1161 : vector<16xf32>
    %get3A_1163 = arith.constant 3504 : index
    %get3A_1164 = tpu.vector_load %arg19[%get3A_1163] {strides = array<i32>} : memref<5120xf32, #tpu.memory_space<vmem>>, vector<16xf32>,
    %add3A_1165 = arith.addf %add3A_1162, %get3A_1164 : vector<16xf32>
    %get3A_1166 = arith.constant 3824 : index
    %get3A_1167 = tpu.vector_load %arg19[%get3A_1166] {strides = array<i32>} : memref<5120xf32, #tpu.memory_space<vmem>>, vector<16xf32>,
    %add3A_1168 = arith.addf %add3A_1165, %get3A_1167 : vector<16xf32>
    %get3A_1169 = arith.constant 4144 : index
    %get3A_1170 = tpu.vector_load %arg19[%get3A_1169] {strides = array<i32>} : memref<5120xf32, #tpu.memory_space<vmem>>, vector<16xf32>,
    %add3A_1171 = arith.addf %add3A_1168, %get3A_1170 : vector<16xf32>
    %get3A_1172 = arith.constant 4464 : index
    %get3A_1173 = tpu.vector_load %arg19[%get3A_1172] {strides = array<i32>} : memref<5120xf32, #tpu.memory_space<vmem>>, vector<16xf32>,
    %add3A_1174 = arith.addf %add3A_1171, %get3A_1173 : vector<16xf32>
    %get3A_1175 = arith.constant 4784 : index
    %get3A_1176 = tpu.vector_load %arg19[%get3A_1175] {strides = array<i32>} : memref<5120xf32, #tpu.memory_space<vmem>>, vector<16xf32>,
    %add3A_1177 = arith.addf %add3A_1174, %get3A_1176 : vector<16xf32>
    %get3A_1178 = arith.constant 5104 : index
    %get3A_1179 = tpu.vector_load %arg19[%get3A_1178] {strides = array<i32>} : memref<5120xf32, #tpu.memory_space<vmem>>, vector<16xf32>,
    %add3A_1180 = arith.addf %add3A_1177, %get3A_1179 : vector<16xf32>
    %swap3A_1181 = arith.constant 304 : index
    %swap3A_1182 = tpu.vector_load %arg20[%swap3A_1181] {strides = array<i32>} : memref<320xf32, #tpu.memory_space<vmem>>, vector<16xf32>,
    tpu.vector_store %arg20[%swap3A_1181], %add3A_1180 {strides = array<i32>} : memref<320xf32, #tpu.memory_space<vmem>>, vector<16xf32>,
    %multiple_of3A_1183 = tpu.assume_multiple %mul3A_2, 64 : i32
    "tpu.region"() ({
      %run_scoped3A = tpu.sem_alloc : memref<!tpu.dma_semaphore, #tpu.memory_space<semaphore_mem>>
      %dma_start3A_1184 = tpu.memref_slice %arg9[%multiple_of3A_1183] : memref<10240xf32, #tpu.memory_space<hbm>> -> memref<320xf32, #tpu.memory_space<hbm>>
      %dma_start3A_1185 = tpu.memref_slice %arg9[%multiple_of3A_1183] : memref<10240xf32, #tpu.memory_space<hbm>> -> memref<320xf32, #tpu.memory_space<hbm>>
      tpu.enqueue_dma source(%arg20 : memref<320xf32, #tpu.memory_space<vmem>>) target(%dma_start3A_1185 : memref<320xf32, #tpu.memory_space<hbm>>) target_semaphore(%run_scoped3A : memref<!tpu.dma_semaphore, #tpu.memory_space<semaphore_mem>>)
      %dma_wait3A = tpu.memref_slice %arg9[%multiple_of3A_1183] : memref<10240xf32, #tpu.memory_space<hbm>> -> memref<320xf32, #tpu.memory_space<hbm>>
      %dma_wait3A_1186 = tpu.memref_slice %arg9[%multiple_of3A_1183] : memref<10240xf32, #tpu.memory_space<hbm>> -> memref<320xf32, #tpu.memory_space<hbm>>
      tpu.wait_dma2 semaphore(%run_scoped3A : memref<!tpu.dma_semaphore, #tpu.memory_space<semaphore_mem>>) src(%arg20 : memref<320xf32, #tpu.memory_space<vmem>>) dst(%dma_wait3A_1186 : memref<320xf32, #tpu.memory_space<hbm>>)
      tpu.yield
    }) : () -> ()
    return
  }
}

</mosaic_0001>

<sc_bundles>
// kernel: _sc_partition.3.cloned.1.call-start
scs
__scs_entry_jumppad:
0x0: {  	(pc) =	sbr.rel $0x88, $3  }
0x1: {  	(tag) =	ssettag $0x0;
	lr =	simm.s32 $0x1  }
0x2: {  	[smem:$0x3F9E] =	sst lr;
	_ =	strace $0xD0000000  }
0x3: {  	_ = 	snop  }
0x4: {  	_ = 	snop  }
0x5: {  	_ = 	snop  }
0x6: {  	_ = 	snop  }
0x7: {  	_ = 	snop  }
__scs_overlays_trampoline_lowered:
0x8: {  	[smem:$0x3FAD] =	sst s0  }
0x9: {  	[smem:$0x3FAE] =	sst s1  }
0xa: {  	[smem:$0x3FAF] =	sst s2  }
0xb: {  	[smem:$0x3FB0] =	sst s3  }
0xc: {  	[smem:$0x3FB1] =	sst s4  }
0xd: {  	[smem:$0x3FB2] =	sst s5  }
0xe: {  	[smem:$0x3FB3] =	sst s6  }
0xf: {  	[smem:$0x3FB4] =	sst s7  }
0x10: {  	[smem:$0x3FB5] =	sst s8  }
0x11: {  	[smem:$0x3FB6] =	sst s9;
	s0 =	simm.s32 @!p0 $0x0  }
0x12: {  	s1 =	sld [smem:$0x3F9C];
	s0 =	simm.s32 @p0 $0x1  }
0x13: {  	[smem:$0x3FB7] =	sst s0;
	s0 =	simm.s32 @!p1 $0x0  }
0x14: {  	s2 =	sld [smem:$0x3F9B];
	s0 =	simm.s32 @p1 $0x1  }
0x15: {  	[smem:$0x3FB8] =	sst s0;
	s0 =	simm.s32 @!p2 $0x0  }
0x16: {  	s3 =	sld [smem:$0x3FDB];
	s0 =	simm.s32 @p2 $0x1  }
0x17: {  	s4 =	simm.s32 $0x1BF5;
	[smem:$0x3FBA] =	sst s0  }
0x18: {  	s0 =	sld [smem:$0x3F9D];
	_ =	swait.ge [sflag:s4], $0x0  }
0x19: {  	s7 =	sld [smem:$0x3F9E]  }
0x1a: {  	s8 =	sadd.s32 $0xFFFFE003, lr  }
0x1b: {  	s9 =	sadd.s32 $0xFFFFFEF7, lr;
	s5 =	simm.s32 $0xFFFFFFFF;
	p2 =	slt.u32 s8, $0xFFFFF086  }
0x1c: {  	p1 =	slt.u32 s9, $0xF7A;
	s5 =	simm.s32 @!p2 $0x0  }
0x1d: {  	s5 =	simm.s32 @p1 $0x1;
	p0 =	seq.s32 s7, s2  }
0x1e: {  	s7 =	smul.u32 @!p0 $0xF7A, s2;
	p2 =	seq.s32 @!p0 s5, $0x0  }
0x1f: {  	s9 =	smul.u32 $0xF7A, s1;
	s8 =	simm.s32 @!p0 $0x1BF5;
	p2 =	por !p2, p0  }
0x20: {  	[sflag:s8] =	ssyncset.s32 @!p0 $0xFFFFF086;
	s6 =	sadd.s32 @!p0 s3, s7;
	s7 =	simm.s32 @!p0 $0x108  }
0x21: {  	s3 =	sadd.s32 s3, s9;
	s6 =	sadd.s32 @!p0 $0x88, s6;
	s7 =	simm.s32 @p2 $0x1082  }
0x22: {  	[simem:s7], [sflag:s8] =	dma.local @!p0 [hbm:s6], $0xF7A  }
0x23: {  	s9 =	sor.u32 $0xD0000000, s2;
	s6 =	simm.s32 $0x108;
	_ =	swait.ge @!p0 [sflag:s8], $0x0  }
0x24: {  	s3 =	sadd.s32 $0x88, s3;
	s6 =	simm.s32 @!p1 $0x1082;
	[sflag:s4] =	ssyncset.s32 $0xFFFFF086  }
0x25: {  	[simem:s6], [sflag:s4] =	dma.local [hbm:s3], $0xF7A  }
0x26: {  	[smem:$0x3F9E] =	sst s1;
	(tag) =	ssettag s2;
	_ =	strace s9  }
0x27: {  	s1 =	sld [smem:$0x3FAE]  }
0x28: {  	s2 =	sld [smem:$0x3FAF]  }
0x29: {  	s4 =	sld [smem:$0x3FB1]  }
0x2a: {  	p0 =	seq.s32 s5, $0x0;
	s5 =	sld [smem:$0x3FB2]  }
0x2b: {  	s6 =	sld [smem:$0x3FB3]  }
0x2c: {  	s7 =	sld [smem:$0x3FB4]  }
0x2d: {  	s3 =	simm.s32 $0x108;
	s8 =	sld [smem:$0x3FB5]  }
0x2e: {  	s3 =	simm.s32 @!p0 $0x1082;
	s9 =	sld [smem:$0x3FB6]  }
0x2f: {  	lr =	sadd.s32 s0, s3;
	s0 =	sld [smem:$0x3FAD]  }
0x30: {  	s3 =	sld [smem:$0x3FB0]  }
0x31: {  	[smem:$0x3FB9] =	sst s10  }
0x32: {  	s10 =	sld [smem:$0x3FB7];
	_ =	sdelay $0x3  }
0x33: {  	p0 =	seq.s32 s10, $0x1;
	s10 =	sld [smem:$0x3FB9];
	_ =	sdelay $0x3  }
0x34: {  	[smem:$0x3FB9] =	sst s10  }
0x35: {  	s10 =	sld [smem:$0x3FB8];
	_ =	sdelay $0x3  }
0x36: {  	p1 =	seq.s32 s10, $0x1;
	s10 =	sld [smem:$0x3FB9];
	_ =	sdelay $0x3  }
0x37: {  	[smem:$0x3FB9] =	sst s10  }
0x38: {  	s10 =	sld [smem:$0x3FBA]  }
0x39: {  	_ = 	snop;
	(pc) =	sbr.ind lr, $3  }
0x3a: {  	_ = 	snop  }
0x3b: {  	_ = 	snop  }
0x3c: {  	p2 =	seq.s32 s10, $0x1;
	s10 =	sld [smem:$0x3FB9]  }
0x3d: {  	_ =	shalt  }
0x3e: {  	_ =	shalt  }
0x3f: {  	_ =	shalt  }
0x40: {  	_ =	shalt  }
0x41: {  	_ =	shalt  }
0x42: {  	_ =	shalt  }
0x43: {  	_ =	shalt  }
0x44: {  	_ =	shalt  }
0x45: {  	_ =	shalt  }
0x46: {  	_ =	shalt  }
0x47: {  	_ =	shalt  }
0x48: {  	_ =	shalt  }
0x49: {  	_ =	shalt  }
0x4a: {  	_ =	shalt  }
0x4b: {  	_ =	shalt  }
0x4c: {  	_ =	shalt  }
0x4d: {  	_ =	shalt  }
0x4e: {  	_ =	shalt  }
0x4f: {  	_ =	shalt  }
0x50: {  	_ =	shalt  }
0x51: {  	_ =	shalt  }
0x52: {  	_ =	shalt  }
0x53: {  	_ =	shalt  }
0x54: {  	_ =	shalt  }
0x55: {  	_ =	shalt  }
0x56: {  	_ =	shalt  }
0x57: {  	_ =	shalt  }
0x58: {  	_ =	shalt  }
0x59: {  	_ =	shalt  }
0x5a: {  	_ =	shalt  }
0x5b: {  	_ =	shalt  }
0x5c: {  	_ =	shalt  }
0x5d: {  	_ =	shalt  }
0x5e: {  	_ =	shalt  }
0x5f: {  	_ =	shalt  }
0x60: {  	_ =	shalt  }
0x61: {  	_ =	shalt  }
0x62: {  	_ =	shalt  }
0x63: {  	_ =	shalt  }
0x64: {  	_ =	shalt  }
0x65: {  	_ =	shalt  }
0x66: {  	_ =	shalt  }
0x67: {  	_ =	shalt  }
0x68: {  	_ =	shalt  }
0x69: {  	_ =	shalt  }
0x6a: {  	_ =	shalt  }
0x6b: {  	_ =	shalt  }
0x6c: {  	_ =	shalt  }
0x6d: {  	_ =	shalt  }
0x6e: {  	_ =	shalt  }
0x6f: {  	_ =	shalt  }
0x70: {  	_ =	shalt  }
0x71: {  	_ =	shalt  }
0x72: {  	_ =	shalt  }
0x73: {  	_ =	shalt  }
0x74: {  	_ =	shalt  }
0x75: {  	_ =	shalt  }
0x76: {  	_ =	shalt  }
0x77: {  	_ =	shalt  }
0x78: {  	_ =	shalt  }
0x79: {  	_ =	shalt  }
0x7a: {  	_ =	shalt  }
0x7b: {  	_ =	shalt  }
0x7c: {  	_ =	shalt  }
0x7d: {  	_ =	shalt  }
0x7e: {  	_ =	shalt  }
0x7f: {  	_ =	shalt  }
0x80: {  	_ =	shalt  }
0x81: {  	_ =	shalt  }
0x82: {  	_ =	shalt  }
0x83: {  	_ =	shalt  }
0x84: {  	_ =	shalt  }
0x85: {  	_ =	shalt  }
0x86: {  	_ =	shalt  }
0x87: {  	_ =	shalt  }
.Lfunc_end0:
.L_simem_size_0:
called_computation_lowered:
.L_overlay_start_0:
0x88: {  	s2 =	sld [smem:$0x3FD9]  }
0x89: {  	s3 =	sld [smem:$0x3FFE];
	_ =	sdelay $0x1  }
0x8a: {  	s1 =	srdreg.scid  }
0x8b: {  	s0 =	sand.u32 $0x1, s1  }
0x8c: {  	s15 =	sshll.u32 s0, $0xA;
	s2 =	sadd.s32 s3, s2  }
0x8d: {  	s2 =	sadd.s32 s2, s15  }
0x8e: {  	[smem:$0x3FC5] =	sst s2  }
0x8f: {  	_ = 	snop  }
0x90: {  	s2 =	sld [smem:$0x3FD0]  }
0x91: {  	s16 =	sld [smem:$0x3FC9]  }
0x92: {  	s4 =	sld [smem:$0x3FC8]  }
0x93: {  	s6 =	simm.s32 $0xA;
	s7 =	simm.s32 $0x10;
	s5 =	sld [smem:$0x3FC7]  }
0x94: {  	[smem:s7], [sflag:s6] =	dma.local [hbm:s2], $0x1  }
0x95: {  	_ =	swait.eq [sflag:s6], $0x1  }
0x96: {  	s17 =	sld [smem:$0x10]  }
0x97: {  	s18 =	sld [smem:$0x11]  }
0x98: {  	s8 =	sld [smem:$0x12];
	[sflag:s6] =	ssyncset.done $0x0  }
0x99: {  	s9 =	sld [smem:$0x13];
	[sflag:s6] =	ssyncadd.s32 $0xFFFFFFFF  }
0x9a: {  	s19 =	sld [smem:$0x14];
	(tm) =	ssettm $0x1  }
0x9b: {  	s10 =	sld [smem:$0x3FFB];
	_ =	sdelay $0x3  }
0x9c: {  	_ =	strace s10  }
0x9d: {  	s10 =	sld [smem:$0x3FFC];
	_ =	sdelay $0x3  }
0x9e: {  	_ =	strace s10  }
0x9f: {  	s10 =	sld [smem:$0x3FFD];
	_ =	sdelay $0x3  }
0xa0: {  	_ =	strace s10  }
0xa1: {  	_ =	strace $0x8FFFFFFF  }
0xa2: {  	s20 =	sld [smem:$0x3FDB];
	_ =	sdelay $0x1  }
0xa3: {  	s11 =	simm.s32 $_scs_section_size  }
0xa4: {  	s12 =	simm.s32 $_size__tile_overlayer_lowered;
	s13 =	simm.s32 $_tile_overlayer_lowered  }
0xa5: {  	s23 =	simm.s32 $0x1BFF;
	s22 =	sshll.u32 s13, $0x1;
	s10 =	sadd.s32 s11, s20  }
0xa6: {  	s14 =	simm.s32 $0x0;
	s21 =	sshll.u32 s12, $0x1;
	s12 =	sadd.s32 s22, s10  }
0xa7: {  	[timem:s14], [sflag:s23] =	dma.local [hbm:s12], s21  }
0xa8: {  	_ =	swait.ge [sflag:s23], s21  }
0xa9: {  	s11 =	ssub.s32 $0x0, s21;
	[sflag:s23] =	ssyncset.done $0x0  }
0xaa: {  	[sflag:s23] =	ssyncadd.s32 s11;
	_ =	sdelay $0x1  }
0xab: {  	s24 =	simm.s32 $0x1B8B  }
0xac: {  	_ =	swait.ge [sflag:s24], $0x1  }
0xad: {  	[sflag:s24] =	ssyncset.done $0x0  }
0xae: {  	s25 =	simm.s32 $0x1B8E;
	[sflag:s24] =	ssyncadd.s32 $0xFFFFFFFF  }
0xaf: {  	s26 =	simm.s32 $execute0_lowered;
	[smem:$0x3FD2] =	sst s25  }
0xb0: {  	s11 =	sshll.u32 s26, $0x1;
	_ =	strace $0x80000046;
	[dreg:$0x1] =	wrdreg $0xFFFFFFFF  }
0xb1: {  	s28 =	simm.s32 $_size_execute0_lowered;
	s10 =	sadd.s32 s10, s11;
	[dreg:$0x0] =	wrdreg $0x0  }
0xb2: {  	s11 =	sshll.u32 s28, $0x1;
	[dreg:$0x2] =	wrdreg s10  }
0xb3: {  	[dreg:$0x3] =	wrdreg s11  }
0xb4: {  	[dreg:$0x4] =	wrdreg $0xC0  }
0xb5: {  	_ =	task [dreg:s14], $0x5FFFF  }
0xb6: {  	[dreg:$0x1] =	wrdreg $0xFFFFFFFF  }
0xb7: {  	[dreg:$0x0] =	wrdreg $0x60  }
0xb8: {  	[dreg:$0x2] =	wrdreg s16  }
0xb9: {  	[dreg:$0x3] =	wrdreg s4  }
0xba: {  	[dreg:$0x4] =	wrdreg s5  }
0xbb: {  	[dreg:$0x5] =	wrdreg s17  }
0xbc: {  	[dreg:$0x6] =	wrdreg s18  }
0xbd: {  	[dreg:$0x7] =	wrdreg s8  }
0xbe: {  	[dreg:$0x8] =	wrdreg s9  }
0xbf: {  	[dreg:$0x9] =	wrdreg s19  }
0xc0: {  	[dreg:$0xa] =	wrdreg $0x9  }
0xc1: {  	_ =	task.clear_ibuf [dreg:s14], $0xBFFFF;
	_ =	strace $0x90000046  }
0xc2: {  	s29 =	simm.s32 $0x9;
	_ =	strace $0x80000048  }
0xc3: {  	_ =	swait.ge [sflag:s29], $0x1  }
0xc4: {  	[sflag:s29] =	ssyncadd.s32 $0xFFFFFFFF  }
0xc5: {  	_ =	strace $0x90000048  }
0xc6: {  	_ =	sfence  }
0xc7: {  	s30 =	sld [smem:$0x0];
	_ =	sdelay $0x2  }
0xc8: {  	s31 =	sshll.u32 s1, $0xD;
	s1 =	sshrl.u32 s1, $0x2  }
0xc9: {  	s3 =	sand.u32 $0x4000, s31;
	s1 =	sadd.s32 s1, s30  }
0xca: {  	s0 =	sor.u32 s3, s0;
	s1 =	sshll.u32 s1, $0x11  }
0xcb: {  	s0 =	sor.u32 s1, s0  }
0xcc: {  	s0 =	sadd.s32 $0x8F2B, s0  }
0xcd: {  	[sflag:s0] =	ssyncadd.remote.s32 $0x1  }
0xce: {  	_ =	sfence.sel $0xFFFF  }
0xcf: {  	[dreg:$0x0] =	wrdreg $0xFFFFFFFF;
	(pc) =	sbr.abs _section_cstart, $3  }
0xd0: {  	[dreg:$0x1] =	wrdreg $0xFFFFFFFF  }
0xd1: {  	_ =	task.clear_ibuf [dreg:s14], $0x2FFFF;
	_ =	strace $0x9FFFFFFF  }
0xd2: {  	(tm) =	ssettm $0x7FFFFFFF  }
0xd3: {  	_ =	shalt  }
tec
execute0_lowered:
.L_overlay_start_1:
0x0: {  	(tag) =	ssettag $0x1  }
0x1: {  	s0 =	rddreg [dreg:$0x0]  }
0x2: {  	s1 =	rddreg [dreg:$0x1]  }
0x3: {  	s2 =	rddreg [dreg:$0x2]  }
0x4: {  	s3 =	rddreg [dreg:$0x3]  }
0x5: {  	s5 =	rddreg [dreg:$0x4]  }
0x6: {  	s7 =	rddreg [dreg:$0x5]  }
0x7: {  	s4 =	rddreg [dreg:$0x6]  }
0x8: {  	s6 =	rddreg [dreg:$0x7]  }
0x9: {  	s8 =	srdreg.scid;
	s14 =	stileid.u32;
	s16 =	simm.s32 $0x2  }
0xa: {  	s17 =	simm.s32 $0x3;
	s18 =	simm.s32 $0x1;
	s20 =	simm.s32 $0x6180  }
0xb: {  	s22 =	simm.s32 $0x800;
	s23 =	simm.s32 $0x1800;
	s24 =	simm.s32 $0x2800  }
0xc: {  	s9 =	sand.u32 $0x1, s8;
	s10 =	sshll.u32 s14, $0x1;
	s14 =	smul.u32 $0x4F380, s14  }
0xd: {  	s25 =	simm.s32 $0x0;
	s10 =	sor.u32 s9, s10;
	s15 =	smul.u32 $0x279C0, s9  }
0xe: {  	s8 =	simm.s32 $0x0;
	s11 =	ssub.s32 $0x2, s9;
	s13 =	smul.u32 $0x140, s10  }
0xf: {  	[smem:$0x7FF] =	sst s8;
	s12 =	sshrl.u32 s11, $0x1;
	s9 =	smul.u32 $0x279C0, s10  }
.Ltmp0:
0x10: {  	_ =	strace $0x80000047;
	s29 =	sshll.u32 s10, $0x1;
	(pc) =	sbr.rel .LBB2_1-.Ltmp0, $4  }
0x11: {  	s11 =	ssub.s32 s11, s12;
	s4 =	sadd.s32 s4, s29;
	s31 =	sadd.s32 s15, s14  }
0x12: {  	s14 =	simm.s32 $0x1000;
	[dreg:$0x9] =	wrdreg s4;
	s30 =	sshrl.u32 s13, $0x3  }
0x13: {  	v2 =	vlaneseq.u32;
	v3 =	vimm.s32 $0x0;
	v4 =	vimm.f32 $0.0e+00;
	s19 =	sadd.s32 $0x140, s13;
	[dreg:$0xb] =	wrdreg s31;
	s4 =	sadd.s32 s6, s30  }
0x14: {  	v5 =	vmul.u32 $0x140, v2;
	s15 =	simm.s32 $0x2000;
	s12 =	smax.u32 s11, $0x1;
	v0 =	vmov s13;
	v1 =	vmov s19;
	[dreg:$0xa] =	wrdreg s4  }
.LBB2_35:
0x15: {  	v6 =	vld [tilespmem:$0x6900];
	_ =	sdelay $0x4  }
0x16: {  	[tilespmem:$0x1F6F0] =	vst v6;
	v6 =	vld [tilespmem:$0x6A40];
	_ =	sdelay $0x4  }
0x17: {  	[tilespmem:$0x1F700] =	vst v6;
	v6 =	vld [tilespmem:$0x6B80];
	_ =	sdelay $0x4  }
0x18: {  	[tilespmem:$0x1F710] =	vst v6;
	v6 =	vld [tilespmem:$0x6CC0];
	_ =	sdelay $0x4  }
0x19: {  	[tilespmem:$0x1F720] =	vst v6;
	v6 =	vld [tilespmem:$0x6E00];
	_ =	sdelay $0x1  }
0x1a: {  	v27 =	vld [tilespmem:$0x6180]  }
0x1b: {  	v30 =	vld [tilespmem:$0x62C0]  }
0x1c: {  	v35 =	vld [tilespmem:$0x6400]  }
0x1d: {  	[tilespmem:$0x1F740] =	vst v6;
	v6 =	vld [tilespmem:$0x6F40]  }
0x1e: {  	v41 =	vld [tilespmem:$0x6540]  }
0x1f: {  	v47 =	vld [tilespmem:$0x6680]  }
0x20: {  	v54 =	vld [tilespmem:$0x67C0]  }
0x21: {  	v15 =	vld [tilespmem:$0x6190]  }
0x22: {  	[tilespmem:$0x1F760] =	vst v6;
	v6 =	vld [tilespmem:$0x7080]  }
0x23: {  	v18 =	vld [tilespmem:$0x62D0]  }
0x24: {  	v22 =	vld [tilespmem:$0x6410]  }
0x25: {  	v25 =	vld [tilespmem:$0x6550]  }
0x26: {  	v32 =	vld [tilespmem:$0x6690]  }
0x27: {  	[tilespmem:$0x1F780] =	vst v6;
	v6 =	vld [tilespmem:$0x71C0]  }
0x28: {  	v37 =	vld [tilespmem:$0x67D0]  }
0x29: {  	v44 =	vld [tilespmem:$0x6910]  }
0x2a: {  	v49 =	vld [tilespmem:$0x6A50]  }
0x2b: {  	v57 =	vld [tilespmem:$0x6B90]  }
0x2c: {  	[tilespmem:$0x1F7A0] =	vst v6;
	v6 =	vld [tilespmem:$0x7300]  }
0x2d: {  	v9 =	vld [tilespmem:$0x61A0]  }
0x2e: {  	v11 =	vld [tilespmem:$0x62E0]  }
0x2f: {  	v13 =	vld [tilespmem:$0x6420]  }
0x30: {  	v16 =	vld [tilespmem:$0x6560]  }
0x31: {  	[tilespmem:$0x1F7D0] =	vst v6;
	v6 =	vld [tilespmem:$0x7440]  }
0x32: {  	v20 =	vld [tilespmem:$0x66A0]  }
0x33: {  	v24 =	vld [tilespmem:$0x67E0]  }
0x34: {  	v29 =	vld [tilespmem:$0x6920]  }
0x35: {  	v36 =	vld [tilespmem:$0x6A60]  }
0x36: {  	[tilespmem:$0x1F800] =	vst v6;
	v6 =	vld [tilespmem:$0x6CD0]  }
0x37: {  	v42 =	vld [tilespmem:$0x6BA0]  }
0x38: {  	v50 =	vld [tilespmem:$0x6CE0]  }
0x39: {  	v55 =	vld [tilespmem:$0x6E20]  }
0x3a: {  	v63 =	vld [tilespmem:$0x6F60]  }
0x3b: {  	[tilespmem:$0x1F730] =	vst v6;
	v6 =	vld [tilespmem:$0x6E10]  }
0x3c: {  	v7 =	vld [tilespmem:$0x62F0]  }
0x3d: {  	v8 =	vld [tilespmem:$0x6430]  }
0x3e: {  	v10 =	vld [tilespmem:$0x6570]  }
0x3f: {  	v12 =	vld [tilespmem:$0x66B0]  }
0x40: {  	[tilespmem:$0x1F750] =	vst v6;
	v6 =	vld [tilespmem:$0x6F50]  }
0x41: {  	v14 =	vld [tilespmem:$0x67F0]  }
0x42: {  	v17 =	vld [tilespmem:$0x6930]  }
0x43: {  	v21 =	vld [tilespmem:$0x6A70]  }
0x44: {  	v26 =	vld [tilespmem:$0x6BB0]  }
0x45: {  	[tilespmem:$0x1F770] =	vst v6;
	v6 =	vld [tilespmem:$0x7090]  }
0x46: {  	v31 =	vld [tilespmem:$0x6CF0]  }
0x47: {  	v38 =	vld [tilespmem:$0x6E30]  }
0x48: {  	v43 =	vld [tilespmem:$0x6F70]  }
0x49: {  	v51 =	vld [tilespmem:$0x70B0]  }
0x4a: {  	[tilespmem:$0x1F790] =	vst v6;
	v6 =	vld [tilespmem:$0x71D0]  }
0x4b: {  	v19 =	vld [tilespmem:$0x7330]  }
0x4c: {  	v40 =	vld [tilespmem:$0x7470]  }
0x4d: {  	v45 =	vld [tilespmem:$0x61C0]  }
0x4e: {  	v46 =	vld [tilespmem:$0x6300]  }
0x4f: {  	[tilespmem:$0x1F7C0] =	vst v6;
	v6 =	vld [tilespmem:$0x7310]  }
0x50: {  	v48 =	vld [tilespmem:$0x6440];
	[tilespmem:$0x1F830] =	vst v19  }
0x51: {  	v52 =	vld [tilespmem:$0x6580];
	[tilespmem:$0x1F860] =	vst v40  }
0x52: {  	v53 =	vld [tilespmem:$0x66C0];
	[tilespmem:$0x1F850] =	vst v45  }
0x53: {  	v56 =	vld [tilespmem:$0x6800];
	[tilespmem:$0x1F870] =	vst v46  }
0x54: {  	[tilespmem:$0x1F7F0] =	vst v6;
	v6 =	vld [tilespmem:$0x7450]  }
0x55: {  	v58 =	vld [tilespmem:$0x6940];
	[tilespmem:$0x1F880] =	vst v48  }
0x56: {  	v60 =	vld [tilespmem:$0x6A80];
	[tilespmem:$0x1F890] =	vst v52  }
0x57: {  	v61 =	vld [tilespmem:$0x6BC0];
	[tilespmem:$0x1F8B0] =	vst v53  }
0x58: {  	v62 =	vld [tilespmem:$0x6D00];
	[tilespmem:$0x1F8D0] =	vst v56  }
0x59: {  	[tilespmem:$0x1F820] =	vst v6;
	v6 =	vld [tilespmem:$0x70A0]  }
0x5a: {  	v23 =	vld [tilespmem:$0x6E40];
	[tilespmem:$0x1F8F0] =	vst v58  }
0x5b: {  	v28 =	vld [tilespmem:$0x6F80];
	[tilespmem:$0x1F920] =	vst v60  }
0x5c: {  	v33 =	vld [tilespmem:$0x70C0];
	[tilespmem:$0x1F950] =	vst v61  }
0x5d: {  	v34 =	vld [tilespmem:$0x7200];
	[tilespmem:$0x1F980] =	vst v62  }
0x5e: {  	[tilespmem:$0x1F7B0] =	vst v6;
	v6 =	vld [tilespmem:$0x71E0]  }
0x5f: {  	v39 =	vld [tilespmem:$0x7340];
	[tilespmem:$0x1F9C0] =	vst v23  }
0x60: {  	[tilespmem:$0x1FA00] =	vst v28;
	v40 =	vld [tilespmem:$0x7480]  }
0x61: {  	[tilespmem:$0x1FA40] =	vst v33;
	v45 =	vld [tilespmem:$0x6590]  }
0x62: {  	[tilespmem:$0x1FA80] =	vst v34;
	v46 =	vld [tilespmem:$0x66D0]  }
0x63: {  	[tilespmem:$0x1F7E0] =	vst v6;
	v6 =	vld [tilespmem:$0x7320]  }
0x64: {  	[tilespmem:$0x1FAC0] =	vst v39;
	v52 =	vld [tilespmem:$0x6810]  }
0x65: {  	v56 =	vld [tilespmem:$0x6950];
	[tilespmem:$0x1FB00] =	vst v40  }
0x66: {  	v58 =	vld [tilespmem:$0x6A90];
	[tilespmem:$0x1F8A0] =	vst v45  }
0x67: {  	v60 =	vld [tilespmem:$0x6BD0];
	[tilespmem:$0x1F8C0] =	vst v46  }
0x68: {  	[tilespmem:$0x1F810] =	vst v6;
	v6 =	vld [tilespmem:$0x7460]  }
0x69: {  	v59 =	vld [tilespmem:$0x71F0];
	[tilespmem:$0x1F8E0] =	vst v52  }
0x6a: {  	v48 =	vld [tilespmem:$0x61D0];
	[tilespmem:$0x1F910] =	vst v56  }
0x6b: {  	v53 =	vld [tilespmem:$0x6310];
	[tilespmem:$0x1F940] =	vst v58  }
0x6c: {  	v61 =	vld [tilespmem:$0x6450];
	[tilespmem:$0x1F970] =	vst v60  }
0x6d: {  	[tilespmem:$0x1F840] =	vst v6;
	v6 =	vld [tilespmem:$0x61B0]  }
0x6e: {  	v19 =	vld [tilespmem:$0x6D10]  }
0x6f: {  	v60 =	vld [tilespmem:$0x6BE0];
	_ =	sdelay $0x4  }
0x70: {  	[tilespmem:$0x1F990] =	vst v60;
	v60 =	vld [tilespmem:$0x6BF0];
	_ =	sdelay $0x4  }
0x71: {  	[tilespmem:$0x1F9B0] =	vst v60;
	v60 =	vld [tilespmem:$0x6D30];
	_ =	sdelay $0x4  }
0x72: {  	[tilespmem:$0x1F9F0] =	vst v60;
	v60 =	vld [tilespmem:$0x6E70];
	_ =	sdelay $0x4  }
0x73: {  	[tilespmem:$0x1FA30] =	vst v60;
	v60 =	vld [tilespmem:$0x6FB0];
	_ =	sdelay $0x4  }
0x74: {  	[tilespmem:$0x1FA70] =	vst v60;
	v60 =	vld [tilespmem:$0x70F0];
	_ =	sdelay $0x4  }
0x75: {  	[tilespmem:$0x1FAB0] =	vst v60;
	v60 =	vld [tilespmem:$0x7230];
	_ =	sdelay $0x4  }
0x76: {  	[tilespmem:$0x1FAF0] =	vst v60;
	v60 =	vld [tilespmem:$0x7370];
	_ =	sdelay $0x4  }
0x77: {  	[tilespmem:$0x1FB30] =	vst v60;
	v60 =	vld [tilespmem:$0x74B0];
	_ =	sdelay $0x4  }
0x78: {  	[tilespmem:$0x1FB60] =	vst v60;
	v60 =	vld [tilespmem:$0x6200];
	_ =	sdelay $0x4  }
0x79: {  	[tilespmem:$0x1FB50] =	vst v60;
	v60 =	vld [tilespmem:$0x6340];
	_ =	sdelay $0x4  }
0x7a: {  	[tilespmem:$0x1FB80] =	vst v60;
	v60 =	vld [tilespmem:$0x6480];
	_ =	sdelay $0x4  }
0x7b: {  	[tilespmem:$0x1FBB0] =	vst v60;
	v60 =	vld [tilespmem:$0x65C0];
	_ =	sdelay $0x4  }
0x7c: {  	[tilespmem:$0x1FBE0] =	vst v60;
	v60 =	vld [tilespmem:$0x6700];
	_ =	sdelay $0x4  }
0x7d: {  	[tilespmem:$0x1FC10] =	vst v60;
	v60 =	vld [tilespmem:$0x6840];
	_ =	sdelay $0x4  }
0x7e: {  	[tilespmem:$0x1FC40] =	vst v60;
	v60 =	vld [tilespmem:$0x6980];
	_ =	sdelay $0x4  }
0x7f: {  	[tilespmem:$0x1FC70] =	vst v60;
	v60 =	vld [tilespmem:$0x6AC0];
	_ =	sdelay $0x4  }
0x80: {  	[tilespmem:$0x1FCA0] =	vst v60;
	v60 =	vld [tilespmem:$0x6C00];
	_ =	sdelay $0x4  }
0x81: {  	[tilespmem:$0x1FCD0] =	vst v60;
	v60 =	vld [tilespmem:$0x6D40];
	_ =	sdelay $0x4  }
0x82: {  	[tilespmem:$0x1FD00] =	vst v60;
	v60 =	vld [tilespmem:$0x6E80];
	_ =	sdelay $0x4  }
0x83: {  	[tilespmem:$0x1FD30] =	vst v60;
	v60 =	vld [tilespmem:$0x6FC0];
	_ =	sdelay $0x4  }
0x84: {  	[tilespmem:$0x1FD60] =	vst v60;
	v60 =	vld [tilespmem:$0x7100];
	_ =	sdelay $0x4  }
0x85: {  	[tilespmem:$0x1FD90] =	vst v60;
	v60 =	vld [tilespmem:$0x7240];
	_ =	sdelay $0x4  }
0x86: {  	[tilespmem:$0x1FDC0] =	vst v60;
	v60 =	vld [tilespmem:$0x7380];
	_ =	sdelay $0x4  }
0x87: {  	[tilespmem:$0x1FDF0] =	vst v60;
	v60 =	vld [tilespmem:$0x74C0];
	_ =	sdelay $0x4  }
0x88: {  	[tilespmem:$0x1FE20] =	vst v60;
	v60 =	vld [tilespmem:$0x6210];
	_ =	sdelay $0x4  }
0x89: {  	[tilespmem:$0x1FB70] =	vst v60;
	v60 =	vld [tilespmem:$0x6350];
	_ =	sdelay $0x4  }
0x8a: {  	[tilespmem:$0x1FBA0] =	vst v60;
	v60 =	vld [tilespmem:$0x6490];
	_ =	sdelay $0x4  }
0x8b: {  	[tilespmem:$0x1FBD0] =	vst v60;
	v60 =	vld [tilespmem:$0x65D0];
	_ =	sdelay $0x4  }
0x8c: {  	[tilespmem:$0x1FC00] =	vst v60;
	v60 =	vld [tilespmem:$0x6710];
	_ =	sdelay $0x4  }
0x8d: {  	[tilespmem:$0x1FC30] =	vst v60;
	v60 =	vld [tilespmem:$0x6850];
	_ =	sdelay $0x4  }
0x8e: {  	[tilespmem:$0x1FC60] =	vst v60;
	v60 =	vld [tilespmem:$0x6990];
	_ =	sdelay $0x4  }
0x8f: {  	[tilespmem:$0x1FC90] =	vst v60;
	v60 =	vld [tilespmem:$0x6AD0];
	_ =	sdelay $0x4  }
0x90: {  	[tilespmem:$0x1FCC0] =	vst v60;
	v60 =	vld [tilespmem:$0x6C10];
	_ =	sdelay $0x4  }
0x91: {  	[tilespmem:$0x1FCF0] =	vst v60;
	v60 =	vld [tilespmem:$0x6D50];
	_ =	sdelay $0x4  }
0x92: {  	[tilespmem:$0x1FD20] =	vst v60;
	v60 =	vld [tilespmem:$0x6E90];
	_ =	sdelay $0x4  }
0x93: {  	[tilespmem:$0x1FD50] =	vst v60;
	v60 =	vld [tilespmem:$0x6FD0];
	_ =	sdelay $0x4  }
0x94: {  	[tilespmem:$0x1FD80] =	vst v60;
	v60 =	vld [tilespmem:$0x7110];
	_ =	sdelay $0x4  }
0x95: {  	[tilespmem:$0x1FDB0] =	vst v60;
	v60 =	vld [tilespmem:$0x7250];
	_ =	sdelay $0x4  }
0x96: {  	[tilespmem:$0x1FDE0] =	vst v60;
	v60 =	vld [tilespmem:$0x7390];
	_ =	sdelay $0x4  }
0x97: {  	[tilespmem:$0x1FE10] =	vst v60;
	v60 =	vld [tilespmem:$0x74D0];
	_ =	sdelay $0x4  }
0x98: {  	[tilespmem:$0x1FE40] =	vst v60;
	v60 =	vld [tilespmem:$0x6220];
	_ =	sdelay $0x4  }
0x99: {  	[tilespmem:$0x1FB90] =	vst v60;
	v60 =	vld [tilespmem:$0x6360];
	_ =	sdelay $0x4  }
0x9a: {  	[tilespmem:$0x1FBC0] =	vst v60;
	v60 =	vld [tilespmem:$0x64A0];
	_ =	sdelay $0x4  }
0x9b: {  	[tilespmem:$0x1FBF0] =	vst v60;
	v60 =	vld [tilespmem:$0x65E0];
	_ =	sdelay $0x4  }
0x9c: {  	[tilespmem:$0x1FC20] =	vst v60;
	v60 =	vld [tilespmem:$0x6720];
	_ =	sdelay $0x4  }
0x9d: {  	v6 =	vadd.f32 $2.000000000e+00, v6;
	[tilespmem:$0x1FC50] =	vst v60;
	v60 =	vld [tilespmem:$0x6860]  }
0x9e: {  	v27 =	vadd.f32 $2.000000000e+00, v27;
	v9 =	vadd.f32 $2.000000000e+00, v9  }
0x9f: {  	v6 =	vadd.f32 v7, v6;
	v7 =	vld [tilespmem:$0x6C20]  }
0xa0: {  	v27 =	vadd.f32 v30, v27;
	v9 =	vadd.f32 v11, v9;
	v30 =	vld [tilespmem:$0x69A0]  }
0xa1: {  	v15 =	vadd.f32 $2.000000000e+00, v15  }
0xa2: {  	v9 =	vadd.f32 v13, v9;
	[tilespmem:$0x1FC80] =	vst v60;
	v60 =	vadd.f32 v35, v27  }
0xa3: {  	v15 =	vadd.f32 v18, v15  }
0xa4: {  	[tilespmem:$0x1FD10] =	vst v7;
	v7 =	vadd.f32 v41, v60;
	v60 =	vadd.f32 v16, v9  }
0xa5: {  	[tilespmem:$0x1FCB0] =	vst v30;
	v30 =	vadd.f32 v22, v15  }
0xa6: {  	v22 =	vld [tilespmem:$0x1F6F0];
	v6 =	vadd.f32 v8, v6;
	v8 =	vadd.f32 v20, v60  }
0xa7: {  	v7 =	vadd.f32 v47, v7  }
0xa8: {  	v8 =	vadd.f32 v24, v8;
	v24 =	vld [tilespmem:$0x1F700]  }
0xa9: {  	v7 =	vadd.f32 v54, v7  }
0xaa: {  	v11 =	vadd.f32 v25, v30;
	v25 =	vld [tilespmem:$0x1F710]  }
0xab: {  	v7 =	vadd.f32 v22, v7  }
0xac: {  	v15 =	vadd.f32 v32, v11;
	v8 =	vadd.f32 v29, v8;
	v29 =	vld [tilespmem:$0x1F720]  }
0xad: {  	v32 =	vld [tilespmem:$0x1F740];
	v7 =	vadd.f32 v24, v7  }
0xae: {  	v35 =	vld [tilespmem:$0x6D60];
	v9 =	vadd.f32 v37, v15  }
0xaf: {  	v7 =	vadd.f32 v25, v7  }
0xb0: {  	v9 =	vadd.f32 v44, v9  }
0xb1: {  	v30 =	vld [tilespmem:$0x1F730];
	v7 =	vadd.f32 v29, v7  }
0xb2: {  	v9 =	vadd.f32 v49, v9  }
0xb3: {  	[tilespmem:$0x1FD40] =	vst v35;
	v35 =	vadd.f32 v32, v7;
	v7 =	vld [tilespmem:$0x1F750]  }
0xb4: {  	v9 =	vadd.f32 v57, v9;
	_ =	sdelay $0x1  }
0xb5: {  	v9 =	vadd.f32 v30, v9  }
0xb6: {  	v13 =	vld [tilespmem:$0x6FE0]  }
0xb7: {  	v9 =	vadd.f32 v7, v9;
	v7 =	vld [tilespmem:$0x1F760];
	_ =	sdelay $0x4  }
0xb8: {  	[tilespmem:$0x1FDA0] =	vst v13;
	v13 =	vadd.f32 v7, v35;
	v7 =	vld [tilespmem:$0x1F770];
	_ =	sdelay $0x3  }
0xb9: {  	v6 =	vadd.f32 v10, v6  }
0xba: {  	v37 =	vadd.f32 v7, v9;
	v7 =	vld [tilespmem:$0x1F780]  }
0xbb: {  	v6 =	vadd.f32 v12, v6;
	_ =	sdelay $0x1  }
0xbc: {  	v6 =	vadd.f32 v14, v6  }
0xbd: {  	v16 =	vld [tilespmem:$0x7120]  }
0xbe: {  	v6 =	vadd.f32 v17, v6;
	v13 =	vadd.f32 v7, v13;
	v7 =	vld [tilespmem:$0x1F790];
	_ =	sdelay $0x1  }
0xbf: {  	v6 =	vadd.f32 v21, v6;
	_ =	sdelay $0x1  }
0xc0: {  	v6 =	vadd.f32 v26, v6  }
0xc1: {  	[tilespmem:$0x1FDD0] =	vst v16;
	v8 =	vadd.f32 v36, v8;
	v16 =	vadd.f32 v7, v37;
	v7 =	vld [tilespmem:$0x1F7A0]  }
0xc2: {  	v6 =	vadd.f32 v31, v6  }
0xc3: {  	v8 =	vadd.f32 v42, v8  }
0xc4: {  	v6 =	vadd.f32 v38, v6  }
0xc5: {  	v18 =	vld [tilespmem:$0x7260];
	v8 =	vadd.f32 v50, v8  }
0xc6: {  	v6 =	vadd.f32 v43, v6;
	v43 =	vadd.f32 v7, v13;
	v7 =	vld [tilespmem:$0x1F7B0]  }
0xc7: {  	v36 =	vadd.f32 v55, v8;
	_ =	sdelay $0x1  }
0xc8: {  	v38 =	vadd.f32 v63, v36;
	_ =	sdelay $0x1  }
0xc9: {  	[tilespmem:$0x1FE00] =	vst v18;
	v18 =	vadd.f32 v7, v38;
	v7 =	vld [tilespmem:$0x1F7C0];
	_ =	sdelay $0x4  }
0xca: {  	v16 =	vadd.f32 v7, v16;
	v7 =	vld [tilespmem:$0x73B0];
	_ =	sdelay $0x3  }
0xcb: {  	v20 =	vld [tilespmem:$0x73A0]  }
0xcc: {  	[tilespmem:$0x1FE50] =	vst v7;
	v7 =	vld [tilespmem:$0x1F7D0];
	_ =	sdelay $0x4  }
0xcd: {  	[tilespmem:$0x1FE30] =	vst v20;
	v20 =	vadd.f32 v7, v43;
	v7 =	vld [tilespmem:$0x1F7E0];
	_ =	sdelay $0x4  }
0xce: {  	v18 =	vadd.f32 v7, v18;
	v7 =	vld [tilespmem:$0x74F0];
	_ =	sdelay $0x4  }
0xcf: {  	[tilespmem:$0x1FE60] =	vst v7;
	v7 =	vld [tilespmem:$0x1F7F0];
	_ =	sdelay $0x4  }
0xd0: {  	v16 =	vadd.f32 v7, v16;
	v7 =	vld [tilespmem:$0x1F800];
	_ =	sdelay $0x4  }
0xd1: {  	v7 =	vadd.f32 v7, v20;
	_ =	sdelay $0x1  }
0xd2: {  	[tilespmem:$0x1FF80] =	vst v7;
	v7 =	vld [tilespmem:$0x1F810];
	_ =	sdelay $0x4  }
0xd3: {  	v18 =	vadd.f32 v7, v18;
	v7 =	vld [tilespmem:$0x6380];
	_ =	sdelay $0x4  }
0xd4: {  	[tilespmem:$0x1FE70] =	vst v7;
	v7 =	vld [tilespmem:$0x1F820];
	_ =	sdelay $0x4  }
0xd5: {  	v7 =	vadd.f32 v7, v16;
	_ =	sdelay $0x1  }
0xd6: {  	[tilespmem:$0x1FF90] =	vst v7;
	v7 =	vld [tilespmem:$0x1F830]  }
0xd7: {  	v6 =	vadd.f32 v51, v6;
	_ =	sdelay $0x1  }
0xd8: {  	v6 =	vadd.f32 v59, v6;
	_ =	sdelay $0x1  }
0xd9: {  	v6 =	vadd.f32 v7, v6;
	v7 =	vld [tilespmem:$0x64C0];
	_ =	sdelay $0x4  }
0xda: {  	[tilespmem:$0x1FE80] =	vst v7;
	v7 =	vld [tilespmem:$0x1F840];
	_ =	sdelay $0x4  }
0xdb: {  	v7 =	vadd.f32 v7, v18;
	_ =	sdelay $0x1  }
0xdc: {  	[tilespmem:$0x1FFA0] =	vst v7;
	v7 =	vld [tilespmem:$0x1F850];
	_ =	sdelay $0x4  }
0xdd: {  	v44 =	vadd.f32 $2.000000000e+00, v7;
	v7 =	vld [tilespmem:$0x6600];
	_ =	sdelay $0x4  }
0xde: {  	[tilespmem:$0x1FE90] =	vst v7;
	v7 =	vld [tilespmem:$0x1F860];
	_ =	sdelay $0x4  }
0xdf: {  	v6 =	vadd.f32 v7, v6;
	v7 =	vld [tilespmem:$0x6740];
	_ =	sdelay $0x4  }
0xe0: {  	[tilespmem:$0x1FEA0] =	vst v7;
	v7 =	vld [tilespmem:$0x1F870];
	_ =	sdelay $0x4  }
0xe1: {  	v16 =	vadd.f32 v7, v44;
	v7 =	vld [tilespmem:$0x6880];
	_ =	sdelay $0x4  }
0xe2: {  	[tilespmem:$0x1FEB0] =	vst v7;
	v7 =	vld [tilespmem:$0x69C0];
	_ =	sdelay $0x4  }
0xe3: {  	[tilespmem:$0x1FEC0] =	vst v7;
	v7 =	vld [tilespmem:$0x1F880];
	_ =	sdelay $0x4  }
0xe4: {  	v16 =	vadd.f32 v7, v16;
	v7 =	vld [tilespmem:$0x6B00];
	_ =	sdelay $0x4  }
0xe5: {  	[tilespmem:$0x1FED0] =	vst v7;
	v7 =	vld [tilespmem:$0x6C40];
	_ =	sdelay $0x4  }
0xe6: {  	[tilespmem:$0x1FEE0] =	vst v7;
	v7 =	vld [tilespmem:$0x1F890];
	_ =	sdelay $0x4  }
0xe7: {  	v16 =	vadd.f32 v7, v16;
	v7 =	vld [tilespmem:$0x6D80];
	_ =	sdelay $0x3  }
0xe8: {  	[tilespmem:$0x1FFB0] =	vst v6;
	v6 =	vadd.f32 $2.000000000e+00, v48  }
0xe9: {  	[tilespmem:$0x1FEF0] =	vst v7;
	v7 =	vld [tilespmem:$0x1F8A0]  }
0xea: {  	v6 =	vadd.f32 v53, v6;
	_ =	sdelay $0x1  }
0xeb: {  	v6 =	vadd.f32 v61, v6;
	_ =	sdelay $0x1  }
0xec: {  	v6 =	vadd.f32 v7, v6;
	v7 =	vld [tilespmem:$0x6EC0];
	_ =	sdelay $0x4  }
0xed: {  	[tilespmem:$0x1FF00] =	vst v7;
	v7 =	vld [tilespmem:$0x1F8B0];
	_ =	sdelay $0x4  }
0xee: {  	v16 =	vadd.f32 v7, v16;
	v7 =	vld [tilespmem:$0x7000];
	_ =	sdelay $0x4  }
0xef: {  	[tilespmem:$0x1FF10] =	vst v7;
	v7 =	vld [tilespmem:$0x1F8C0];
	_ =	sdelay $0x4  }
0xf0: {  	v6 =	vadd.f32 v7, v6;
	v7 =	vld [tilespmem:$0x7140];
	_ =	sdelay $0x4  }
0xf1: {  	[tilespmem:$0x1FF20] =	vst v7;
	v7 =	vld [tilespmem:$0x1F8D0];
	_ =	sdelay $0x4  }
0xf2: {  	v16 =	vadd.f32 v7, v16;
	v7 =	vld [tilespmem:$0x7280];
	_ =	sdelay $0x3  }
0xf3: {  	v33 =	vld [tilespmem:$0x7210]  }
0xf4: {  	[tilespmem:$0x1FF30] =	vst v7;
	v7 =	vld [tilespmem:$0x1F8E0];
	_ =	sdelay $0x1  }
0xf5: {  	v39 =	vld [tilespmem:$0x7490];
	_ =	sdelay $0x1  }
0xf6: {  	[tilespmem:$0x1FAA0] =	vst v33;
	v33 =	vld [tilespmem:$0x61E0]  }
0xf7: {  	v6 =	vadd.f32 v7, v6;
	v7 =	vld [tilespmem:$0x73C0];
	_ =	sdelay $0x1  }
0xf8: {  	[tilespmem:$0x1FB20] =	vst v39;
	v39 =	vld [tilespmem:$0x6320]  }
0xf9: {  	v45 =	vld [tilespmem:$0x6460]  }
0xfa: {  	v40 =	vld [tilespmem:$0x6820]  }
0xfb: {  	v50 =	vadd.f32 $2.000000000e+00, v33;
	[tilespmem:$0x1FF40] =	vst v7;
	v7 =	vld [tilespmem:$0x1F8F0]  }
0xfc: {  	v52 =	vld [tilespmem:$0x65A0]  }
0xfd: {  	v18 =	vadd.f32 v39, v50  }
0xfe: {  	v58 =	vld [tilespmem:$0x66E0]  }
0xff: {  	[tilespmem:$0x1F900] =	vst v40;
	v18 =	vadd.f32 v45, v18  }
0x100: {  	v16 =	vadd.f32 v7, v16;
	v7 =	vld [tilespmem:$0x1F900]  }
0x101: {  	v18 =	vadd.f32 v52, v18;
	_ =	sdelay $0x1  }
0x102: {  	v18 =	vadd.f32 v58, v18;
	_ =	sdelay $0x1  }
0x103: {  	v18 =	vadd.f32 v7, v18;
	v7 =	vld [tilespmem:$0x7500];
	_ =	sdelay $0x4  }
0x104: {  	[tilespmem:$0x1FF60] =	vst v7;
	v7 =	vld [tilespmem:$0x1F910];
	_ =	sdelay $0x3  }
0x105: {  	v46 =	vld [tilespmem:$0x6960]  }
0x106: {  	v6 =	vadd.f32 v7, v6;
	v7 =	vld [tilespmem:$0x1F920];
	_ =	sdelay $0x3  }
0x107: {  	[tilespmem:$0x1F930] =	vst v46  }
0x108: {  	v16 =	vadd.f32 v7, v16;
	v7 =	vld [tilespmem:$0x1F930];
	_ =	sdelay $0x4  }
0x109: {  	v18 =	vadd.f32 v7, v18;
	v7 =	vld [tilespmem:$0x1F940];
	_ =	sdelay $0x3  }
0x10a: {  	v56 =	vld [tilespmem:$0x6AA0]  }
0x10b: {  	v6 =	vadd.f32 v7, v6;
	v7 =	vld [tilespmem:$0x1F950];
	_ =	sdelay $0x3  }
0x10c: {  	v23 =	vld [tilespmem:$0x6F90];
	[tilespmem:$0x1F960] =	vst v56  }
0x10d: {  	v16 =	vadd.f32 v7, v16;
	v7 =	vld [tilespmem:$0x1F960]  }
0x10e: {  	v28 =	vld [tilespmem:$0x70D0]  }
0x10f: {  	v34 =	vld [tilespmem:$0x7350]  }
0x110: {  	v62 =	vld [tilespmem:$0x6E50]  }
0x111: {  	[tilespmem:$0x1FA20] =	vst v23;
	v23 =	vld [tilespmem:$0x6E60]  }
0x112: {  	v18 =	vadd.f32 v7, v18;
	v7 =	vld [tilespmem:$0x1F970]  }
0x113: {  	[tilespmem:$0x1FA60] =	vst v28;
	v28 =	vld [tilespmem:$0x6FA0]  }
0x114: {  	[tilespmem:$0x1FAE0] =	vst v34;
	v34 =	vld [tilespmem:$0x70E0]  }
0x115: {  	v40 =	vld [tilespmem:$0x7220]  }
0x116: {  	[tilespmem:$0x1F9A0] =	vst v19;
	v19 =	vld [tilespmem:$0x61F0]  }
0x117: {  	v6 =	vadd.f32 v7, v6;
	v7 =	vld [tilespmem:$0x1F980]  }
0x118: {  	[tilespmem:$0x1FA10] =	vst v23;
	v23 =	vld [tilespmem:$0x6330]  }
0x119: {  	v46 =	vld [tilespmem:$0x7360]  }
0x11a: {  	[tilespmem:$0x1FA50] =	vst v28;
	v28 =	vld [tilespmem:$0x6470]  }
0x11b: {  	[tilespmem:$0x1FA90] =	vst v34;
	v34 =	vld [tilespmem:$0x65B0];
	v19 =	vadd.f32 $2.000000000e+00, v19  }
0x11c: {  	v16 =	vadd.f32 v7, v16;
	v7 =	vld [tilespmem:$0x1F990]  }
0x11d: {  	v56 =	vld [tilespmem:$0x74A0];
	v19 =	vadd.f32 v23, v19  }
0x11e: {  	[tilespmem:$0x1FAD0] =	vst v40;
	v40 =	vld [tilespmem:$0x66F0]  }
0x11f: {  	[tilespmem:$0x1F9E0] =	vst v62;
	v62 =	vld [tilespmem:$0x6D20];
	v19 =	vadd.f32 v28, v19  }
0x120: {  	[tilespmem:$0x1FB10] =	vst v46;
	v46 =	vld [tilespmem:$0x6830]  }
0x121: {  	v19 =	vadd.f32 v34, v19;
	v18 =	vadd.f32 v7, v18;
	v7 =	vld [tilespmem:$0x1F9A0]  }
0x122: {  	[tilespmem:$0x1FB40] =	vst v56;
	v56 =	vld [tilespmem:$0x6970]  }
0x123: {  	v19 =	vadd.f32 v40, v19  }
0x124: {  	[tilespmem:$0x1F9D0] =	vst v62;
	v62 =	vld [tilespmem:$0x6AB0]  }
0x125: {  	v19 =	vadd.f32 v46, v19  }
0x126: {  	v53 =	vadd.f32 v7, v6;
	v6 =	vld [tilespmem:$0x1F9B0]  }
0x127: {  	v19 =	vadd.f32 v56, v19;
	_ =	sdelay $0x1  }
0x128: {  	v19 =	vadd.f32 v62, v19;
	_ =	sdelay $0x1  }
0x129: {  	v19 =	vadd.f32 v6, v19;
	v6 =	vld [tilespmem:$0x1F9C0];
	_ =	sdelay $0x4  }
0x12a: {  	v16 =	vadd.f32 v6, v16;
	v6 =	vld [tilespmem:$0x1F9D0];
	_ =	sdelay $0x4  }
0x12b: {  	v18 =	vadd.f32 v6, v18;
	v6 =	vld [tilespmem:$0x1F9E0];
	_ =	sdelay $0x4  }
0x12c: {  	v20 =	vadd.f32 v6, v53;
	v6 =	vld [tilespmem:$0x1F9F0];
	_ =	sdelay $0x4  }
0x12d: {  	v19 =	vadd.f32 v6, v19;
	v6 =	vld [tilespmem:$0x1FA00];
	_ =	sdelay $0x4  }
0x12e: {  	v16 =	vadd.f32 v6, v16;
	v6 =	vld [tilespmem:$0x1FA10];
	_ =	sdelay $0x4  }
0x12f: {  	v18 =	vadd.f32 v6, v18;
	v6 =	vld [tilespmem:$0x1FA20];
	_ =	sdelay $0x4  }
0x130: {  	v20 =	vadd.f32 v6, v20;
	v6 =	vld [tilespmem:$0x1FA30];
	_ =	sdelay $0x4  }
0x131: {  	v19 =	vadd.f32 v6, v19;
	v6 =	vld [tilespmem:$0x1FA40];
	_ =	sdelay $0x4  }
0x132: {  	v56 =	vadd.f32 v6, v16;
	v6 =	vld [tilespmem:$0x1FA50];
	_ =	sdelay $0x4  }
0x133: {  	v18 =	vadd.f32 v6, v18;
	v6 =	vld [tilespmem:$0x1FA60];
	_ =	sdelay $0x4  }
0x134: {  	v20 =	vadd.f32 v6, v20;
	v6 =	vld [tilespmem:$0x1FA70];
	_ =	sdelay $0x4  }
0x135: {  	v19 =	vadd.f32 v6, v19;
	v6 =	vld [tilespmem:$0x1FA80];
	_ =	sdelay $0x4  }
0x136: {  	v22 =	vadd.f32 v6, v56;
	v6 =	vld [tilespmem:$0x1FA90];
	_ =	sdelay $0x4  }
0x137: {  	v18 =	vadd.f32 v6, v18;
	v6 =	vld [tilespmem:$0x1FAA0];
	_ =	sdelay $0x4  }
0x138: {  	v57 =	vadd.f32 v6, v20;
	v6 =	vld [tilespmem:$0x1FAB0];
	_ =	sdelay $0x4  }
0x139: {  	v19 =	vadd.f32 v6, v19;
	v6 =	vld [tilespmem:$0x73D0];
	_ =	sdelay $0x4  }
0x13a: {  	[tilespmem:$0x1FF50] =	vst v6;
	v6 =	vld [tilespmem:$0x1FAC0];
	_ =	sdelay $0x4  }
0x13b: {  	v22 =	vadd.f32 v6, v22;
	v6 =	vld [tilespmem:$0x1FAD0];
	_ =	sdelay $0x4  }
0x13c: {  	v18 =	vadd.f32 v6, v18;
	v6 =	vld [tilespmem:$0x7510];
	_ =	sdelay $0x4  }
0x13d: {  	[tilespmem:$0x1FF70] =	vst v6;
	v6 =	vld [tilespmem:$0x1FAE0];
	_ =	sdelay $0x4  }
0x13e: {  	v34 =	vadd.f32 v6, v57;
	v6 =	vld [tilespmem:$0x1FAF0];
	_ =	sdelay $0x4  }
0x13f: {  	v19 =	vadd.f32 v6, v19;
	v6 =	vld [tilespmem:$0x1FB00];
	_ =	sdelay $0x4  }
0x140: {  	v6 =	vadd.f32 v6, v22;
	_ =	sdelay $0x1  }
0x141: {  	[tilespmem:$0x1FFC0] =	vst v6;
	v6 =	vld [tilespmem:$0x1FB10];
	_ =	sdelay $0x4  }
0x142: {  	v18 =	vadd.f32 v6, v18;
	v6 =	vld [tilespmem:$0x1FB20];
	_ =	sdelay $0x4  }
0x143: {  	v6 =	vadd.f32 v6, v34;
	_ =	sdelay $0x1  }
0x144: {  	[tilespmem:$0x1FFD0] =	vst v6;
	v6 =	vld [tilespmem:$0x1FB30];
	_ =	sdelay $0x4  }
0x145: {  	v19 =	vadd.f32 v6, v19;
	v6 =	vld [tilespmem:$0x1FB40];
	_ =	sdelay $0x1  }
0x146: {  	v12 =	vld [tilespmem:$0x6230]  }
0x147: {  	v14 =	vld [tilespmem:$0x64B0]  }
0x148: {  	v23 =	vld [tilespmem:$0x6260]  }
0x149: {  	v17 =	vld [tilespmem:$0x69B0];
	v6 =	vadd.f32 v6, v18  }
0x14a: {  	v28 =	vld [tilespmem:$0x6620]  }
0x14b: {  	[tilespmem:$0x1FFE0] =	vst v6;
	v6 =	vld [tilespmem:$0x1FB50]  }
0x14c: {  	v21 =	vld [tilespmem:$0x6AF0]  }
0x14d: {  	v26 =	vld [tilespmem:$0x6C30]  }
0x14e: {  	v40 =	vld [tilespmem:$0x6B10]  }
0x14f: {  	v31 =	vld [tilespmem:$0x69E0]  }
0x150: {  	v59 =	vadd.f32 $2.000000000e+00, v6;
	v6 =	vld [tilespmem:$0x1FB60]  }
0x151: {  	v46 =	vld [tilespmem:$0x6ED0]  }
0x152: {  	v51 =	vld [tilespmem:$0x6240]  }
0x153: {  	v27 =	vld [tilespmem:$0x6AE0]  }
0x154: {  	v41 =	vld [tilespmem:$0x6EA0]  }
0x155: {  	v15 =	vld [tilespmem:$0x6FF0];
	v6 =	vadd.f32 v6, v19  }
0x156: {  	v60 =	vld [tilespmem:$0x65F0]  }
0x157: {  	[tilespmem:$0x1FFF0] =	vst v6;
	v6 =	vld [tilespmem:$0x1FB70]  }
0x158: {  	v47 =	vld [tilespmem:$0x6730]  }
0x159: {  	[tilespmem:$0x1FCE0] =	vst v27;
	v27 =	vld [tilespmem:$0x74E0]  }
0x15a: {  	v49 =	vld [tilespmem:$0x6870]  }
0x15b: {  	v54 =	vld [tilespmem:$0x6250]  }
0x15c: {  	v61 =	vadd.f32 $2.000000000e+00, v6;
	v6 =	vld [tilespmem:$0x1FB80]  }
0x15d: {  	[tilespmem:$0x1FD70] =	vst v41;
	v41 =	vld [tilespmem:$0x6370]  }
0x15e: {  	v30 =	vld [tilespmem:$0x68A0]  }
0x15f: {  	v24 =	vld [tilespmem:$0x63A0]  }
0x160: {  	v12 =	vadd.f32 $2.000000000e+00, v12;
	v42 =	vld [tilespmem:$0x6EB0]  }
0x161: {  	v18 =	vadd.f32 v6, v59;
	v6 =	vld [tilespmem:$0x1FB90]  }
0x162: {  	v12 =	vadd.f32 v41, v12;
	v41 =	vld [tilespmem:$0x72A0]  }
0x163: {  	v25 =	vld [tilespmem:$0x64E0]  }
0x164: {  	v33 =	vld [tilespmem:$0x64D0]  }
0x165: {  	v29 =	vld [tilespmem:$0x6760]  }
0x166: {  	v12 =	vadd.f32 v14, v12;
	v62 =	vadd.f32 $2.000000000e+00, v6;
	v6 =	vld [tilespmem:$0x1FBA0]  }
0x167: {  	v55 =	vld [tilespmem:$0x7130]  }
0x168: {  	v23 =	vadd.f32 $2.000000000e+00, v23;
	v12 =	vadd.f32 v60, v12;
	v60 =	vld [tilespmem:$0x7160]  }
0x169: {  	v8 =	vld [tilespmem:$0x6630]  }
0x16a: {  	v23 =	vadd.f32 v24, v23;
	v24 =	vld [tilespmem:$0x6B40]  }
0x16b: {  	v19 =	vadd.f32 v6, v61;
	v6 =	vld [tilespmem:$0x1FBB0]  }
0x16c: {  	v32 =	vld [tilespmem:$0x6D70]  }
0x16d: {  	v63 =	vld [tilespmem:$0x7270]  }
0x16e: {  	v36 =	vld [tilespmem:$0x6610];
	v47 =	vadd.f32 v47, v12  }
0x16f: {  	v12 =	vld [tilespmem:$0x1FD10];
	v23 =	vadd.f32 v25, v23  }
0x170: {  	v47 =	vadd.f32 v49, v47;
	v18 =	vadd.f32 v6, v18;
	v6 =	vld [tilespmem:$0x1FBC0]  }
0x171: {  	v25 =	vld [tilespmem:$0x6DC0]  }
0x172: {  	v49 =	vld [tilespmem:$0x6270];
	v28 =	vadd.f32 v28, v23;
	v17 =	vadd.f32 v17, v47  }
0x173: {  	v23 =	vld [tilespmem:$0x7040]  }
0x174: {  	v47 =	vld [tilespmem:$0x64F0];
	v28 =	vadd.f32 v29, v28;
	v17 =	vadd.f32 v21, v17  }
0x175: {  	v52 =	vadd.f32 v6, v62;
	v6 =	vld [tilespmem:$0x1FBD0]  }
0x176: {  	v21 =	vld [tilespmem:$0x6770];
	v28 =	vadd.f32 v30, v28;
	v17 =	vadd.f32 v26, v17  }
0x177: {  	v26 =	vld [tilespmem:$0x69F0]  }
0x178: {  	v28 =	vadd.f32 v31, v28;
	v31 =	vld [tilespmem:$0x63D0];
	v17 =	vadd.f32 v32, v17  }
0x179: {  	v35 =	vld [tilespmem:$0x7520]  }
0x17a: {  	v17 =	vadd.f32 v42, v17;
	v19 =	vadd.f32 v6, v19;
	v6 =	vld [tilespmem:$0x1FBE0]  }
0x17b: {  	v32 =	vld [tilespmem:$0x6C70]  }
0x17c: {  	v42 =	vld [tilespmem:$0x7170];
	v17 =	vadd.f32 v15, v17  }
0x17d: {  	v15 =	vld [tilespmem:$0x72B0]  }
0x17e: {  	v17 =	vadd.f32 v55, v17;
	v55 =	vld [tilespmem:$0x1FE20]  }
0x17f: {  	v18 =	vadd.f32 v6, v18;
	v6 =	vld [tilespmem:$0x1FBF0]  }
0x180: {  	v17 =	vadd.f32 v63, v17;
	v63 =	vld [tilespmem:$0x1FE40]  }
0x181: {  	v37 =	vld [tilespmem:$0x6890]  }
0x182: {  	v13 =	vld [tilespmem:$0x1FD20]  }
0x183: {  	v38 =	vld [tilespmem:$0x6750]  }
0x184: {  	v9 =	vadd.f32 v6, v52;
	v6 =	vld [tilespmem:$0x1FC00]  }
0x185: {  	v43 =	vld [tilespmem:$0x6C50]  }
0x186: {  	v50 =	vld [tilespmem:$0x6390]  }
0x187: {  	v39 =	vld [tilespmem:$0x69D0]  }
0x188: {  	v45 =	vld [tilespmem:$0x1FCF0]  }
0x189: {  	v19 =	vadd.f32 v6, v19;
	v6 =	vld [tilespmem:$0x1FC10]  }
0x18a: {  	v58 =	vld [tilespmem:$0x7290]  }
0x18b: {  	v48 =	vld [tilespmem:$0x7010]  }
0x18c: {  	v44 =	vld [tilespmem:$0x6D90]  }
0x18d: {  	v7 =	vld [tilespmem:$0x1FC60]  }
0x18e: {  	v10 =	vadd.f32 v6, v18;
	v6 =	vld [tilespmem:$0x1FC20]  }
0x18f: {  	v53 =	vld [tilespmem:$0x7150]  }
0x190: {  	v16 =	vld [tilespmem:$0x1FD30]  }
0x191: {  	v56 =	vld [tilespmem:$0x7020]  }
0x192: {  	v20 =	vld [tilespmem:$0x1FCD0]  }
0x193: {  	v11 =	vadd.f32 v6, v9;
	v6 =	vld [tilespmem:$0x1FC30]  }
0x194: {  	v57 =	vld [tilespmem:$0x6C60]  }
0x195: {  	v59 =	vld [tilespmem:$0x6B20]  }
0x196: {  	v22 =	vld [tilespmem:$0x1FCE0]  }
0x197: {  	v34 =	vld [tilespmem:$0x73E0]  }
0x198: {  	v19 =	vadd.f32 v6, v19;
	v6 =	vld [tilespmem:$0x1FC40]  }
0x199: {  	v52 =	vld [tilespmem:$0x6DA0]  }
0x19a: {  	v28 =	vadd.f32 v59, v28;
	v19 =	vadd.f32 v7, v19;
	v7 =	vld [tilespmem:$0x1FC70]  }
0x19b: {  	v62 =	vld [tilespmem:$0x6EE0]  }
0x19c: {  	v59 =	vld [tilespmem:$0x1FF30];
	v28 =	vadd.f32 v57, v28  }
0x19d: {  	v14 =	vadd.f32 v6, v10;
	v6 =	vld [tilespmem:$0x1FC50]  }
0x19e: {  	v57 =	vld [tilespmem:$0x1FF20];
	v28 =	vadd.f32 v52, v28  }
0x19f: {  	v14 =	vadd.f32 v7, v14;
	v7 =	vld [tilespmem:$0x1FC80]  }
0x1a0: {  	v61 =	vld [tilespmem:$0x1FD00];
	v28 =	vadd.f32 v62, v28  }
0x1a1: {  	v52 =	vld [tilespmem:$0x1FF10]  }
0x1a2: {  	v62 =	vld [tilespmem:$0x62A0];
	v28 =	vadd.f32 v56, v28;
	v6 =	vadd.f32 v6, v11  }
0x1a3: {  	v56 =	vld [tilespmem:$0x63E0]  }
0x1a4: {  	v28 =	vadd.f32 v60, v28;
	v6 =	vadd.f32 v7, v6;
	v7 =	vld [tilespmem:$0x1FC90]  }
0x1a5: {  	v18 =	vld [tilespmem:$0x1FCC0]  }
0x1a6: {  	v60 =	vld [tilespmem:$0x1FF40];
	v28 =	vadd.f32 v41, v28  }
0x1a7: {  	v41 =	vld [tilespmem:$0x7550]  }
0x1a8: {  	v9 =	vld [tilespmem:$0x68B0];
	v28 =	vadd.f32 v34, v28  }
0x1a9: {  	v19 =	vadd.f32 v7, v19;
	v7 =	vld [tilespmem:$0x1FCA0]  }
0x1aa: {  	v28 =	vadd.f32 v35, v28;
	v35 =	vld [tilespmem:$0x6F20]  }
0x1ab: {  	v10 =	vld [tilespmem:$0x6B30]  }
0x1ac: {  	v11 =	vld [tilespmem:$0x6DB0];
	v19 =	vadd.f32 v18, v19  }
0x1ad: {  	v18 =	vld [tilespmem:$0x1FD40]  }
0x1ae: {  	v19 =	vadd.f32 v45, v19;
	v14 =	vadd.f32 v7, v14;
	v7 =	vld [tilespmem:$0x1FCB0]  }
0x1af: {  	v45 =	vld [tilespmem:$0x1FD70]  }
0x1b0: {  	v19 =	vadd.f32 v13, v19;
	v13 =	vld [tilespmem:$0x7030];
	v14 =	vadd.f32 v20, v14  }
0x1b1: {  	v20 =	vld [tilespmem:$0x1FD50]  }
0x1b2: {  	v14 =	vadd.f32 v61, v14;
	v61 =	vld [tilespmem:$0x1FD80]  }
0x1b3: {  	v6 =	vadd.f32 v7, v6;
	v7 =	vld [tilespmem:$0x63B0]  }
0x1b4: {  	v14 =	vadd.f32 v16, v14;
	v16 =	vld [tilespmem:$0x1FD90]  }
0x1b5: {  	v6 =	vadd.f32 v22, v6;
	v22 =	vld [tilespmem:$0x1FD60]  }
0x1b6: {  	v19 =	vadd.f32 v20, v19;
	v20 =	vld [tilespmem:$0x1FDB0]  }
0x1b7: {  	v49 =	vadd.f32 $2.000000000e+00, v49;
	v6 =	vadd.f32 v12, v6;
	v12 =	vld [tilespmem:$0x6EF0]  }
0x1b8: {  	v19 =	vadd.f32 v61, v19;
	v61 =	vld [tilespmem:$0x1FDE0]  }
0x1b9: {  	v7 =	vadd.f32 v7, v49;
	v49 =	vld [tilespmem:$0x6C80]  }
0x1ba: {  	v6 =	vadd.f32 v18, v6;
	v18 =	vld [tilespmem:$0x1FDA0]  }
0x1bb: {  	v14 =	vadd.f32 v22, v14;
	v22 =	vld [tilespmem:$0x1FDC0]  }
0x1bc: {  	v19 =	vadd.f32 v20, v19;
	v20 =	vld [tilespmem:$0x1FDF0]  }
0x1bd: {  	v7 =	vadd.f32 v47, v7;
	v47 =	vld [tilespmem:$0x1FEB0]  }
0x1be: {  	v6 =	vadd.f32 v45, v6;
	v45 =	vld [tilespmem:$0x1FDD0]  }
0x1bf: {  	v14 =	vadd.f32 v16, v14;
	v16 =	vld [tilespmem:$0x6280]  }
0x1c0: {  	v19 =	vadd.f32 v61, v19;
	v61 =	vld [tilespmem:$0x1FE30]  }
0x1c1: {  	v7 =	vadd.f32 v8, v7;
	v8 =	vld [tilespmem:$0x7400]  }
0x1c2: {  	v6 =	vadd.f32 v18, v6;
	v18 =	vld [tilespmem:$0x73F0]  }
0x1c3: {  	v21 =	vadd.f32 v21, v7;
	v7 =	vld [tilespmem:$0x1FEC0]  }
0x1c4: {  	v14 =	vadd.f32 v22, v14;
	v22 =	vld [tilespmem:$0x1FE00]  }
0x1c5: {  	v6 =	vadd.f32 v45, v6;
	v45 =	vld [tilespmem:$0x1FE10]  }
0x1c6: {  	v9 =	vadd.f32 v9, v21;
	v21 =	vld [tilespmem:$0x6290]  }
0x1c7: {  	v14 =	vadd.f32 v20, v14;
	v20 =	vld [tilespmem:$0x7530]  }
0x1c8: {  	v9 =	vadd.f32 v26, v9;
	v26 =	vld [tilespmem:$0x6510]  }
0x1c9: {  	v6 =	vadd.f32 v22, v6;
	v22 =	vld [tilespmem:$0x1FE50]  }
0x1ca: {  	v9 =	vadd.f32 v10, v9;
	v10 =	vld [tilespmem:$0x6790]  }
0x1cb: {  	v19 =	vadd.f32 v45, v19;
	v6 =	vadd.f32 v61, v6;
	v61 =	vld [tilespmem:$0x1FE70]  }
0x1cc: {  	v45 =	vadd.f32 v55, v14;
	v14 =	vld [tilespmem:$0x63C0]  }
0x1cd: {  	v9 =	vadd.f32 v32, v9;
	v32 =	vld [tilespmem:$0x6A10];
	v55 =	vadd.f32 v63, v19  }
0x1ce: {  	v19 =	vld [tilespmem:$0x6500];
	v63 =	vadd.f32 v27, v6;
	v6 =	vadd.f32 $2.000000000e+00, v51  }
0x1cf: {  	v51 =	vld [tilespmem:$0x1FE60]  }
0x1d0: {  	v6 =	vadd.f32 v61, v6;
	v61 =	vld [tilespmem:$0x1FE80]  }
0x1d1: {  	v16 =	vadd.f32 $2.000000000e+00, v16;
	v27 =	vld [tilespmem:$0x68C0];
	v9 =	vadd.f32 v11, v9  }
0x1d2: {  	v11 =	vld [tilespmem:$0x6C90];
	v17 =	vadd.f32 v22, v17  }
0x1d3: {  	v22 =	vld [tilespmem:$0x6640];
	v9 =	vadd.f32 v12, v9;
	v14 =	vadd.f32 v14, v16  }
0x1d4: {  	v51 =	vadd.f32 v51, v17;
	v17 =	vadd.f32 $2.000000000e+00, v54;
	v54 =	vld [tilespmem:$0x6780]  }
0x1d5: {  	v9 =	vadd.f32 v13, v9;
	v6 =	vadd.f32 v61, v6;
	v61 =	vld [tilespmem:$0x1FE90]  }
0x1d6: {  	v12 =	vld [tilespmem:$0x6F10];
	v14 =	vadd.f32 v19, v14  }
0x1d7: {  	v13 =	vld [tilespmem:$0x7190];
	v9 =	vadd.f32 v42, v9  }
0x1d8: {  	v42 =	vld [tilespmem:$0x7410];
	v14 =	vadd.f32 v22, v14  }
0x1d9: {  	v17 =	vadd.f32 v50, v17;
	v50 =	vld [tilespmem:$0x6A00];
	v9 =	vadd.f32 v15, v9  }
0x1da: {  	v14 =	vadd.f32 v54, v14;
	v6 =	vadd.f32 v61, v6;
	v61 =	vld [tilespmem:$0x1FEA0]  }
0x1db: {  	v15 =	vadd.f32 $2.000000000e+00, v62;
	v62 =	vld [tilespmem:$0x6670];
	v17 =	vadd.f32 v33, v17  }
0x1dc: {  	v33 =	vld [tilespmem:$0x6F00];
	v14 =	vadd.f32 v27, v14  }
0x1dd: {  	v54 =	vld [tilespmem:$0x6A20];
	v17 =	vadd.f32 v36, v17  }
0x1de: {  	v15 =	vadd.f32 v56, v15;
	v56 =	vld [tilespmem:$0x6A30];
	v14 =	vadd.f32 v50, v14  }
0x1df: {  	v36 =	vadd.f32 v38, v17;
	v17 =	vld [tilespmem:$0x7180];
	v6 =	vadd.f32 v61, v6  }
0x1e0: {  	v38 =	vld [tilespmem:$0x6B50];
	v14 =	vadd.f32 v24, v14  }
0x1e1: {  	v50 =	vld [tilespmem:$0x1FFE0];
	v61 =	vadd.f32 v47, v6;
	v47 =	vadd.f32 v37, v36  }
0x1e2: {  	v14 =	vadd.f32 v49, v14;
	v49 =	vld [tilespmem:$0x71A0]  }
0x1e3: {  	v29 =	vadd.f32 v39, v47;
	v39 =	vld [tilespmem:$0x1FED0]  }
0x1e4: {  	v6 =	vld [tilespmem:$0x72C0]  }
0x1e5: {  	v29 =	vadd.f32 v40, v29;
	v40 =	vld [tilespmem:$0x1FEE0]  }
0x1e6: {  	v36 =	vld [tilespmem:$0x6650];
	v61 =	vadd.f32 v7, v61  }
0x1e7: {  	v29 =	vadd.f32 v43, v29;
	v43 =	vld [tilespmem:$0x1FEF0]  }
0x1e8: {  	v37 =	vld [tilespmem:$0x68D0];
	v30 =	vadd.f32 v39, v61  }
0x1e9: {  	v47 =	vld [tilespmem:$0x1FF00]  }
0x1ea: {  	v7 =	vld [tilespmem:$0x7540];
	v29 =	vadd.f32 v44, v29;
	v30 =	vadd.f32 v40, v30  }
0x1eb: {  	v39 =	vld [tilespmem:$0x6DD0]  }
0x1ec: {  	v61 =	vld [tilespmem:$0x1FF50];
	v29 =	vadd.f32 v46, v29;
	v30 =	vadd.f32 v43, v30  }
0x1ed: {  	v40 =	vld [tilespmem:$0x7050]  }
0x1ee: {  	v43 =	vld [tilespmem:$0x72D0];
	v29 =	vadd.f32 v48, v29;
	v30 =	vadd.f32 v47, v30  }
0x1ef: {  	v48 =	vld [tilespmem:$0x1FF60]  }
0x1f0: {  	v47 =	vld [tilespmem:$0x67A0];
	v29 =	vadd.f32 v53, v29;
	v30 =	vadd.f32 v52, v30  }
0x1f1: {  	v53 =	vld [tilespmem:$0x1FF70]  }
0x1f2: {  	v52 =	vld [tilespmem:$0x62B0];
	v29 =	vadd.f32 v58, v29;
	v30 =	vadd.f32 v57, v30  }
0x1f3: {  	v9 =	vadd.f32 v18, v9;
	v57 =	vld [tilespmem:$0x63F0]  }
0x1f4: {  	v29 =	vadd.f32 v61, v29;
	v61 =	vld [tilespmem:$0x6660];
	v30 =	vadd.f32 v59, v30  }
0x1f5: {  	v58 =	vadd.f32 $2.000000000e+00, v21;
	v59 =	vld [tilespmem:$0x6520]  }
0x1f6: {  	v9 =	vadd.f32 v20, v9;
	v30 =	vadd.f32 v60, v30;
	v60 =	vld [tilespmem:$0x6530]  }
0x1f7: {  	v20 =	vadd.f32 v31, v58;
	v58 =	vld [tilespmem:$0x6B70];
	v34 =	vadd.f32 $2.000000000e+00, v52  }
0x1f8: {  	v31 =	vld [tilespmem:$0x6DF0];
	v29 =	vadd.f32 v53, v29  }
0x1f9: {  	v44 =	vadd.f32 v26, v20;
	v52 =	vld [tilespmem:$0x68E0];
	v46 =	vadd.f32 v57, v34  }
0x1fa: {  	v30 =	vadd.f32 v48, v30;
	v48 =	vld [tilespmem:$0x67B0];
	v15 =	vadd.f32 v59, v15  }
0x1fb: {  	v53 =	vld [tilespmem:$0x68F0];
	v19 =	vadd.f32 v36, v44;
	v16 =	vadd.f32 v60, v46  }
0x1fc: {  	v14 =	vadd.f32 v25, v14;
	v57 =	vld [tilespmem:$0x6B60];
	v15 =	vadd.f32 v61, v15  }
0x1fd: {  	v36 =	vld [tilespmem:$0x1FFA0];
	v10 =	vadd.f32 v10, v19;
	v16 =	vadd.f32 v62, v16  }
0x1fe: {  	v14 =	vadd.f32 v33, v14;
	v44 =	vld [tilespmem:$0x7060];
	v15 =	vadd.f32 v47, v15  }
0x1ff: {  	v59 =	vld [tilespmem:$0x6CA0];
	v10 =	vadd.f32 v37, v10;
	v16 =	vadd.f32 v48, v16  }
0x200: {  	v14 =	vadd.f32 v23, v14;
	v60 =	vld [tilespmem:$0x6CB0];
	v15 =	vadd.f32 v52, v15  }
0x201: {  	v61 =	vld [tilespmem:$0x6DE0];
	v10 =	vadd.f32 v32, v10;
	v16 =	vadd.f32 v53, v16  }
0x202: {  	v14 =	vadd.f32 v17, v14;
	v37 =	vld [tilespmem:$0x6F30];
	v15 =	vadd.f32 v54, v15  }
0x203: {  	v46 =	vld [tilespmem:$0x1FFC0];
	v10 =	vadd.f32 v38, v10;
	v16 =	vadd.f32 v56, v16  }
0x204: {  	[tilespmem:$0x7660] =	vst v28;
	v6 =	vadd.f32 v6, v14;
	v62 =	vld [tilespmem:$0x1FF80];
	v15 =	vadd.f32 v57, v15  }
0x205: {  	[tilespmem:$0x7600] =	vst v45;
	v32 =	vld [tilespmem:$0x1FF90];
	v10 =	vadd.f32 v11, v10;
	v34 =	vadd.f32 v58, v16  }
0x206: {  	[tilespmem:$0x7610] =	vst v55;
	v6 =	vadd.f32 v8, v6;
	v47 =	vld [tilespmem:$0x7070];
	v15 =	vadd.f32 v59, v15  }
0x207: {  	[tilespmem:$0x7620] =	vst v63;
	v38 =	vld [tilespmem:$0x1FFB0];
	v10 =	vadd.f32 v39, v10;
	v11 =	vadd.f32 v60, v34  }
0x208: {  	[tilespmem:$0x7630] =	vst v51;
	v6 =	vadd.f32 v7, v6;
	v48 =	vld [tilespmem:$0x1FFD0];
	v15 =	vadd.f32 v61, v15  }
0x209: {  	[tilespmem:$0x7670] =	vst v9;
	v52 =	vld [tilespmem:$0x71B0];
	v10 =	vadd.f32 v12, v10;
	v11 =	vadd.f32 v31, v11  }
0x20a: {  	[tilespmem:$0x75E0] =	vst v50;
	v53 =	vld [tilespmem:$0x1FFF0];
	v15 =	vadd.f32 v35, v15  }
0x20b: {  	[tilespmem:$0x7680] =	vst v6;
	v54 =	vld [tilespmem:$0x72E0];
	v10 =	vadd.f32 v40, v10;
	v11 =	vadd.f32 v37, v11  }
0x20c: {  	[tilespmem:$0x7650] =	vst v29;
	v56 =	vld [tilespmem:$0x72F0];
	v15 =	vadd.f32 v44, v15  }
0x20d: {  	[tilespmem:$0x7640] =	vst v30;
	v57 =	vld [tilespmem:$0x7420];
	v10 =	vadd.f32 v13, v10;
	v11 =	vadd.f32 v47, v11  }
0x20e: {  	[tilespmem:$0x75A0] =	vst v36;
	v58 =	vld [tilespmem:$0x7430];
	v12 =	vadd.f32 v49, v15  }
0x20f: {  	[tilespmem:$0x75C0] =	vst v46;
	v59 =	vld [tilespmem:$0x7560];
	v10 =	vadd.f32 v43, v10;
	v11 =	vadd.f32 v52, v11  }
0x210: {  	[tilespmem:$0x7580] =	vst v62;
	v61 =	vld [tilespmem:$0x7570];
	v60 =	vadd.f32 v54, v12  }
0x211: {  	[tilespmem:$0x7590] =	vst v32;
	v10 =	vadd.f32 v42, v10;
	v11 =	vadd.f32 v56, v11  }
0x212: {  	[tilespmem:$0x75B0] =	vst v38;
	v7 =	vadd.f32 v57, v60  }
0x213: {  	[tilespmem:$0x75D0] =	vst v48;
	v62 =	vadd.f32 v41, v10;
	v63 =	vadd.f32 v58, v11  }
0x214: {  	[tilespmem:$0x75F0] =	vst v53;
	v6 =	vadd.f32 v59, v7  }
0x215: {  	s25 =	sadd.s32 $0x1, s25;
	[tilespmem:$0x7690] =	vst v62;
	v7 =	vadd.f32 v61, v63  }
0x216: {  	p0 =	sne.s32 s25, s12;
	[tilespmem:$0x76A0] =	vst v6  }
.Ltmp1:
0x217: {  	s6 =	simm.s32 $0x7580;
	s4 =	rddreg [dreg:$0xa];
	[tilespmem:$0x76B0] =	vst v7;
	(pc) =	sbr.rel @!p0 .LBB2_36-.Ltmp1, $4  }
0x218: {  	[hbm4b:s4+s8] =	stream.linear.scatter [tilespmem:s6], [sflag:$0x3], $0x140, $0x38;
	[tilespmem:$0x7780] =	vst v63  }
0x219: {  	_ =	swait.ge [sflag:s17], $0x140  }
0x21a: {  	[sflag:s17] =	ssyncset.done $0x0  }
0x21b: {  	[sflag:s17] =	ssyncadd.s32 $0xFFFFFEC0  }
.LBB2_1:
0x21c: {  	[tilespmem:s8], [sflag:$0x1] =	stream.linear.gather [hbm4b:s0+s8], $0x7D0, $0x38;
	[tilespmem:$0x7780] =	vst v63  }
.Ltmp2:
0x21d: {  	_ = 	snop;
	(pc) =	sbr.rel .LBB2_2-.Ltmp2, $4  }
0x21e: {  	[smem:$0x0] =	sst s8  }
0x21f: {  	[tilespmem:s14], [sflag:$0x1] =	stream.linear.gather [hbm4b:s1+s8], $0x7D0, $0x38;
	[tilespmem:$0x7780] =	vst v63  }
0x220: {  	s26 =	simm.s32 $0x0;
	s29 =	simm.s32 $0x0;
	s4 =	simm.s32 $0x0  }
0x221: {  	[tilespmem:s15], [sflag:$0x1] =	stream.linear.gather [hbm4b:s2+s8], $0x7D0, $0x38;
	[tilespmem:$0x7780] =	vst v63  }
.LBB2_14:
0x222: {  	s13 =	simm.s32 $0x3000;
	s21 =	simm.s32 $0x4080;
	s19 =	simm.s32 $0x5100  }
.LBB2_18:
0x223: {  	v6 =	vld [tilespmem:s6+$0x3800];
	_ =	sdelay $0x2  }
0x224: {  	s10 =	sadd.s32 @p0 $0x10, s13  }
0x225: {  	s30 =	smov.u32 @p0 s10  }
0x226: {  	[tilespmem:s30+$0x0] =	vst v6  }
0x227: {  	v6 =	vld [tilespmem:s6+$0x4880];
	_ =	sdelay $0x2  }
0x228: {  	s10 =	sadd.s32 @p0 $0x10, s21  }
0x229: {  	s31 =	smov.u32 @p0 s10  }
0x22a: {  	[tilespmem:s31+$0x0] =	vst v6  }
0x22b: {  	v6 =	vld [tilespmem:s6+$0x5900];
	_ =	sdelay $0x2  }
0x22c: {  	s6 =	sadd.s32 @p0 $0x10, s19  }
0x22d: {  	s4 =	smov.u32 @p0 s6  }
0x22e: {  	[tilespmem:s4+$0x0] =	vst v6  }
.LBB2_19:
0x22f: {  	s26 =	sadd.s32 $0x800, s26  }
0x230: {  	[smem:$0x0] =	sst s26  }
.LBB2_20:
0x231: {  	p1 =	sne.s32 s28, $0x50  }
.Ltmp3:
0x232: {  	_ = 	snop;
	(pc) =	sbr.rel @!p1 .LBB2_21-.Ltmp3, $3  }
0x233: {  	_ =	sdelay $0x1  }
0x234: {  	p0 =	sgt.s32 s29, $0x7FF;
	s4 =	sadd.s32 $0xFFFFF800, s29  }
0x235: {  	s29 =	smov.u32 @p0 s4;
	s4 =	smov.u32 s28  }
.LBB2_2:
0x236: {  	p0 =	seq.s32 s4, $0x4F  }
.Ltmp4:
0x237: {  	_ = 	snop;
	(pc) =	sbr.rel @p0 .LBB2_5-.Ltmp4, $2  }
0x238: {  	_ =	sdelay $0x2  }
0x239: {  	s28 =	sadd.s32 $0x1, s4  }
0x23a: {  	s4 =	sand.u32 $0x1, s4  }
0x23b: {  	p0 =	seq.s32 s4, $0x0  }
.Ltmp5:
0x23c: {  	_ = 	snop;
	(pc) =	sbr.rel @!p0 .LBB2_4-.Ltmp5, $3  }
0x23d: {  	_ = 	snop  }
0x23e: {  	s11 =	smul.u32 $0xFA, s28;
	_ =	sdelay $0x1  }
0x23f: {  	s10 =	sadd.s32 s0, s11;
	s6 =	sadd.s32 s1, s11;
	s4 =	sadd.s32 s2, s11  }
0x240: {  	[tilespmem:s22], [sflag:$0x2] =	stream.linear.gather [hbm4b:s10+s8], $0x7D0, $0x38;
	[tilespmem:$0x7780] =	vst v63  }
0x241: {  	_ = 	snop  }
0x242: {  	[tilespmem:s23], [sflag:$0x2] =	stream.linear.gather [hbm4b:s6+s8], $0x7D0, $0x38;
	[tilespmem:$0x7780] =	vst v63  }
0x243: {  	_ = 	snop  }
0x244: {  	[tilespmem:s24], [sflag:$0x2] =	stream.linear.gather [hbm4b:s4+s8], $0x7D0, $0x38;
	[tilespmem:$0x7780] =	vst v63  }
0x245: {  	_ =	swait.ge [sflag:s18], $0x7D0  }
0x246: {  	[sflag:s18] =	ssyncset.done $0x0  }
0x247: {  	[sflag:s18] =	ssyncadd.s32 $0xFFFFF830  }
0x248: {  	_ =	swait.ge [sflag:s18], $0x7D0  }
0x249: {  	[sflag:s18] =	ssyncset.done $0x0  }
0x24a: {  	[sflag:s18] =	ssyncadd.s32 $0xFFFFF830  }
0x24b: {  	_ =	swait.ge [sflag:s18], $0x7D0  }
0x24c: {  	[sflag:s18] =	ssyncset.done $0x0  }
0x24d: {  	s11 =	simm.s32 $0x1010;
	[sflag:s18] =	ssyncadd.s32 $0xFFFFF830  }
0x24e: {  	v13 =	vld [tilespmem:s11+$0xFFFFFFF0];
	_ =	sdelay $0x2  }
0x24f: {  	s13 =	simm.s32 $0x1030;
	v11 =	vld [tilespmem:s11+$0x0]  }
0x250: {  	v10 =	vld [tilespmem:s13+$0xFFFFFFF0]  }
0x251: {  	vm0 =	vge.s32 v13, v0;
	vm1 =	vlt.s32 v13, v1  }
0x252: {  	v9 =	vld [tilespmem:s13+$0x0];
	vm0 =	vmand vm0, vm1  }
0x253: {  	v6 =	vsel vm0, $0x1, v3  }
0x254: {  	vm2 =	vlt.s32 v11, v1;
	vm1 =	vge.s32 v11, v0;
	(xrf0) =	vadd.scan.msk.s32 $0xffff, v6  }
0x255: {  	vm3 =	vlt.s32 v10, v1;
	vm1 =	vmand vm1, vm2;
	vm2 =	vge.s32 v10, v0  }
0x256: {  	v7 =	vsel vm1, $0x1, v3;
	vm2 =	vmand vm2, vm3  }
0x257: {  	vm4 =	vlt.s32 v9, v1;
	vm3 =	vge.s32 v9, v0;
	(xrf0) =	vadd.scan.msk.s32 $0xffff, v7;
	v7 =	vsel vm2, $0x1, v3  }
0x258: {  	vm3 =	vmand vm3, vm4  }
0x259: {  	v12 =	vsel vm3, $0x1, v3;
	(xrf0) =	vadd.scan.msk.s32 $0xffff, v7  }
0x25a: {  	s19 =	simm.s32 $0x1050;
	v7, _, _ =	vpop (xrf0);
	(xrf0) =	vadd.scan.msk.s32 $0xffff, v12  }
0x25b: {  	v8 =	vld [tilespmem:s19+$0xFFFFFFF0];
	_ =	sdelay $0x1  }
0x25c: {  	v6 =	vld [tilespmem:s19+$0x0];
	v12, _, _ =	vpop (xrf0);
	(v2sf) =	vpush v7, $0xF  }
0x25d: {  	(v2sf) =	vpush v12, $0xF  }
0x25e: {  	v14, _, _ =	vpop (xrf0)  }
0x25f: {  	vm5 =	vlt.s32 v8, v1;
	vm0 =	vmmov vm0;
	(v2sf) =	vpush v14, $0xF;
	v14, _, _ =	vpop (xrf0)  }
0x260: {  	s21 =	simm.s32 $0x1070;
	vm4 =	vmmov vm0;
	vm0 =	vge.s32 v8, v0;
	(v2sf) =	vpush v14, $0xF  }
0x261: {  	vm8 =	vmand vm0, vm5;
	vm6 =	vge.s32 v6, v0;
	vm7 =	vlt.s32 v6, v1;
	v12 =	vld [tilespmem:s21+$0xFFFFFFF0]  }
0x262: {  	vm1 =	vmmov vm1;
	v15 =	vsel vm8, $0x1, v3;
	vm0 =	vmand vm6, vm7;
	v7 =	vld [tilespmem:s21+$0x0]  }
0x263: {  	s31 =	simm.s32 $0x10;
	vm1 =	vmmov vm1;
	vm2 =	vmmov vm2;
	v18 =	vsel vm0, $0x1, v3;
	(xrf0) =	vadd.scan.msk.s32 $0xffff, v15  }
0x264: {  	s30 =	simm.s32 $0x2010;
	v17 =	vld [tilespmem:s31+$0xFFFFFFF0];
	vm3 =	vmmov vm3;
	vm5 =	vmmov vm4;
	vm4 =	vmmov vm2;
	(xrf0) =	vadd.scan.msk.s32 $0xffff, v18  }
0x265: {  	v16 =	vld [tilespmem:s30+$0xFFFFFFF0];
	vm3 =	vmmov vm3;
	vm2 =	vmmov vm8;
	vm6 =	vmmov vm1  }
0x266: {  	vm0 =	vmmov vm0;
	v15 =	vld [tilespmem:s31+$0x0];
	vm1 =	vge.s32 v12, v0;
	vm7 =	vlt.s32 v12, v1  }
0x267: {  	s6 =	simm.s32 $0x1090;
	s4 =	simm.s32 $0x6;
	vm8 =	vge.s32 v7, v0;
	vm9 =	vlt.s32 v7, v1;
	v14 =	vld [tilespmem:s30+$0x0];
	vm1 =	vmand vm1, vm7  }
.LBB2_9:
0x268: {  	v22 =	vsel vm1, $0x1, v3;
	vm8 =	vmand vm8, vm9  }
0x269: {  	v18 =	vld [tilespmem:s6+$0xFFFFFFF0];
	s4 =	sadd.s32 $0x2, s4;
	v20, _, _ =	vpop (xrf0);
	[tilespmem:s29+$0x3000] =	vst.msk vm5, v17;
	v21 =	vmov v6;
	v6 =	vmov v7;
	vm7 =	vmmov vm6  }
0x26a: {  	s31 =	sadd.s32 $0x20, s31;
	v7 =	vld [tilespmem:s6+$0x0];
	p0 =	slt.u32 s4, $0x7A;
	v17 =	vsel vm8, $0x1, v3;
	(xrf0) =	vadd.scan.msk.s32 $0xffff, v22;
	(v2sf) =	vpush v20, $0xF;
	v19, _, _ =	vpop (xrf0);
	[tilespmem:s29+$0x4080] =	vst.msk vm5, v13  }
.Ltmp6:
0x26b: {  	v13 =	vmovc v10;
	v10 =	vmov v8;
	(xrf0) =	vadd.scan.msk.s32 $0xffff, v17;
	(v2sf) =	vpush v19, $0xF;
	v17 =	vld [tilespmem:s31+$0xFFFFFFF0];
	[tilespmem:s29+$0x5100] =	vst.msk vm5, v16;
	s10 =	spop (v2sf);
	(pc) =	sbr.rel @p0 .LBB2_9-.Ltmp6, $4  }
0x26c: {  	s30 =	sadd.s32 $0x20, s30;
	vm6 =	vmmov vm3;
	vm3 =	vmmov vm0;
	v8 =	vmovc v12;
	vm0 =	vmmov vm8;
	s10 =	sadd.s32 s29, s10;
	s11 =	spop (v2sf)  }
0x26d: {  	vm5 =	vmmov vm4;
	vm4 =	vmmov vm2;
	vm2 =	vmmov vm1;
	v16 =	vld [tilespmem:s30+$0xFFFFFFF0];
	[tilespmem:s10+$0x3000] =	vst.msk vm7, v15;
	s29 =	sadd.s32 s10, s11  }
0x26e: {  	vm1 =	vge.s32 v18, v0;
	vm8 =	vlt.s32 v18, v1;
	v15 =	vld [tilespmem:s31+$0x0];
	[tilespmem:s10+$0x4080] =	vst.msk vm7, v11;
	v12 =	vmovc v18;
	v11 =	vmov v9  }
0x26f: {  	s6 =	sadd.s32 $0x20, s6;
	v9 =	vmovc v21;
	vm1 =	vmand vm1, vm8;
	vm8 =	vge.s32 v7, v0;
	vm9 =	vlt.s32 v7, v1;
	[tilespmem:s10+$0x5100] =	vst.msk vm7, v14;
	v14 =	vld [tilespmem:s30+$0x0]  }
0x270: {  	v18 =	vsel vm1, $0x1, v3  }
0x271: {  	v19, _, _ =	vpop (xrf0);
	(xrf0) =	vadd.scan.msk.s32 $0xffff, v18  }
0x272: {  	vm7 =	vmand vm8, vm9;
	(v2sf) =	vpush v19, $0xF  }
0x273: {  	v49 =	vsel vm7, $0x1, v3;
	v50, _, _ =	vpop (xrf0)  }
0x274: {  	[tilespmem:s29+$0x3000] =	vst.msk vm5, v17;
	s4 =	sadd.s32 $0x20, s31;
	(xrf0) =	vadd.scan.msk.s32 $0xffff, v49;
	(v2sf) =	vpush v50, $0xF  }
0x275: {  	s6 =	spop (v2sf);
	[tilespmem:s29+$0x4080] =	vst.msk vm5, v13;
	v51 =	vld [tilespmem:s4+$0xFFFFFFF0]  }
0x276: {  	vm6 =	vmmov vm6;
	s10 =	sadd.s32 $0x20, s30;
	s6 =	sadd.s32 s29, s6;
	[tilespmem:s29+$0x5100] =	vst.msk vm5, v16  }
0x277: {  	v52 =	vld [tilespmem:s10+$0xFFFFFFF0];
	[tilespmem:s6+$0x3000] =	vst.msk vm6, v15;
	v53, _, _ =	vpop (xrf0)  }
0x278: {  	s11 =	spop (v2sf);
	v54 =	vld [tilespmem:s4+$0x0];
	[tilespmem:s6+$0x4080] =	vst.msk vm6, v11;
	(v2sf) =	vpush v53, $0xF  }
0x279: {  	vm4 =	vmmov vm4;
	s4 =	sadd.s32 $0x20, s4;
	s11 =	sadd.s32 s6, s11;
	[tilespmem:s6+$0x5100] =	vst.msk vm6, v14  }
0x27a: {  	v57 =	vld [tilespmem:s4+$0xFFFFFFF0];
	[tilespmem:s11+$0x3000] =	vst.msk vm4, v51;
	v55, _, _ =	vpop (xrf0)  }
0x27b: {  	vm3 =	vmmov vm3;
	v56 =	vld [tilespmem:s10+$0x0];
	[tilespmem:s11+$0x4080] =	vst.msk vm4, v10;
	(v2sf) =	vpush v55, $0xF;
	s31 =	spop (v2sf)  }
0x27c: {  	vm3 =	vmmov vm3;
	s10 =	sadd.s32 $0x20, s10;
	[tilespmem:s11+$0x5100] =	vst.msk vm4, v52;
	s6 =	sadd.s32 s11, s31  }
0x27d: {  	vm2 =	vmmov vm2;
	v58 =	vld [tilespmem:s10+$0xFFFFFFF0];
	s13 =	spop (v2sf);
	[tilespmem:s6+$0x3000] =	vst.msk vm3, v54  }
0x27e: {  	vm2 =	vmmov vm2;
	v59 =	vld [tilespmem:s4+$0x0];
	s11 =	sadd.s32 s6, s13;
	[tilespmem:s6+$0x4080] =	vst.msk vm3, v9  }
0x27f: {  	s4 =	sadd.s32 $0x20, s4;
	[tilespmem:s11+$0x3000] =	vst.msk vm2, v57  }
0x280: {  	vm0 =	vmmov vm0;
	v61 =	vld [tilespmem:s4+$0xFFFFFFF0];
	[tilespmem:s6+$0x5100] =	vst.msk vm3, v56  }
0x281: {  	vm0 =	vmmov vm0;
	v60 =	vld [tilespmem:s10+$0x0];
	[tilespmem:s11+$0x4080] =	vst.msk vm2, v8;
	s19 =	spop (v2sf)  }
0x282: {  	vm13 =	vmmov vm1;
	vm0 =	vmmov vm0;
	s10 =	sadd.s32 $0x20, s10;
	[tilespmem:s11+$0x5100] =	vst.msk vm2, v58;
	s6 =	sadd.s32 s11, s19  }
0x283: {  	vm1 =	vmmov vm13;
	v62 =	vld [tilespmem:s10+$0xFFFFFFF0];
	s21 =	spop (v2sf);
	[tilespmem:s6+$0x3000] =	vst.msk vm0, v59  }
0x284: {  	vm1 =	vmmov vm1;
	v63 =	vld [tilespmem:s4+$0x0];
	s29 =	sadd.s32 s6, s21;
	[tilespmem:s6+$0x4080] =	vst.msk vm0, v6  }
0x285: {  	vm14 =	vmmov vm7;
	[tilespmem:s29+$0x3000] =	vst.msk vm1, v61  }
0x286: {  	vm15 =	vmmov vm14;
	v6 =	vld [tilespmem:s10+$0x0];
	[tilespmem:s6+$0x5100] =	vst.msk vm0, v60  }
.Ltmp7:
0x287: {  	vm0 =	vmmov vm15;
	[tilespmem:s29+$0x4080] =	vst.msk vm1, v12;
	s30 =	spop (v2sf);
	(pc) =	sbr.rel .LBB2_11-.Ltmp7, $4  }
0x288: {  	vm0 =	vmmov vm0;
	[tilespmem:s29+$0x5100] =	vst.msk vm1, v62;
	s6 =	sadd.s32 s29, s30  }
0x289: {  	[tilespmem:s6+$0x3000] =	vst.msk vm0, v63  }
0x28a: {  	s11 =	simm.s32 $0x1000;
	s31 =	spop (v2sf);
	[tilespmem:s6+$0x4080] =	vst.msk vm0, v7  }
0x28b: {  	s10 =	simm.s32 $0x0;
	s4 =	sadd.s32 s6, s31;
	[tilespmem:s6+$0x5100] =	vst.msk vm0, v6;
	s6 =	simm.s32 $0x2000  }
.LBB2_4:
0x28c: {  	[tilespmem:s8], [sflag:$0x1] =	stream.linear.gather [hbm4b:s10+s8], $0x7D0, $0x38;
	[tilespmem:$0x7780] =	vst v63  }
0x28d: {  	_ = 	snop  }
0x28e: {  	[tilespmem:s14], [sflag:$0x1] =	stream.linear.gather [hbm4b:s6+s8], $0x7D0, $0x38;
	[tilespmem:$0x7780] =	vst v63  }
0x28f: {  	_ = 	snop  }
0x290: {  	[tilespmem:s15], [sflag:$0x1] =	stream.linear.gather [hbm4b:s4+s8], $0x7D0, $0x38;
	[tilespmem:$0x7780] =	vst v63  }
.LBB2_5:
0x291: {  	_ =	swait.ge [sflag:s16], $0x7D0  }
0x292: {  	[sflag:s16] =	ssyncset.done $0x0  }
0x293: {  	[sflag:s16] =	ssyncadd.s32 $0xFFFFF830  }
0x294: {  	_ =	swait.ge [sflag:s16], $0x7D0  }
0x295: {  	[sflag:s16] =	ssyncset.done $0x0  }
0x296: {  	[sflag:s16] =	ssyncadd.s32 $0xFFFFF830  }
0x297: {  	_ =	swait.ge [sflag:s16], $0x7D0  }
0x298: {  	[sflag:s16] =	ssyncset.done $0x0  }
0x299: {  	s4 =	simm.s32 $0x1810;
	[sflag:s16] =	ssyncadd.s32 $0xFFFFF830  }
0x29a: {  	v13 =	vld [tilespmem:s4+$0xFFFFFFF0];
	_ =	sdelay $0x2  }
0x29b: {  	s13 =	simm.s32 $0x1830;
	v11 =	vld [tilespmem:s4+$0x0]  }
0x29c: {  	v10 =	vld [tilespmem:s13+$0xFFFFFFF0]  }
0x29d: {  	vm0 =	vge.s32 v13, v0;
	vm1 =	vlt.s32 v13, v1  }
0x29e: {  	v9 =	vld [tilespmem:s13+$0x0];
	vm0 =	vmand vm0, vm1  }
0x29f: {  	v6 =	vsel vm0, $0x1, v3  }
0x2a0: {  	vm2 =	vlt.s32 v11, v1;
	vm1 =	vge.s32 v11, v0;
	(xrf0) =	vadd.scan.msk.s32 $0xffff, v6  }
0x2a1: {  	vm3 =	vlt.s32 v10, v1;
	vm1 =	vmand vm1, vm2;
	vm2 =	vge.s32 v10, v0  }
0x2a2: {  	v7 =	vsel vm1, $0x1, v3;
	vm2 =	vmand vm2, vm3  }
0x2a3: {  	vm4 =	vlt.s32 v9, v1;
	vm3 =	vge.s32 v9, v0;
	(xrf0) =	vadd.scan.msk.s32 $0xffff, v7;
	v7 =	vsel vm2, $0x1, v3  }
0x2a4: {  	vm3 =	vmand vm3, vm4  }
0x2a5: {  	v12 =	vsel vm3, $0x1, v3;
	(xrf0) =	vadd.scan.msk.s32 $0xffff, v7  }
0x2a6: {  	s19 =	simm.s32 $0x1850;
	v7, _, _ =	vpop (xrf0);
	(xrf0) =	vadd.scan.msk.s32 $0xffff, v12  }
0x2a7: {  	v8 =	vld [tilespmem:s19+$0xFFFFFFF0];
	_ =	sdelay $0x1  }
0x2a8: {  	v6 =	vld [tilespmem:s19+$0x0];
	v12, _, _ =	vpop (xrf0);
	(v2sf) =	vpush v7, $0xF  }
0x2a9: {  	(v2sf) =	vpush v12, $0xF  }
0x2aa: {  	v14, _, _ =	vpop (xrf0)  }
0x2ab: {  	vm5 =	vlt.s32 v8, v1;
	vm0 =	vmmov vm0;
	(v2sf) =	vpush v14, $0xF;
	v14, _, _ =	vpop (xrf0)  }
0x2ac: {  	s21 =	simm.s32 $0x1870;
	vm4 =	vmmov vm0;
	vm0 =	vge.s32 v8, v0;
	(v2sf) =	vpush v14, $0xF  }
0x2ad: {  	vm8 =	vmand vm0, vm5;
	vm6 =	vge.s32 v6, v0;
	vm7 =	vlt.s32 v6, v1;
	v12 =	vld [tilespmem:s21+$0xFFFFFFF0]  }
0x2ae: {  	vm1 =	vmmov vm1;
	v15 =	vsel vm8, $0x1, v3;
	vm0 =	vmand vm6, vm7;
	v7 =	vld [tilespmem:s21+$0x0]  }
0x2af: {  	s31 =	simm.s32 $0x810;
	vm1 =	vmmov vm1;
	vm2 =	vmmov vm2;
	v18 =	vsel vm0, $0x1, v3;
	(xrf0) =	vadd.scan.msk.s32 $0xffff, v15  }
0x2b0: {  	s30 =	simm.s32 $0x2810;
	v17 =	vld [tilespmem:s31+$0xFFFFFFF0];
	vm3 =	vmmov vm3;
	vm5 =	vmmov vm4;
	vm4 =	vmmov vm2;
	(xrf0) =	vadd.scan.msk.s32 $0xffff, v18  }
0x2b1: {  	v16 =	vld [tilespmem:s30+$0xFFFFFFF0];
	vm3 =	vmmov vm3;
	vm2 =	vmmov vm8;
	vm6 =	vmmov vm1  }
0x2b2: {  	vm0 =	vmmov vm0;
	v15 =	vld [tilespmem:s31+$0x0];
	vm1 =	vge.s32 v12, v0;
	vm7 =	vlt.s32 v12, v1  }
0x2b3: {  	s6 =	simm.s32 $0x1890;
	s4 =	simm.s32 $0x6;
	vm8 =	vge.s32 v7, v0;
	vm9 =	vlt.s32 v7, v1;
	v14 =	vld [tilespmem:s30+$0x0];
	vm1 =	vmand vm1, vm7  }
.LBB2_6:
0x2b4: {  	v22 =	vsel vm1, $0x1, v3;
	vm8 =	vmand vm8, vm9  }
0x2b5: {  	v18 =	vld [tilespmem:s6+$0xFFFFFFF0];
	s4 =	sadd.s32 $0x2, s4;
	v20, _, _ =	vpop (xrf0);
	[tilespmem:s29+$0x3000] =	vst.msk vm5, v17;
	v21 =	vmov v6;
	v6 =	vmov v7;
	vm7 =	vmmov vm6  }
0x2b6: {  	s31 =	sadd.s32 $0x20, s31;
	v7 =	vld [tilespmem:s6+$0x0];
	p0 =	slt.u32 s4, $0x7A;
	v17 =	vsel vm8, $0x1, v3;
	(xrf0) =	vadd.scan.msk.s32 $0xffff, v22;
	(v2sf) =	vpush v20, $0xF;
	v19, _, _ =	vpop (xrf0);
	[tilespmem:s29+$0x4080] =	vst.msk vm5, v13  }
.Ltmp8:
0x2b7: {  	v13 =	vmovc v10;
	v10 =	vmov v8;
	(xrf0) =	vadd.scan.msk.s32 $0xffff, v17;
	(v2sf) =	vpush v19, $0xF;
	v17 =	vld [tilespmem:s31+$0xFFFFFFF0];
	[tilespmem:s29+$0x5100] =	vst.msk vm5, v16;
	s10 =	spop (v2sf);
	(pc) =	sbr.rel @p0 .LBB2_6-.Ltmp8, $4  }
0x2b8: {  	s30 =	sadd.s32 $0x20, s30;
	vm6 =	vmmov vm3;
	vm3 =	vmmov vm0;
	v8 =	vmovc v12;
	vm0 =	vmmov vm8;
	s10 =	sadd.s32 s29, s10;
	s11 =	spop (v2sf)  }
0x2b9: {  	vm5 =	vmmov vm4;
	vm4 =	vmmov vm2;
	vm2 =	vmmov vm1;
	v16 =	vld [tilespmem:s30+$0xFFFFFFF0];
	[tilespmem:s10+$0x3000] =	vst.msk vm7, v15;
	s29 =	sadd.s32 s10, s11  }
0x2ba: {  	vm1 =	vge.s32 v18, v0;
	vm8 =	vlt.s32 v18, v1;
	v15 =	vld [tilespmem:s31+$0x0];
	[tilespmem:s10+$0x4080] =	vst.msk vm7, v11;
	v12 =	vmovc v18;
	v11 =	vmov v9  }
0x2bb: {  	s6 =	sadd.s32 $0x20, s6;
	v9 =	vmovc v21;
	vm1 =	vmand vm1, vm8;
	vm8 =	vge.s32 v7, v0;
	vm9 =	vlt.s32 v7, v1;
	[tilespmem:s10+$0x5100] =	vst.msk vm7, v14;
	v14 =	vld [tilespmem:s30+$0x0]  }
0x2bc: {  	v18 =	vsel vm1, $0x1, v3  }
0x2bd: {  	v19, _, _ =	vpop (xrf0);
	(xrf0) =	vadd.scan.msk.s32 $0xffff, v18  }
0x2be: {  	vm7 =	vmand vm8, vm9;
	(v2sf) =	vpush v19, $0xF  }
0x2bf: {  	v49 =	vsel vm7, $0x1, v3;
	v50, _, _ =	vpop (xrf0)  }
0x2c0: {  	[tilespmem:s29+$0x3000] =	vst.msk vm5, v17;
	s4 =	sadd.s32 $0x20, s31;
	(xrf0) =	vadd.scan.msk.s32 $0xffff, v49;
	(v2sf) =	vpush v50, $0xF  }
0x2c1: {  	s6 =	spop (v2sf);
	[tilespmem:s29+$0x4080] =	vst.msk vm5, v13;
	v51 =	vld [tilespmem:s4+$0xFFFFFFF0]  }
0x2c2: {  	vm6 =	vmmov vm6;
	s10 =	sadd.s32 $0x20, s30;
	s6 =	sadd.s32 s29, s6;
	[tilespmem:s29+$0x5100] =	vst.msk vm5, v16  }
0x2c3: {  	v52 =	vld [tilespmem:s10+$0xFFFFFFF0];
	[tilespmem:s6+$0x3000] =	vst.msk vm6, v15;
	v53, _, _ =	vpop (xrf0)  }
0x2c4: {  	s11 =	spop (v2sf);
	v54 =	vld [tilespmem:s4+$0x0];
	[tilespmem:s6+$0x4080] =	vst.msk vm6, v11;
	(v2sf) =	vpush v53, $0xF  }
0x2c5: {  	vm4 =	vmmov vm4;
	s4 =	sadd.s32 $0x20, s4;
	s11 =	sadd.s32 s6, s11;
	[tilespmem:s6+$0x5100] =	vst.msk vm6, v14  }
0x2c6: {  	v57 =	vld [tilespmem:s4+$0xFFFFFFF0];
	[tilespmem:s11+$0x3000] =	vst.msk vm4, v51;
	v55, _, _ =	vpop (xrf0)  }
0x2c7: {  	vm3 =	vmmov vm3;
	v56 =	vld [tilespmem:s10+$0x0];
	[tilespmem:s11+$0x4080] =	vst.msk vm4, v10;
	(v2sf) =	vpush v55, $0xF;
	s31 =	spop (v2sf)  }
0x2c8: {  	vm3 =	vmmov vm3;
	s10 =	sadd.s32 $0x20, s10;
	[tilespmem:s11+$0x5100] =	vst.msk vm4, v52;
	s6 =	sadd.s32 s11, s31  }
0x2c9: {  	vm2 =	vmmov vm2;
	v58 =	vld [tilespmem:s10+$0xFFFFFFF0];
	s13 =	spop (v2sf);
	[tilespmem:s6+$0x3000] =	vst.msk vm3, v54  }
0x2ca: {  	vm2 =	vmmov vm2;
	v59 =	vld [tilespmem:s4+$0x0];
	s11 =	sadd.s32 s6, s13;
	[tilespmem:s6+$0x4080] =	vst.msk vm3, v9  }
0x2cb: {  	s4 =	sadd.s32 $0x20, s4;
	[tilespmem:s11+$0x3000] =	vst.msk vm2, v57  }
0x2cc: {  	vm0 =	vmmov vm0;
	v61 =	vld [tilespmem:s4+$0xFFFFFFF0];
	[tilespmem:s6+$0x5100] =	vst.msk vm3, v56  }
0x2cd: {  	vm0 =	vmmov vm0;
	v60 =	vld [tilespmem:s10+$0x0];
	[tilespmem:s11+$0x4080] =	vst.msk vm2, v8;
	s19 =	spop (v2sf)  }
0x2ce: {  	vm13 =	vmmov vm1;
	vm0 =	vmmov vm0;
	s10 =	sadd.s32 $0x20, s10;
	[tilespmem:s11+$0x5100] =	vst.msk vm2, v58;
	s6 =	sadd.s32 s11, s19  }
0x2cf: {  	vm1 =	vmmov vm13;
	v62 =	vld [tilespmem:s10+$0xFFFFFFF0];
	s21 =	spop (v2sf);
	[tilespmem:s6+$0x3000] =	vst.msk vm0, v59  }
0x2d0: {  	vm1 =	vmmov vm1;
	v63 =	vld [tilespmem:s4+$0x0];
	s29 =	sadd.s32 s6, s21;
	[tilespmem:s6+$0x4080] =	vst.msk vm0, v6  }
0x2d1: {  	vm14 =	vmmov vm7;
	[tilespmem:s29+$0x3000] =	vst.msk vm1, v61  }
0x2d2: {  	vm15 =	vmmov vm14;
	v6 =	vld [tilespmem:s10+$0x0];
	[tilespmem:s6+$0x5100] =	vst.msk vm0, v60  }
0x2d3: {  	vm0 =	vmmov vm15;
	[tilespmem:s29+$0x4080] =	vst.msk vm1, v12;
	s30 =	spop (v2sf)  }
0x2d4: {  	vm0 =	vmmov vm0;
	[tilespmem:s29+$0x5100] =	vst.msk vm1, v62;
	s6 =	sadd.s32 s29, s30  }
0x2d5: {  	[tilespmem:s6+$0x3000] =	vst.msk vm0, v63  }
0x2d6: {  	s11 =	simm.s32 $0x1800;
	s31 =	spop (v2sf);
	[tilespmem:s6+$0x4080] =	vst.msk vm0, v7  }
0x2d7: {  	s10 =	simm.s32 $0x800;
	s4 =	sadd.s32 s6, s31;
	[tilespmem:s6+$0x5100] =	vst.msk vm0, v6;
	s6 =	simm.s32 $0x2800  }
.LBB2_11:
0x2d8: {  	v6 =	vld [tilespmem:s11+$0x7C0];
	_ =	sdelay $0x4  }
0x2d9: {  	vm0 =	vge.s32 v6, v0;
	vm1 =	vlt.s32 v6, v1  }
0x2da: {  	vm0 =	vmand vm0, vm1  }
0x2db: {  	v7 =	vsel vm0, $0x1, v3  }
0x2dc: {  	(xrf0) =	vadd.scan.msk.s32 $0xffff, v7;
	_ =	sdelay $0x5  }
0x2dd: {  	v7, _, _ =	vpop (xrf0)  }
0x2de: {  	(v2sf) =	vpush v7, $0xF;
	_ =	sdelay $0xe  }
0x2df: {  	v7 =	vld [tilespmem:s10+$0x7C0];
	s31 =	spop (v2sf)  }
0x2e0: {  	s29 =	sadd.s32 s4, s31  }
0x2e1: {  	v8 =	vld [tilespmem:s6+$0x7C0];
	p0 =	slt.s32 s29, $0x800  }
.Ltmp9:
0x2e2: {  	_ = 	snop;
	(pc) =	sbr.rel @p0 .LBB2_20-.Ltmp9, $4  }
0x2e3: {  	_ = 	snop  }
0x2e4: {  	[tilespmem:s4+$0x3000] =	vst.msk vm0, v7  }
0x2e5: {  	[tilespmem:s4+$0x4080] =	vst.msk vm0, v6  }
0x2e6: {  	[tilespmem:s4+$0x5100] =	vst.msk vm0, v8  }
0x2e7: {  	s4 =	sadd.s32 s9, s26  }
0x2e8: {  	s4 =	sshrl.u32 s4, $0x3  }
0x2e9: {  	s10 =	simm.s32 $0x0;
	s30 =	simm.s32 $0x3000;
	s6 =	sadd.s32 s3, s4  }
0x2ea: {  	[hbm4b:s6+s10] =	stream.linear.scatter [tilespmem:s30], [sflag:$0x3], $0x800, $0x38;
	[tilespmem:$0x7780] =	vst v63  }
0x2eb: {  	_ =	swait.ge [sflag:s17], $0x800  }
0x2ec: {  	s31 =	simm.s32 $0x4080;
	[sflag:s17] =	ssyncset.done $0x0  }
0x2ed: {  	s21 =	sadd.s32 $0xFFFFF80F, s29;
	s13 =	sadd.s32 s5, s4;
	[sflag:s17] =	ssyncadd.s32 $0xFFFFF800  }
0x2ee: {  	[hbm4b:s13+s10] =	stream.linear.scatter [tilespmem:s31], [sflag:$0x3], $0x800, $0x38;
	[tilespmem:$0x7780] =	vst v63  }
0x2ef: {  	s11 =	sshrl.u32 s21, $0x4;
	_ =	swait.ge [sflag:s17], $0x800  }
0x2f0: {  	s19 =	sadd.s32 s7, s4;
	p0 =	seq.s32 s11, $0x0;
	[sflag:s17] =	ssyncset.done $0x0  }
.Ltmp10:
0x2f1: {  	s4 =	simm.s32 $0x5100;
	[sflag:s17] =	ssyncadd.s32 $0xFFFFF800;
	(pc) =	sbr.rel @p0 .LBB2_19-.Ltmp10, $4  }
0x2f2: {  	[hbm4b:s19+s10] =	stream.linear.scatter [tilespmem:s4], [sflag:$0x3], $0x800, $0x38;
	[tilespmem:$0x7780] =	vst v63  }
0x2f3: {  	_ =	swait.ge [sflag:s17], $0x800  }
0x2f4: {  	[sflag:s17] =	ssyncset.done $0x0  }
0x2f5: {  	[sflag:s17] =	ssyncadd.s32 $0xFFFFF800  }
0x2f6: {  	p1 =	sne.s32 s11, $0x1  }
.Ltmp11:
0x2f7: {  	_ = 	snop;
	(pc) =	sbr.rel @!p1 .LBB2_14-.Ltmp11, $2  }
0x2f8: {  	_ =	sdelay $0x2  }
0x2f9: {  	s6 =	sand.u32 $0xFFFFFFF0, s10;
	s11 =	sadd.s32 $0xFFFFFFFF, s11;
	p0 =	por $0x0, $0x0  }
0x2fa: {  	v6 =	vld [tilespmem:s6+$0x3800];
	_ =	sdelay $0x4  }
0x2fb: {  	[tilespmem:s30+$0x0] =	vst v6  }
0x2fc: {  	v6 =	vld [tilespmem:s6+$0x4880];
	_ =	sdelay $0x4  }
0x2fd: {  	[tilespmem:s31+$0x0] =	vst v6  }
0x2fe: {  	p1 =	sne.s32 s11, $0x1;
	v6 =	vld [tilespmem:s6+$0x5900]  }
.Ltmp12:
0x2ff: {  	_ = 	snop;
	(pc) =	sbr.rel @!p1 .LBB2_16-.Ltmp12, $4  }
0x300: {  	_ = 	snop  }
0x301: {  	s10 =	sadd.s32 $0x10, s10  }
0x302: {  	s11 =	sadd.s32 $0xFFFFFFFF, s11;
	p0 =	por $0x1, $0x1;
	s13 =	simm.s32 $0x3000  }
0x303: {  	s21 =	simm.s32 $0x4080;
	s19 =	simm.s32 $0x5100;
	s6 =	sand.u32 $0xFFFFFFF0, s10;
	[tilespmem:s4+$0x0] =	vst v6  }
.LBB2_17:
0x304: {  	p1 =	sne.s32 s11, $0x1;
	v6 =	vld [tilespmem:s6+$0x3800];
	_ =	sdelay $0x3  }
0x305: {  	s13 =	sadd.s32 $0x10, s13  }
0x306: {  	[tilespmem:s13+$0x0] =	vst v6  }
0x307: {  	v6 =	vld [tilespmem:s6+$0x4880];
	_ =	sdelay $0x3  }
0x308: {  	s21 =	sadd.s32 $0x10, s21  }
0x309: {  	[tilespmem:s21+$0x0] =	vst v6  }
0x30a: {  	v6 =	vld [tilespmem:s6+$0x5900]  }
.Ltmp13:
0x30b: {  	(pc) =	sbr.rel @p1 .LBB2_17-.Ltmp13, $3  }
0x30c: {  	_ =	sdelay $0x1  }
0x30d: {  	s10 =	sadd.s32 $0x10, s10;
	s19 =	sadd.s32 $0x10, s19  }
0x30e: {  	s11 =	sadd.s32 $0xFFFFFFFF, s11;
	s6 =	sand.u32 $0xFFFFFFF0, s10;
	[tilespmem:s19+$0x0] =	vst v6  }
.Ltmp14:
0x30f: {  	_ = 	snop;
	(pc) =	sbr.rel .LBB2_18-.Ltmp14, $1  }
0x310: {  	_ =	sdelay $0x3  }
.LBB2_16:
.Ltmp15:
0x311: {  	(pc) =	sbr.rel .LBB2_18-.Ltmp15, $2  }
0x312: {  	_ =	sdelay $0x2  }
0x313: {  	s13 =	simm.s32 $0x3000;
	s21 =	simm.s32 $0x4080;
	s19 =	simm.s32 $0x5100  }
.LBB2_21:
0x314: {  	s4 =	ssub.s32 $0x0, s29  }
0x315: {  	s4 =	sand.u32 $0x3F, s4  }
0x316: {  	s28 =	sadd.s32 s29, s4  }
0x317: {  	[tilespmem:s29+$0x3000] =	vst v3;
	s4 =	sand.u32 $0x3F, s28  }
0x318: {  	[tilespmem:s29+$0x4080] =	vst v0;
	s6 =	sshra.s32 s28, $0x1F;
	p0 =	slt.s32 s28, $0x1;
	p1 =	sne.s32 s4, $0x0  }
0x319: {  	[tilespmem:s29+$0x5100] =	vst v4;
	s31 =	sshrl.u32 s6, $0x1A;
	p0 =	por !p0, !p1  }
0x31a: {  	[tilespmem:s29+$0x3010] =	vst v3;
	s6 =	simm.s32 $0x1;
	s4 =	sadd.s32 s31, s28;
	p0 =	por !p0, !p0  }
0x31b: {  	[tilespmem:s29+$0x4090] =	vst v0;
	s4 =	sshra.s32 s4, $0x6;
	s6 =	simm.s32 @!p0 $0x0  }
0x31c: {  	[tilespmem:s29+$0x5110] =	vst v4;
	s6 =	ssub.s32 s4, s6  }
0x31d: {  	[tilespmem:s29+$0x3020] =	vst v3;
	p0 =	slt.s32 s6, $0x1  }
.Ltmp16:
0x31e: {  	[tilespmem:s29+$0x40A0] =	vst v0;
	(pc) =	sbr.rel @p0 .LBB2_28-.Ltmp16, $4  }
0x31f: {  	[tilespmem:s29+$0x5120] =	vst v4  }
0x320: {  	[tilespmem:s29+$0x3030] =	vst v3  }
0x321: {  	[tilespmem:s29+$0x40B0] =	vst v0  }
0x322: {  	[tilespmem:s29+$0x5130] =	vst v4  }
0x323: {  	p1 =	sne.s32 s6, $0x1  }
.Ltmp17:
0x324: {  	_ = 	snop;
	(pc) =	sbr.rel @!p1 .LBB2_23-.Ltmp17, $4  }
0x325: {  	_ = 	snop  }
0x326: {  	s4 =	rddreg [dreg:$0xb];
	s29 =	simm.s32 $0x3000  }
0x327: {  	s30 =	simm.s32 $0x4080;
	s6 =	sadd.s32 $0xFFFFFFFF, s6;
	s10 =	sadd.s32 s26, s4  }
0x328: {  	p0 =	por $0x0, $0x0;
	s4 =	simm.s32 $0x5100;
	s31 =	sshrl.u32 s10, $0x3  }
0x329: {  	s11 =	sadd.s32 s3, s31  }
0x32a: {  	[hbm4b:s11+s8] =	stream.linear.scatter [tilespmem:s29], [sflag:$0x3], $0x40, $0x38;
	[tilespmem:$0x7780] =	vst v63  }
0x32b: {  	_ =	swait.ge [sflag:s17], $0x40  }
0x32c: {  	[sflag:s17] =	ssyncset.done $0x0  }
0x32d: {  	s19 =	sadd.s32 s5, s31;
	[sflag:s17] =	ssyncadd.s32 $0xFFFFFFC0  }
0x32e: {  	[hbm4b:s19+s8] =	stream.linear.scatter [tilespmem:s30], [sflag:$0x3], $0x40, $0x38;
	[tilespmem:$0x7780] =	vst v63  }
0x32f: {  	p1 =	sne.s32 s6, $0x1;
	s21 =	sadd.s32 s7, s31;
	_ =	swait.ge [sflag:s17], $0x40  }
.Ltmp18:
0x330: {  	s6 =	sadd.s32 $0xFFFFFFFF, s6;
	[sflag:s17] =	ssyncset.done $0x0;
	(pc) =	sbr.rel @!p1 .LBB2_25-.Ltmp18, $4  }
0x331: {  	s13 =	sadd.s32 $0x40, s10;
	p0 =	por $0x1, $0x1;
	[sflag:s17] =	ssyncadd.s32 $0xFFFFFFC0  }
0x332: {  	[hbm4b:s21+s8] =	stream.linear.scatter [tilespmem:s4], [sflag:$0x3], $0x40, $0x38;
	[tilespmem:$0x7780] =	vst v63  }
0x333: {  	s31 =	sshrl.u32 s13, $0x3;
	s30 =	simm.s32 $0x40C0;
	_ =	swait.ge [sflag:s17], $0x40  }
0x334: {  	s19 =	simm.s32 $0x3000;
	s4 =	simm.s32 $0x5140;
	[sflag:s17] =	ssyncset.done $0x0  }
.LBB2_26:
0x335: {  	s10 =	sadd.s32 s3, s31;
	[sflag:s17] =	ssyncadd.s32 $0xFFFFFFC0;
	s19 =	sadd.s32 $0x40, s19  }
0x336: {  	[hbm4b:s10+s8] =	stream.linear.scatter [tilespmem:s19], [sflag:$0x3], $0x40, $0x38;
	[tilespmem:$0x7780] =	vst v63  }
0x337: {  	p1 =	sne.s32 s6, $0x1;
	s6 =	sadd.s32 $0xFFFFFFFF, s6;
	_ =	swait.ge [sflag:s17], $0x40  }
0x338: {  	[sflag:s17] =	ssyncset.done $0x0  }
0x339: {  	s10 =	sadd.s32 s5, s31;
	[sflag:s17] =	ssyncadd.s32 $0xFFFFFFC0  }
0x33a: {  	[hbm4b:s10+s8] =	stream.linear.scatter [tilespmem:s30], [sflag:$0x3], $0x40, $0x38;
	[tilespmem:$0x7780] =	vst v63  }
0x33b: {  	_ =	swait.ge [sflag:s17], $0x40  }
.Ltmp19:
0x33c: {  	[sflag:s17] =	ssyncset.done $0x0;
	(pc) =	sbr.rel @p1 .LBB2_26-.Ltmp19, $4  }
0x33d: {  	s10 =	sadd.s32 s7, s31;
	[sflag:s17] =	ssyncadd.s32 $0xFFFFFFC0  }
0x33e: {  	[hbm4b:s10+s8] =	stream.linear.scatter [tilespmem:s4], [sflag:$0x3], $0x40, $0x38;
	[tilespmem:$0x7780] =	vst v63  }
0x33f: {  	s13 =	sadd.s32 $0x40, s13;
	s4 =	sadd.s32 $0x40, s4;
	_ =	swait.ge [sflag:s17], $0x40  }
0x340: {  	s31 =	sshrl.u32 s13, $0x3;
	s30 =	sadd.s32 $0x40, s30;
	[sflag:s17] =	ssyncset.done $0x0  }
.LBB2_27:
0x341: {  	s6 =	sadd.s32 @p0 $0x40, s19  }
0x342: {  	s10 =	sadd.s32 s3, s31;
	[sflag:s17] =	ssyncadd.s32 @p0 $0xFFFFFFC0;
	s29 =	smov.u32 @p0 s6  }
0x343: {  	[hbm4b:s10+s8] =	stream.linear.scatter [tilespmem:s29], [sflag:$0x3], $0x40, $0x38;
	[tilespmem:$0x7780] =	vst v63  }
0x344: {  	_ =	swait.ge [sflag:s17], $0x40  }
0x345: {  	[sflag:s17] =	ssyncset.done $0x0  }
0x346: {  	s29 =	sadd.s32 s5, s31;
	[sflag:s17] =	ssyncadd.s32 $0xFFFFFFC0  }
0x347: {  	[hbm4b:s29+s8] =	stream.linear.scatter [tilespmem:s30], [sflag:$0x3], $0x40, $0x38;
	[tilespmem:$0x7780] =	vst v63  }
0x348: {  	_ =	swait.ge [sflag:s17], $0x40  }
0x349: {  	[sflag:s17] =	ssyncset.done $0x0  }
0x34a: {  	s31 =	sadd.s32 s7, s31;
	[sflag:s17] =	ssyncadd.s32 $0xFFFFFFC0  }
0x34b: {  	[hbm4b:s31+s8] =	stream.linear.scatter [tilespmem:s4], [sflag:$0x3], $0x40, $0x38;
	[tilespmem:$0x7780] =	vst v63  }
0x34c: {  	_ =	swait.ge [sflag:s17], $0x40  }
0x34d: {  	[sflag:s17] =	ssyncset.done $0x0  }
0x34e: {  	[sflag:s17] =	ssyncadd.s32 $0xFFFFFFC0  }
.LBB2_28:
0x34f: {  	s4 =	sadd.s32 s28, s26  }
0x350: {  	v6 =	vmov s4  }
0x351: {  	s6 =	simm.s32 $0x0;
	s10 =	rddreg [dreg:$0x9];
	s11 =	simm.s32 $0x7700;
	[tilespmem:$0x7700] =	vst v6  }
0x352: {  	[hbm4b:s10+s6] =	stream.linear.scatter [tilespmem:s11], [sflag:$0x3], $0x10, $0x38;
	[tilespmem:$0x7780] =	vst v63  }
0x353: {  	_ =	swait.ge [sflag:s17], $0x10  }
0x354: {  	[sflag:s17] =	ssyncset.done $0x0  }
0x355: {  	s6 =	simm.s32 $0x40;
	s10 =	simm.s32 $0x0;
	[sflag:s17] =	ssyncadd.s32 $0xFFFFFFF0  }
.LBB2_29:
0x356: {  	p0 =	sne.s32 s6, $0x4FC0;
	[tilespmem:s10+$0x6180] =	vst v4;
	s10 =	smov.u32 s6;
	s6 =	sadd.s32 $0x40, s6  }
.Ltmp20:
0x357: {  	(pc) =	sbr.rel @p0 .LBB2_29-.Ltmp20, $2  }
0x358: {  	_ =	sdelay $0x2  }
0x359: {  	s10 =	sshra.s32 s10, $0x2  }
0x35a: {  	s4 =	sadd.s32 $0x7CF, s4  }
0x35b: {  	p0 =	slt.s32 s4, $0x7D0  }
.Ltmp21:
0x35c: {  	_ = 	snop;
	(pc) =	sbr.rel @p0 .LBB2_35-.Ltmp21, $2  }
0x35d: {  	_ =	sdelay $0x2  }
0x35e: {  	[tilespmem:s10+$0x6180] =	vst v4  }
0x35f: {  	s6 =	smulhi.u32 $0x10624DD3, s4;
	s31 =	sshra.s32 s4, $0x1F  }
0x360: {  	s4 =	smul.u32 $0x10624DD3, s31;
	_ =	sdelay $0x1  }
0x361: {  	s4 =	sadd.s32 s4, s6  }
0x362: {  	s26 =	simm.s32 $0x0;
	s6 =	sshrl.u32 s4, $0x1F;
	s4 =	sshra.s32 s4, $0x7  }
0x363: {  	s28 =	simm.s32 $0x0;
	s29 =	simm.s32 $0x0;
	s4 =	sadd.s32 s6, s4  }
.LBB2_32:
0x364: {  	s6 =	smul.u32 $0x7D0, s29;
	_ =	sdelay $0x1  }
0x365: {  	s6 =	sadd.s32 s9, s6  }
0x366: {  	s6 =	sshrl.u32 s6, $0x3  }
0x367: {  	s10 =	sadd.s32 s5, s6  }
0x368: {  	[tilespmem:s14], [sflag:$0x3] =	stream.linear.gather [hbm4b:s10+s26], $0x7D0, $0x38;
	[tilespmem:$0x7780] =	vst v63  }
0x369: {  	_ =	swait.ge [sflag:s17], $0x7D0  }
0x36a: {  	[sflag:s17] =	ssyncset.done $0x0  }
0x36b: {  	s6 =	sadd.s32 s7, s6;
	[sflag:s17] =	ssyncadd.s32 $0xFFFFF830  }
0x36c: {  	[tilespmem:s15], [sflag:$0x3] =	stream.linear.gather [hbm4b:s6+s26], $0x7D0, $0x38;
	[tilespmem:$0x7780] =	vst v63  }
0x36d: {  	_ =	swait.ge [sflag:s17], $0x7D0  }
0x36e: {  	[sflag:s17] =	ssyncset.done $0x0  }
0x36f: {  	s31 =	simm.s32 $0x0;
	[sflag:s17] =	ssyncadd.s32 $0xFFFFF830  }
0x370: {  	v7 =	vld [tilespmem:s31+$0x1000];
	_ =	sdelay $0x4  }
0x371: {  	v7 =	vsub.s32 v7, v0  }
0x372: {  	vm0 =	vgt.s32 v7, $0x0  }
0x373: {  	v7 =	vnsel vm0, $0x0, v7  }
0x374: {  	v8 =	vld [tilespmem:s31+$0x2000];
	v7 =	vmin.u32 v7, $0x13F  }
0x375: {  	v7 =	vadd.s32 v5, v7;
	_ =	sdelay $0x1  }
0x376: {  	v9 =	vor.u32 s28, v2  }
0x377: {  	vm15 =	vlt.s32 v9, v6  }
0x378: {  	v8 =	vnsel vm15, $0x0, v8  }
0x379: {  	s11 =	simm.s32 $0x10;
	s10 =	simm.s32 $0x80;
	s6 =	smov.u32 s28;
	[tilespmem:v7+s20+$0x0] =	vst.idx.add.f32.msk $0xffff, v8  }
.LBB2_33:
0x37a: {  	p0 =	sne.s32 s10, $0x1F00;
	v7 =	vld [tilespmem:s11+$0x1000];
	_ =	sdelay $0x4  }
0x37b: {  	v7 =	vsub.s32 v7, v0  }
0x37c: {  	vm0 =	vgt.s32 v7, $0x0  }
0x37d: {  	v7 =	vnsel vm0, $0x0, v7  }
0x37e: {  	v7 =	vmin.u32 v7, $0x13F;
	v8 =	vld [tilespmem:s11+$0x2000]  }
0x37f: {  	v7 =	vadd.s32 v5, v7  }
.Ltmp22:
0x380: {  	s6 =	sadd.s32 $0x10, s6;
	(pc) =	sbr.rel @p0 .LBB2_33-.Ltmp22, $4  }
0x381: {  	v9 =	vor.u32 s6, v2  }
0x382: {  	vm0 =	vlt.s32 v9, v6  }
0x383: {  	v8 =	vnsel vm0, $0x0, v8  }
0x384: {  	s11 =	sshra.s32 s10, $0x2;
	s10 =	sadd.s32 $0x40, s10;
	[tilespmem:v7+s20+$0x0] =	vst.idx.add.f32.msk $0xffff, v8  }
0x385: {  	v7 =	vld [tilespmem:s11+$0x1000];
	_ =	sdelay $0x4  }
0x386: {  	v7 =	vsub.s32 v7, v0  }
0x387: {  	vm0 =	vgt.s32 v7, $0x0  }
0x388: {  	v7 =	vnsel vm0, $0x0, v7  }
0x389: {  	v8 =	vld [tilespmem:s11+$0x2000];
	s29 =	sadd.s32 $0x1, s29;
	v7 =	vmin.u32 v7, $0x13F  }
0x38a: {  	p0 =	sne.s32 s29, s4;
	v7 =	vadd.s32 v5, v7  }
.Ltmp23:
0x38b: {  	s6 =	sadd.s32 $0x10, s6;
	(pc) =	sbr.rel @p0 .LBB2_32-.Ltmp23, $4  }
.Ltmp24:
0x38c: {  	v9 =	vor.u32 s6, v2;
	(pc) =	sbr.rel @!p0 .LBB2_35-.Ltmp24, $4  }
0x38d: {  	vm15 =	vlt.s32 v9, v6  }
0x38e: {  	v8 =	vnsel vm15, $0x0, v8  }
0x38f: {  	s28 =	sadd.s32 $0x7D0, s28;
	[tilespmem:v7+s20+$0x0] =	vst.idx.add.f32.msk $0xffff, v8  }
0x390: {  	_ = 	snop  }
.LBB2_23:
.Ltmp25:
0x391: {  	(pc) =	sbr.rel .LBB2_27-.Ltmp25, $2  }
0x392: {  	_ =	sdelay $0x2  }
0x393: {  	s19 =	simm.s32 $0x3000  }
.LBB2_25:
.Ltmp26:
0x394: {  	(pc) =	sbr.rel .LBB2_27-.Ltmp26, $2  }
0x395: {  	_ =	sdelay $0x2  }
0x396: {  	s19 =	simm.s32 $0x3000  }
.LBB2_36:
0x397: {  	_ =	sfence.sel $0x180000  }
0x398: {  	[bflag:$0x0] =	sbarrier.arrive $0xFFFF  }
0x399: {  	_ =	strace $0x90000047  }
0x39a: {  	s0 =	stileid.u32;
	[bflag:$0x2] =	sbarrier.arrive $0xFFFF  }
0x39b: {  	p0 =	sne.s32 s0, $0x0;
	s0 =	rddreg [dreg:$0x8]  }
0x39c: {  	s0 =	sadd.s32 @!p0 $0x100000, s0  }
0x39d: {  	[sflag:s0] =	ssyncadd.tile.s32 @!p0 $0x1;
	_ =	shalt  }
.Lfunc_end2:
_tile_overlayer_lowered:
.L_overlay_start_2:
0x39e: {  	(tag) =	ssettag $0x2  }
0x39f: {  	s0 =	rddreg [dreg:$0x0];
	s2 =	stileid.u32  }
0x3a0: {  	s1 =	rddreg [dreg:$0x1];
	p0 =	sne.s32 s2, $0x0  }
0x3a1: {  	s3 =	rddreg [dreg:$0x2];
	[bflag:$0x3] =	sbarrier.arrive $0xFFFF;
	s2 =	simm.s32 @!p0 $0x1C03  }
0x3a2: {  	[timem:s3], [sflag:s2] =	dma.local @!p0 [hbm:s0], s1  }
0x3a3: {  	s0 =	simm.s32 @!p0 $0x3  }
0x3a4: {  	_ =	swait.ge @!p0 [sflag:s0], s1  }
0x3a5: {  	s1 =	ssub.s32 @!p0 $0x0, s1;
	[sflag:s0] =	ssyncset.done @!p0 $0x0  }
0x3a6: {  	[sflag:s0] =	ssyncadd.s32 @!p0 s1  }
0x3a7: {  	[bflag:$0x3] =	sbarrier.arrive $0xFFFF  }
0x3a8: {  	_ =	shalt  }

</sc_bundles>
